<compile_context>
chip_gen: v7x
topology: tpu7x:2x2x1
jax: 0.10.2.dev20260603
libtpu: 0.0.44.dev20260713+nightly
codegen_flags: <defaults>
</compile_context>

<pallas_src>
import jax
import jax.numpy as jnp
from jax import lax
from jax.experimental import pallas as pl
from jax.experimental.pallas import tpu as pltpu
from jax.experimental.pallas import tpu_sc as plsc

N = 10000
H = 128
A = 11
E = 320000

NC = 2
NS = 16
NW = NC * NS
CHUNK = 80
NCHUNK = 125
EW = CHUNK * NCHUNK
DBITS = 14
ACC_ROWS = N
OUT_STRIDE = 624
OUT_SPAN = 640

BM = 1000
NB = N // BM



def _transform_body(h_ref, w_ref, out_ref):
    out_ref[0] = jnp.dot(h_ref[...].astype(jnp.bfloat16), w_ref[0],
                         preferred_element_type=jnp.float32)


def _tc_transform(h):
    def call(w):
        return pl.pallas_call(
            _transform_body,
            grid=(NB, A),
            in_specs=[
                pl.BlockSpec((BM, H), lambda i, t: (i, 0)),
                pl.BlockSpec((1, H, H), lambda i, t: (t, 0, 0)),
            ],
            out_specs=pl.BlockSpec((1, BM, H), lambda i, t: (t, i, 0)),
            out_shape=jax.ShapeDtypeStruct((A, N, H), jnp.float32),
        )(h, w)
    return call


def _combine_transform_body(p_ref, b_ref, w_ref, out_ref):
    h = jax.nn.relu(p_ref[0] + p_ref[1] + b_ref[0])
    out_ref[0] = jnp.dot(h.astype(jnp.bfloat16), w_ref[0],
                         preferred_element_type=jnp.float32)


def _tc_combine_transform(p, b, w):
    return pl.pallas_call(
        _combine_transform_body,
        grid=(NB, A),
        in_specs=[
            pl.BlockSpec((2, BM, H), lambda i, t: (0, i, 0)),
            pl.BlockSpec((1, H), lambda i, t: (0, 0)),
            pl.BlockSpec((1, H, H), lambda i, t: (t, 0, 0)),
        ],
        out_specs=pl.BlockSpec((1, BM, H), lambda i, t: (t, i, 0)),
        out_shape=jax.ShapeDtypeStruct((A, N, H), jnp.float32),
    )(p, b, w)


def _final_body(p_ref, b_ref, wa_ref, ba_ref, out_ref):
    h = jax.nn.relu(p_ref[0] + p_ref[1] + b_ref[0])
    out_ref[...] = jnp.dot(h.astype(jnp.bfloat16), wa_ref[...],
                           preferred_element_type=jnp.float32) + ba_ref[0]


def _tc_final(p, b, w_add, b_add):
    return pl.pallas_call(
        _final_body,
        grid=(NB,),
        in_specs=[
            pl.BlockSpec((2, BM, H), lambda i: (0, i, 0)),
            pl.BlockSpec((1, H), lambda i: (0, 0)),
            pl.BlockSpec((H, H), lambda i: (0, 0)),
            pl.BlockSpec((1, H), lambda i: (0, 0)),
        ],
        out_specs=pl.BlockSpec((BM, H), lambda i: (i, 0)),
        out_shape=jax.ShapeDtypeStruct((N, H), jnp.float32),
    )(p, b, w_add, b_add)



NBUF = 3
NOUTER = NCHUNK // NBUF
NTAIL = NCHUNK - NBUF * NOUTER


def _sc_body(table, pidx, zeros, out,
             pv, gslot, dslot, r0, r1, r2, acc, gsem, ssem):
    rows = (r0, r1, r2)
    c = lax.axis_index("c")
    s = lax.axis_index("s")
    wid = s * NC + c

    pltpu.sync_copy(zeros, acc.at[pl.ds(s * OUT_STRIDE, OUT_SPAN)])
    pltpu.sync_copy(pidx.at[wid], pv)
    plsc.subcore_barrier()

    def unpack(j, b):
        for k in range(CHUNK // 16):
            sl = pl.ds(k * 16, 16)
            p = pv[j, sl]
            gslot[b, sl] = jax.lax.shift_right_logical(p, DBITS)
            dslot[b, sl] = jax.lax.bitwise_and(p, (1 << DBITS) - 1)

    for b in range(NBUF):
        unpack(b, b)
        pltpu.async_copy(table.at[gslot.at[b]], rows[b], gsem[b])

    def step(i, carry):
        bank = lax.bitwise_and(i, 1) * NBUF
        nxt = lax.bitwise_and(i + 1, 1) * NBUF
        for b in range(NBUF):
            pltpu.make_async_copy(table.at[gslot.at[bank + b]], rows[b],
                                  gsem[b]).wait()
            pltpu.async_copy(rows[b], acc.at[dslot.at[bank + b]], ssem[b],
                             add=True)
        for b in range(NBUF):
            j2 = i * NBUF + b + NBUF

            @pl.when(j2 < NCHUNK)
            def _():
                unpack(j2, nxt + b)
                pltpu.make_async_copy(rows[b], acc.at[dslot.at[bank + b]],
                                      ssem[b]).wait()
                pltpu.async_copy(table.at[gslot.at[nxt + b]], rows[b],
                                 gsem[b])
        return carry

    lax.fori_loop(0, NOUTER, step, 0)
    tb = (NOUTER % 2) * NBUF
    for t in range(NTAIL):
        pltpu.make_async_copy(table.at[gslot.at[tb + t]], rows[t],
                              gsem[t]).wait()
        pltpu.async_copy(rows[t], acc.at[dslot.at[tb + t]], ssem[t],
                         add=True)
    for b in range(NBUF):
        pltpu.make_async_copy(rows[b], acc.at[dslot.at[b]], ssem[b]).wait()
    plsc.subcore_barrier()

    pltpu.sync_copy(acc.at[pl.ds(s * OUT_STRIDE, OUT_SPAN)],
                    out.at[c, pl.ds(s * OUT_STRIDE, OUT_SPAN)])


_SC_MESH = plsc.VectorSubcoreMesh(core_axis_name="c", subcore_axis_name="s")

_sc_aggregate = pl.kernel(
    _sc_body,
    out_type=jax.ShapeDtypeStruct((NC, N, H), jnp.float32),
    mesh=_SC_MESH,
    scratch_types=[
        pltpu.VMEM((NCHUNK, CHUNK), jnp.int32),
        pltpu.VMEM((2 * NBUF, CHUNK), jnp.int32),
        pltpu.VMEM((2 * NBUF, CHUNK), jnp.int32),
        pltpu.VMEM((CHUNK, H), jnp.float32),
        pltpu.VMEM((CHUNK, H), jnp.float32),
        pltpu.VMEM((CHUNK, H), jnp.float32),
        pltpu.VMEM_SHARED((ACC_ROWS, H), jnp.float32),
        [pltpu.SemaphoreType.DMA] * NBUF,
        [pltpu.SemaphoreType.DMA] * NBUF,
    ],
)



def kernel(x, edge_index, edge_type, W1, b1, W2, b2, W_add, b_add):
    src = edge_index[0]
    dst = edge_index[1]

    pidx = (((edge_type * N + src) << DBITS) | dst).reshape(NW, NCHUNK, CHUNK)
    zeros = jnp.zeros((OUT_SPAN, H), jnp.float32)
    b1r = b1.reshape(1, H)
    b2r = b2.reshape(1, H)
    bar = b_add.reshape(1, H)

    w1h = W1.astype(jnp.bfloat16)
    w2h = W2.astype(jnp.bfloat16)
    wah = W_add.astype(jnp.bfloat16)

    table1 = _tc_transform(x)(w1h).reshape(A * N, H)
    p1 = _sc_aggregate(table1, pidx, zeros)
    table2 = _tc_combine_transform(p1, b1r, w2h).reshape(A * N, H)
    p2 = _sc_aggregate(table2, pidx, zeros)
    return _tc_final(p2, b2r, wah, bar)

# --- scband reference (transcript-rebuilt; emitter-appended) ---
"""Pipeline reference for scband-link-prediction-62414464746147 (READ-ONLY COPY).

The authoritative reference and input builder live on the scoring server;
editing this copy changes nothing except your own understanding.
"""

import jax, jax.numpy as jnp
import numpy as np

N = 10000
NFEAT = 128
NHID = 128
E = 320000
NUM_ADJS = 11


def setup_inputs(seed: int = 0) -> dict:
    key = jax.random.key(seed)
    ks = jax.random.split(key, 10)
    x = jax.random.normal(ks[0], (N, NFEAT), dtype=jnp.float32)
    edge_index = jax.random.randint(ks[1], (2, E), 0, N, dtype=jnp.int32)
    edge_type = jax.random.randint(ks[2], (E,), 0, NUM_ADJS, dtype=jnp.int32)
    # GraphConvolution layer 1 params: one weight per adjacency (multi-relational)
    W1 = jax.random.normal(ks[3], (NUM_ADJS, NFEAT, NHID), dtype=jnp.float32) * 0.05
    b1 = jnp.zeros((NHID,), dtype=jnp.float32)
    # GraphConvolution layer 2 params
    W2 = jax.random.normal(ks[4], (NUM_ADJS, NHID, NHID), dtype=jnp.float32) * 0.05
    b2 = jnp.zeros((NHID,), dtype=jnp.float32)
    # additional_layer (nn.Linear(out_dim, out_dim))
    W_add = jax.random.normal(ks[5], (NHID, NHID), dtype=jnp.float32) * 0.05
    b_add = jnp.zeros((NHID,), dtype=jnp.float32)
    return {"x": x, "edge_index": edge_index, "edge_type": edge_type,
            "W1": W1, "b1": b1, "W2": W2, "b2": b2, "W_add": W_add, "b_add": b_add}


def _graph_conv(h, src, dst, edge_type, W, b):
    # TIMME multi-relational GraphConvolution:
    #   out = sum_i A_i @ (h @ W_i) + b  (attention_mode='none' -> uniform sum)
    # adjacencies given in COO form: edge e of type t contributes h[src[e]] @ W[t] to node dst[e]
    hid = jnp.einsum('nd,adh->anh', h, W)            # [A, N, H] per-relation transforms
    msgs = hid[edge_type, src]                        # gather: [E, H]
    agg = jax.ops.segment_sum(msgs, dst, num_segments=h.shape[0])  # scatter-add
    return agg + b


def reference(x, edge_index, edge_type, W1, b1, W2, b2, W_add, b_add):
    src = edge_index[0]
    dst = edge_index[1]
    # GCN_multirelation.forward (dropout=0.0, eval -> identity)
    x1 = jax.nn.relu(_graph_conv(x, src, dst, edge_type, W1, b1))
    x2 = jax.nn.relu(_graph_conv(x1, src, dst, edge_type, W2, b2))
    # skip_mode == 'none' -> embeddings = x2
    # LinkPrediction.forward: additional_layer linear
    emb = x2 @ W_add + b_add
    return emb

if __name__ == "__main__":
    import jax
    _d = setup_inputs()
    print(jax.jit(kernel)(*tuple(_d.values())))

</pallas_src>

<mosaic_0001>
#map = affine_map<(d0, d1) -> (0, 0)>
#map1 = affine_map<(d0, d1) -> (0, 0, 0)>
module attributes {stable_mosaic.version = 14 : i64} {
  func.func @_sc_body(%arg0: i32, %arg1: i32, %arg2: memref<110000x128xf32, #tpu.memory_space<hbm>>, %arg3: memref<32x125x80xi32, #tpu.memory_space<hbm>>, %arg4: memref<640x128xf32, #tpu.memory_space<hbm>>, %arg5: memref<2x10000x128xf32, #tpu.memory_space<hbm>>, %arg6: memref<125x80xi32, #tpu.memory_space<vmem>>, %arg7: memref<6x80xi32, #tpu.memory_space<vmem>>, %arg8: memref<6x80xi32, #tpu.memory_space<vmem>>, %arg9: memref<80x128xf32, #tpu.memory_space<vmem>>, %arg10: memref<80x128xf32, #tpu.memory_space<vmem>>, %arg11: memref<80x128xf32, #tpu.memory_space<vmem>>, %arg12: memref<10000x128xf32, #tpu.memory_space<vmem_shared>>, %arg13: memref<!tpu.dma_semaphore, #tpu.memory_space<semaphore_mem>>, %arg14: memref<!tpu.dma_semaphore, #tpu.memory_space<semaphore_mem>>, %arg15: memref<!tpu.dma_semaphore, #tpu.memory_space<semaphore_mem>>, %arg16: memref<!tpu.dma_semaphore, #tpu.memory_space<semaphore_mem>>, %arg17: memref<!tpu.dma_semaphore, #tpu.memory_space<semaphore_mem>>, %arg18: memref<!tpu.dma_semaphore, #tpu.memory_space<semaphore_mem>>) attributes {dimension_semantics = [#tpu.dimension_semantics<core_parallel>, #tpu.dimension_semantics<subcore_parallel>], iteration_bounds = array<i64: 2, 16>, scalar_prefetch = 0 : i64, scratch_operands = 13 : i64, tpu.core_type = #tpu.core_type<sc_vector_subcore>, window_params = [{transform_indices = #map}, {transform_indices = #map1}, {transform_indices = #map}, {transform_indices = #map1}]} {
    %mul3A = arith.constant 2 : i32
    %mul3A_0 = arith.muli %arg1, %mul3A : i32
    %add3A = arith.addi %mul3A_0, %arg0 : i32
    %mul3A_1 = arith.constant 624 : i32
    %mul3A_2 = arith.muli %arg1, %mul3A_1 : i32
    "tpu.region"() ({
      %run_scoped3A = tpu.sem_alloc : memref<!tpu.dma_semaphore, #tpu.memory_space<semaphore_mem>>
      %dma_start3A_422 = arith.constant 0 : i32
      %dma_start3A_423 = tpu.memref_slice %arg12[%mul3A_2, %dma_start3A_422] : memref<10000x128xf32, #tpu.memory_space<vmem_shared>> -> memref<640x128xf32, #tpu.memory_space<vmem_shared>>
      tpu.enqueue_dma source(%arg4 : memref<640x128xf32, #tpu.memory_space<hbm>>) target(%dma_start3A_423 : memref<640x128xf32, #tpu.memory_space<vmem_shared>>) target_semaphore(%run_scoped3A : memref<!tpu.dma_semaphore, #tpu.memory_space<semaphore_mem>>)
      %dma_wait3A_424 = arith.constant 0 : i32
      %dma_wait3A_425 = tpu.memref_slice %arg12[%mul3A_2, %dma_wait3A_424] : memref<10000x128xf32, #tpu.memory_space<vmem_shared>> -> memref<640x128xf32, #tpu.memory_space<vmem_shared>>
      tpu.wait_dma2 semaphore(%run_scoped3A : memref<!tpu.dma_semaphore, #tpu.memory_space<semaphore_mem>>) src(%arg4 : memref<640x128xf32, #tpu.memory_space<hbm>>) dst(%dma_wait3A_425 : memref<640x128xf32, #tpu.memory_space<vmem_shared>>)
      tpu.yield
    }) : () -> ()
    "tpu.region"() ({
      %run_scoped3A = tpu.sem_alloc : memref<!tpu.dma_semaphore, #tpu.memory_space<semaphore_mem>>
      %dma_start3A_422 = arith.constant 0 : i32
      %dma_start3A_423 = arith.constant 0 : i32
      %dma_start3A_424 = tpu.memref_slice %arg3[%add3A, %dma_start3A_422, %dma_start3A_423] : memref<32x125x80xi32, #tpu.memory_space<hbm>> -> memref<1x125x80xi32, #tpu.memory_space<hbm>>
      %dma_start3A_425 = tpu.memref_squeeze %dma_start3A_424 : memref<1x125x80xi32, #tpu.memory_space<hbm>> -> memref<125x80xi32, #tpu.memory_space<hbm>>
      %dma_start3A_426 = arith.constant 0 : i32
      %dma_start3A_427 = arith.constant 0 : i32
      %dma_start3A_428 = tpu.memref_slice %arg3[%add3A, %dma_start3A_426, %dma_start3A_427] : memref<32x125x80xi32, #tpu.memory_space<hbm>> -> memref<1x125x80xi32, #tpu.memory_space<hbm>>
      %dma_start3A_429 = tpu.memref_squeeze %dma_start3A_428 : memref<1x125x80xi32, #tpu.memory_space<hbm>> -> memref<125x80xi32, #tpu.memory_space<hbm>>
      tpu.enqueue_dma source(%dma_start3A_429 : memref<125x80xi32, #tpu.memory_space<hbm>>) target(%arg6 : memref<125x80xi32, #tpu.memory_space<vmem>>) target_semaphore(%run_scoped3A : memref<!tpu.dma_semaphore, #tpu.memory_space<semaphore_mem>>)
      %dma_wait3A_430 = arith.constant 0 : i32
      %dma_wait3A_431 = arith.constant 0 : i32
      %dma_wait3A_432 = tpu.memref_slice %arg3[%add3A, %dma_wait3A_430, %dma_wait3A_431] : memref<32x125x80xi32, #tpu.memory_space<hbm>> -> memref<1x125x80xi32, #tpu.memory_space<hbm>>
      %dma_wait3A_433 = tpu.memref_squeeze %dma_wait3A_432 : memref<1x125x80xi32, #tpu.memory_space<hbm>> -> memref<125x80xi32, #tpu.memory_space<hbm>>
      %dma_wait3A_434 = arith.constant 0 : i32
      %dma_wait3A_435 = arith.constant 0 : i32
      %dma_wait3A_436 = tpu.memref_slice %arg3[%add3A, %dma_wait3A_434, %dma_wait3A_435] : memref<32x125x80xi32, #tpu.memory_space<hbm>> -> memref<1x125x80xi32, #tpu.memory_space<hbm>>
      %dma_wait3A_437 = tpu.memref_squeeze %dma_wait3A_436 : memref<1x125x80xi32, #tpu.memory_space<hbm>> -> memref<125x80xi32, #tpu.memory_space<hbm>>
      tpu.wait_dma2 semaphore(%run_scoped3A : memref<!tpu.dma_semaphore, #tpu.memory_space<semaphore_mem>>) src(%dma_wait3A_437 : memref<125x80xi32, #tpu.memory_space<hbm>>) dst(%arg6 : memref<125x80xi32, #tpu.memory_space<vmem>>)
      tpu.yield
    }) : () -> ()
    %barrier3A = arith.constant 0 : index
    tpu.barrier barrier_id(%barrier3A)
    %get3A = arith.constant 0 : i32
    %get3A_3 = arith.index_cast %get3A : i32 to index
    %get3A_4 = arith.constant 0 : index
    %get3A_5 = tpu.vector_load %arg6[%get3A_3, %get3A_4] {strides = array<i32>} : memref<125x80xi32, #tpu.memory_space<vmem>>, vector<1x16xi32>,
    %get3A_6 = vector.shape_cast %get3A_5 : vector<1x16xi32> to vector<16xi32>
    %shift_right_logical3A = arith.constant 14 : i32
    %shift_right_logical3A_7 = vector.broadcast %shift_right_logical3A : i32 to vector<16xi32>
    %shift_right_logical3A_8 = arith.shrui %get3A_6, %shift_right_logical3A_7 : vector<16xi32>
    %swap3A = arith.constant 0 : i32
    %swap3A_9 = arith.index_cast %swap3A : i32 to index
    %swap3A_10 = arith.constant 0 : index
    %swap3A_11 = tpu.vector_load %arg7[%swap3A_9, %swap3A_10] {strides = array<i32>} : memref<6x80xi32, #tpu.memory_space<vmem>>, vector<1x16xi32>,
    %swap3A_12 = vector.shape_cast %swap3A_11 : vector<1x16xi32> to vector<16xi32>
    %swap3A_13 = vector.shape_cast %shift_right_logical3A_8 : vector<16xi32> to vector<1x16xi32>
    tpu.vector_store %arg7[%swap3A_9, %swap3A_10], %swap3A_13 {strides = array<i32>} : memref<6x80xi32, #tpu.memory_space<vmem>>, vector<1x16xi32>,
    %and3A = arith.constant 16383 : i32
    %and3A_14 = vector.broadcast %and3A : i32 to vector<16xi32>
    %and3A_15 = arith.andi %get3A_6, %and3A_14 : vector<16xi32>
    %swap3A_16 = arith.constant 0 : i32
    %swap3A_17 = arith.index_cast %swap3A_16 : i32 to index
    %swap3A_18 = arith.constant 0 : index
    %swap3A_19 = tpu.vector_load %arg8[%swap3A_17, %swap3A_18] {strides = array<i32>} : memref<6x80xi32, #tpu.memory_space<vmem>>, vector<1x16xi32>,
    %swap3A_20 = vector.shape_cast %swap3A_19 : vector<1x16xi32> to vector<16xi32>
    %swap3A_21 = vector.shape_cast %and3A_15 : vector<16xi32> to vector<1x16xi32>
    tpu.vector_store %arg8[%swap3A_17, %swap3A_18], %swap3A_21 {strides = array<i32>} : memref<6x80xi32, #tpu.memory_space<vmem>>, vector<1x16xi32>,
    %get3A_22 = arith.constant 0 : i32
    %get3A_23 = arith.index_cast %get3A_22 : i32 to index
    %get3A_24 = arith.constant 16 : index
    %get3A_25 = tpu.vector_load %arg6[%get3A_23, %get3A_24] {strides = array<i32>} : memref<125x80xi32, #tpu.memory_space<vmem>>, vector<1x16xi32>,
    %get3A_26 = vector.shape_cast %get3A_25 : vector<1x16xi32> to vector<16xi32>
    %shift_right_logical3A_27 = arith.constant 14 : i32
    %shift_right_logical3A_28 = vector.broadcast %shift_right_logical3A_27 : i32 to vector<16xi32>
    %shift_right_logical3A_29 = arith.shrui %get3A_26, %shift_right_logical3A_28 : vector<16xi32>
    %swap3A_30 = arith.constant 0 : i32
    %swap3A_31 = arith.index_cast %swap3A_30 : i32 to index
    %swap3A_32 = arith.constant 16 : index
    %swap3A_33 = tpu.vector_load %arg7[%swap3A_31, %swap3A_32] {strides = array<i32>} : memref<6x80xi32, #tpu.memory_space<vmem>>, vector<1x16xi32>,
    %swap3A_34 = vector.shape_cast %swap3A_33 : vector<1x16xi32> to vector<16xi32>
    %swap3A_35 = vector.shape_cast %shift_right_logical3A_29 : vector<16xi32> to vector<1x16xi32>
    tpu.vector_store %arg7[%swap3A_31, %swap3A_32], %swap3A_35 {strides = array<i32>} : memref<6x80xi32, #tpu.memory_space<vmem>>, vector<1x16xi32>,
    %and3A_36 = arith.constant 16383 : i32
    %and3A_37 = vector.broadcast %and3A_36 : i32 to vector<16xi32>
    %and3A_38 = arith.andi %get3A_26, %and3A_37 : vector<16xi32>
    %swap3A_39 = arith.constant 0 : i32
    %swap3A_40 = arith.index_cast %swap3A_39 : i32 to index
    %swap3A_41 = arith.constant 16 : index
    %swap3A_42 = tpu.vector_load %arg8[%swap3A_40, %swap3A_41] {strides = array<i32>} : memref<6x80xi32, #tpu.memory_space<vmem>>, vector<1x16xi32>,
    %swap3A_43 = vector.shape_cast %swap3A_42 : vector<1x16xi32> to vector<16xi32>
    %swap3A_44 = vector.shape_cast %and3A_38 : vector<16xi32> to vector<1x16xi32>
    tpu.vector_store %arg8[%swap3A_40, %swap3A_41], %swap3A_44 {strides = array<i32>} : memref<6x80xi32, #tpu.memory_space<vmem>>, vector<1x16xi32>,
    %get3A_45 = arith.constant 0 : i32
    %get3A_46 = arith.index_cast %get3A_45 : i32 to index
    %get3A_47 = arith.constant 32 : index
    %get3A_48 = tpu.vector_load %arg6[%get3A_46, %get3A_47] {strides = array<i32>} : memref<125x80xi32, #tpu.memory_space<vmem>>, vector<1x16xi32>,
    %get3A_49 = vector.shape_cast %get3A_48 : vector<1x16xi32> to vector<16xi32>
    %shift_right_logical3A_50 = arith.constant 14 : i32
    %shift_right_logical3A_51 = vector.broadcast %shift_right_logical3A_50 : i32 to vector<16xi32>
    %shift_right_logical3A_52 = arith.shrui %get3A_49, %shift_right_logical3A_51 : vector<16xi32>
    %swap3A_53 = arith.constant 0 : i32
    %swap3A_54 = arith.index_cast %swap3A_53 : i32 to index
    %swap3A_55 = arith.constant 32 : index
    %swap3A_56 = tpu.vector_load %arg7[%swap3A_54, %swap3A_55] {strides = array<i32>} : memref<6x80xi32, #tpu.memory_space<vmem>>, vector<1x16xi32>,
    %swap3A_57 = vector.shape_cast %swap3A_56 : vector<1x16xi32> to vector<16xi32>
    %swap3A_58 = vector.shape_cast %shift_right_logical3A_52 : vector<16xi32> to vector<1x16xi32>
    tpu.vector_store %arg7[%swap3A_54, %swap3A_55], %swap3A_58 {strides = array<i32>} : memref<6x80xi32, #tpu.memory_space<vmem>>, vector<1x16xi32>,
    %and3A_59 = arith.constant 16383 : i32
    %and3A_60 = vector.broadcast %and3A_59 : i32 to vector<16xi32>
    %and3A_61 = arith.andi %get3A_49, %and3A_60 : vector<16xi32>
    %swap3A_62 = arith.constant 0 : i32
    %swap3A_63 = arith.index_cast %swap3A_62 : i32 to index
    %swap3A_64 = arith.constant 32 : index
    %swap3A_65 = tpu.vector_load %arg8[%swap3A_63, %swap3A_64] {strides = array<i32>} : memref<6x80xi32, #tpu.memory_space<vmem>>, vector<1x16xi32>,
    %swap3A_66 = vector.shape_cast %swap3A_65 : vector<1x16xi32> to vector<16xi32>
    %swap3A_67 = vector.shape_cast %and3A_61 : vector<16xi32> to vector<1x16xi32>
    tpu.vector_store %arg8[%swap3A_63, %swap3A_64], %swap3A_67 {strides = array<i32>} : memref<6x80xi32, #tpu.memory_space<vmem>>, vector<1x16xi32>,
    %get3A_68 = arith.constant 0 : i32
    %get3A_69 = arith.index_cast %get3A_68 : i32 to index
    %get3A_70 = arith.constant 48 : index
    %get3A_71 = tpu.vector_load %arg6[%get3A_69, %get3A_70] {strides = array<i32>} : memref<125x80xi32, #tpu.memory_space<vmem>>, vector<1x16xi32>,
    %get3A_72 = vector.shape_cast %get3A_71 : vector<1x16xi32> to vector<16xi32>
    %shift_right_logical3A_73 = arith.constant 14 : i32
    %shift_right_logical3A_74 = vector.broadcast %shift_right_logical3A_73 : i32 to vector<16xi32>
    %shift_right_logical3A_75 = arith.shrui %get3A_72, %shift_right_logical3A_74 : vector<16xi32>
    %swap3A_76 = arith.constant 0 : i32
    %swap3A_77 = arith.index_cast %swap3A_76 : i32 to index
    %swap3A_78 = arith.constant 48 : index
    %swap3A_79 = tpu.vector_load %arg7[%swap3A_77, %swap3A_78] {strides = array<i32>} : memref<6x80xi32, #tpu.memory_space<vmem>>, vector<1x16xi32>,
    %swap3A_80 = vector.shape_cast %swap3A_79 : vector<1x16xi32> to vector<16xi32>
    %swap3A_81 = vector.shape_cast %shift_right_logical3A_75 : vector<16xi32> to vector<1x16xi32>
    tpu.vector_store %arg7[%swap3A_77, %swap3A_78], %swap3A_81 {strides = array<i32>} : memref<6x80xi32, #tpu.memory_space<vmem>>, vector<1x16xi32>,
    %and3A_82 = arith.constant 16383 : i32
    %and3A_83 = vector.broadcast %and3A_82 : i32 to vector<16xi32>
    %and3A_84 = arith.andi %get3A_72, %and3A_83 : vector<16xi32>
    %swap3A_85 = arith.constant 0 : i32
    %swap3A_86 = arith.index_cast %swap3A_85 : i32 to index
    %swap3A_87 = arith.constant 48 : index
    %swap3A_88 = tpu.vector_load %arg8[%swap3A_86, %swap3A_87] {strides = array<i32>} : memref<6x80xi32, #tpu.memory_space<vmem>>, vector<1x16xi32>,
    %swap3A_89 = vector.shape_cast %swap3A_88 : vector<1x16xi32> to vector<16xi32>
    %swap3A_90 = vector.shape_cast %and3A_84 : vector<16xi32> to vector<1x16xi32>
    tpu.vector_store %arg8[%swap3A_86, %swap3A_87], %swap3A_90 {strides = array<i32>} : memref<6x80xi32, #tpu.memory_space<vmem>>, vector<1x16xi32>,
    %get3A_91 = arith.constant 0 : i32
    %get3A_92 = arith.index_cast %get3A_91 : i32 to index
    %get3A_93 = arith.constant 64 : index
    %get3A_94 = tpu.vector_load %arg6[%get3A_92, %get3A_93] {strides = array<i32>} : memref<125x80xi32, #tpu.memory_space<vmem>>, vector<1x16xi32>,
    %get3A_95 = vector.shape_cast %get3A_94 : vector<1x16xi32> to vector<16xi32>
    %shift_right_logical3A_96 = arith.constant 14 : i32
    %shift_right_logical3A_97 = vector.broadcast %shift_right_logical3A_96 : i32 to vector<16xi32>
    %shift_right_logical3A_98 = arith.shrui %get3A_95, %shift_right_logical3A_97 : vector<16xi32>
    %swap3A_99 = arith.constant 0 : i32
    %swap3A_100 = arith.index_cast %swap3A_99 : i32 to index
    %swap3A_101 = arith.constant 64 : index
    %swap3A_102 = tpu.vector_load %arg7[%swap3A_100, %swap3A_101] {strides = array<i32>} : memref<6x80xi32, #tpu.memory_space<vmem>>, vector<1x16xi32>,
    %swap3A_103 = vector.shape_cast %swap3A_102 : vector<1x16xi32> to vector<16xi32>
    %swap3A_104 = vector.shape_cast %shift_right_logical3A_98 : vector<16xi32> to vector<1x16xi32>
    tpu.vector_store %arg7[%swap3A_100, %swap3A_101], %swap3A_104 {strides = array<i32>} : memref<6x80xi32, #tpu.memory_space<vmem>>, vector<1x16xi32>,
    %and3A_105 = arith.constant 16383 : i32
    %and3A_106 = vector.broadcast %and3A_105 : i32 to vector<16xi32>
    %and3A_107 = arith.andi %get3A_95, %and3A_106 : vector<16xi32>
    %swap3A_108 = arith.constant 0 : i32
    %swap3A_109 = arith.index_cast %swap3A_108 : i32 to index
    %swap3A_110 = arith.constant 64 : index
    %swap3A_111 = tpu.vector_load %arg8[%swap3A_109, %swap3A_110] {strides = array<i32>} : memref<6x80xi32, #tpu.memory_space<vmem>>, vector<1x16xi32>,
    %swap3A_112 = vector.shape_cast %swap3A_111 : vector<1x16xi32> to vector<16xi32>
    %swap3A_113 = vector.shape_cast %and3A_107 : vector<16xi32> to vector<1x16xi32>
    tpu.vector_store %arg8[%swap3A_109, %swap3A_110], %swap3A_113 {strides = array<i32>} : memref<6x80xi32, #tpu.memory_space<vmem>>, vector<1x16xi32>,
    %dma_start3A = arith.constant 0 : i32
    %dma_start3A_114 = arith.constant 0 : i32
    %dma_start3A_115 = tpu.memref_slice %arg7[%dma_start3A, %dma_start3A_114] : memref<6x80xi32, #tpu.memory_space<vmem>> -> memref<1x80xi32, #tpu.memory_space<vmem>>
    %dma_start3A_116 = tpu.memref_squeeze %dma_start3A_115 : memref<1x80xi32, #tpu.memory_space<vmem>> -> memref<80xi32, #tpu.memory_space<vmem>>
    %dma_start3A_117 = arith.constant 0 : i32
    %dma_start3A_118 = arith.constant 0 : i32
    %dma_start3A_119 = tpu.memref_slice %arg2[%dma_start3A_117, %dma_start3A_118] : memref<110000x128xf32, #tpu.memory_space<hbm>> -> memref<110000x128xf32, #tpu.memory_space<hbm>>
    tpu.enqueue_indirect_dma source(%dma_start3A_119 : memref<110000x128xf32, #tpu.memory_space<hbm>>) target(%arg9 : memref<80x128xf32, #tpu.memory_space<vmem>>) offsets(%dma_start3A_116 : memref<80xi32, #tpu.memory_space<vmem>>) semaphore(%arg13 : memref<!tpu.dma_semaphore, #tpu.memory_space<semaphore_mem>>)
    %get3A_120 = arith.constant 1 : i32
    %get3A_121 = arith.index_cast %get3A_120 : i32 to index
    %get3A_122 = arith.constant 0 : index
    %get3A_123 = tpu.vector_load %arg6[%get3A_121, %get3A_122] {strides = array<i32>} : memref<125x80xi32, #tpu.memory_space<vmem>>, vector<1x16xi32>,
    %get3A_124 = vector.shape_cast %get3A_123 : vector<1x16xi32> to vector<16xi32>
    %shift_right_logical3A_125 = arith.constant 14 : i32
    %shift_right_logical3A_126 = vector.broadcast %shift_right_logical3A_125 : i32 to vector<16xi32>
    %shift_right_logical3A_127 = arith.shrui %get3A_124, %shift_right_logical3A_126 : vector<16xi32>
    %swap3A_128 = arith.constant 1 : i32
    %swap3A_129 = arith.index_cast %swap3A_128 : i32 to index
    %swap3A_130 = arith.constant 0 : index
    %swap3A_131 = tpu.vector_load %arg7[%swap3A_129, %swap3A_130] {strides = array<i32>} : memref<6x80xi32, #tpu.memory_space<vmem>>, vector<1x16xi32>,
    %swap3A_132 = vector.shape_cast %swap3A_131 : vector<1x16xi32> to vector<16xi32>
    %swap3A_133 = vector.shape_cast %shift_right_logical3A_127 : vector<16xi32> to vector<1x16xi32>
    tpu.vector_store %arg7[%swap3A_129, %swap3A_130], %swap3A_133 {strides = array<i32>} : memref<6x80xi32, #tpu.memory_space<vmem>>, vector<1x16xi32>,
    %and3A_134 = arith.constant 16383 : i32
    %and3A_135 = vector.broadcast %and3A_134 : i32 to vector<16xi32>
    %and3A_136 = arith.andi %get3A_124, %and3A_135 : vector<16xi32>
    %swap3A_137 = arith.constant 1 : i32
    %swap3A_138 = arith.index_cast %swap3A_137 : i32 to index
    %swap3A_139 = arith.constant 0 : index
    %swap3A_140 = tpu.vector_load %arg8[%swap3A_138, %swap3A_139] {strides = array<i32>} : memref<6x80xi32, #tpu.memory_space<vmem>>, vector<1x16xi32>,
    %swap3A_141 = vector.shape_cast %swap3A_140 : vector<1x16xi32> to vector<16xi32>
    %swap3A_142 = vector.shape_cast %and3A_136 : vector<16xi32> to vector<1x16xi32>
    tpu.vector_store %arg8[%swap3A_138, %swap3A_139], %swap3A_142 {strides = array<i32>} : memref<6x80xi32, #tpu.memory_space<vmem>>, vector<1x16xi32>,
    %get3A_143 = arith.constant 1 : i32
    %get3A_144 = arith.index_cast %get3A_143 : i32 to index
    %get3A_145 = arith.constant 16 : index
    %get3A_146 = tpu.vector_load %arg6[%get3A_144, %get3A_145] {strides = array<i32>} : memref<125x80xi32, #tpu.memory_space<vmem>>, vector<1x16xi32>,
    %get3A_147 = vector.shape_cast %get3A_146 : vector<1x16xi32> to vector<16xi32>
    %shift_right_logical3A_148 = arith.constant 14 : i32
    %shift_right_logical3A_149 = vector.broadcast %shift_right_logical3A_148 : i32 to vector<16xi32>
    %shift_right_logical3A_150 = arith.shrui %get3A_147, %shift_right_logical3A_149 : vector<16xi32>
    %swap3A_151 = arith.constant 1 : i32
    %swap3A_152 = arith.index_cast %swap3A_151 : i32 to index
    %swap3A_153 = arith.constant 16 : index
    %swap3A_154 = tpu.vector_load %arg7[%swap3A_152, %swap3A_153] {strides = array<i32>} : memref<6x80xi32, #tpu.memory_space<vmem>>, vector<1x16xi32>,
    %swap3A_155 = vector.shape_cast %swap3A_154 : vector<1x16xi32> to vector<16xi32>
    %swap3A_156 = vector.shape_cast %shift_right_logical3A_150 : vector<16xi32> to vector<1x16xi32>
    tpu.vector_store %arg7[%swap3A_152, %swap3A_153], %swap3A_156 {strides = array<i32>} : memref<6x80xi32, #tpu.memory_space<vmem>>, vector<1x16xi32>,
    %and3A_157 = arith.constant 16383 : i32
    %and3A_158 = vector.broadcast %and3A_157 : i32 to vector<16xi32>
    %and3A_159 = arith.andi %get3A_147, %and3A_158 : vector<16xi32>
    %swap3A_160 = arith.constant 1 : i32
    %swap3A_161 = arith.index_cast %swap3A_160 : i32 to index
    %swap3A_162 = arith.constant 16 : index
    %swap3A_163 = tpu.vector_load %arg8[%swap3A_161, %swap3A_162] {strides = array<i32>} : memref<6x80xi32, #tpu.memory_space<vmem>>, vector<1x16xi32>,
    %swap3A_164 = vector.shape_cast %swap3A_163 : vector<1x16xi32> to vector<16xi32>
    %swap3A_165 = vector.shape_cast %and3A_159 : vector<16xi32> to vector<1x16xi32>
    tpu.vector_store %arg8[%swap3A_161, %swap3A_162], %swap3A_165 {strides = array<i32>} : memref<6x80xi32, #tpu.memory_space<vmem>>, vector<1x16xi32>,
    %get3A_166 = arith.constant 1 : i32
    %get3A_167 = arith.index_cast %get3A_166 : i32 to index
    %get3A_168 = arith.constant 32 : index
    %get3A_169 = tpu.vector_load %arg6[%get3A_167, %get3A_168] {strides = array<i32>} : memref<125x80xi32, #tpu.memory_space<vmem>>, vector<1x16xi32>,
    %get3A_170 = vector.shape_cast %get3A_169 : vector<1x16xi32> to vector<16xi32>
    %shift_right_logical3A_171 = arith.constant 14 : i32
    %shift_right_logical3A_172 = vector.broadcast %shift_right_logical3A_171 : i32 to vector<16xi32>
    %shift_right_logical3A_173 = arith.shrui %get3A_170, %shift_right_logical3A_172 : vector<16xi32>
    %swap3A_174 = arith.constant 1 : i32
    %swap3A_175 = arith.index_cast %swap3A_174 : i32 to index
    %swap3A_176 = arith.constant 32 : index
    %swap3A_177 = tpu.vector_load %arg7[%swap3A_175, %swap3A_176] {strides = array<i32>} : memref<6x80xi32, #tpu.memory_space<vmem>>, vector<1x16xi32>,
    %swap3A_178 = vector.shape_cast %swap3A_177 : vector<1x16xi32> to vector<16xi32>
    %swap3A_179 = vector.shape_cast %shift_right_logical3A_173 : vector<16xi32> to vector<1x16xi32>
    tpu.vector_store %arg7[%swap3A_175, %swap3A_176], %swap3A_179 {strides = array<i32>} : memref<6x80xi32, #tpu.memory_space<vmem>>, vector<1x16xi32>,
    %and3A_180 = arith.constant 16383 : i32
    %and3A_181 = vector.broadcast %and3A_180 : i32 to vector<16xi32>
    %and3A_182 = arith.andi %get3A_170, %and3A_181 : vector<16xi32>
    %swap3A_183 = arith.constant 1 : i32
    %swap3A_184 = arith.index_cast %swap3A_183 : i32 to index
    %swap3A_185 = arith.constant 32 : index
    %swap3A_186 = tpu.vector_load %arg8[%swap3A_184, %swap3A_185] {strides = array<i32>} : memref<6x80xi32, #tpu.memory_space<vmem>>, vector<1x16xi32>,
    %swap3A_187 = vector.shape_cast %swap3A_186 : vector<1x16xi32> to vector<16xi32>
    %swap3A_188 = vector.shape_cast %and3A_182 : vector<16xi32> to vector<1x16xi32>
    tpu.vector_store %arg8[%swap3A_184, %swap3A_185], %swap3A_188 {strides = array<i32>} : memref<6x80xi32, #tpu.memory_space<vmem>>, vector<1x16xi32>,
    %get3A_189 = arith.constant 1 : i32
    %get3A_190 = arith.index_cast %get3A_189 : i32 to index
    %get3A_191 = arith.constant 48 : index
    %get3A_192 = tpu.vector_load %arg6[%get3A_190, %get3A_191] {strides = array<i32>} : memref<125x80xi32, #tpu.memory_space<vmem>>, vector<1x16xi32>,
    %get3A_193 = vector.shape_cast %get3A_192 : vector<1x16xi32> to vector<16xi32>
    %shift_right_logical3A_194 = arith.constant 14 : i32
    %shift_right_logical3A_195 = vector.broadcast %shift_right_logical3A_194 : i32 to vector<16xi32>
    %shift_right_logical3A_196 = arith.shrui %get3A_193, %shift_right_logical3A_195 : vector<16xi32>
    %swap3A_197 = arith.constant 1 : i32
    %swap3A_198 = arith.index_cast %swap3A_197 : i32 to index
    %swap3A_199 = arith.constant 48 : index
    %swap3A_200 = tpu.vector_load %arg7[%swap3A_198, %swap3A_199] {strides = array<i32>} : memref<6x80xi32, #tpu.memory_space<vmem>>, vector<1x16xi32>,
    %swap3A_201 = vector.shape_cast %swap3A_200 : vector<1x16xi32> to vector<16xi32>
    %swap3A_202 = vector.shape_cast %shift_right_logical3A_196 : vector<16xi32> to vector<1x16xi32>
    tpu.vector_store %arg7[%swap3A_198, %swap3A_199], %swap3A_202 {strides = array<i32>} : memref<6x80xi32, #tpu.memory_space<vmem>>, vector<1x16xi32>,
    %and3A_203 = arith.constant 16383 : i32
    %and3A_204 = vector.broadcast %and3A_203 : i32 to vector<16xi32>
    %and3A_205 = arith.andi %get3A_193, %and3A_204 : vector<16xi32>
    %swap3A_206 = arith.constant 1 : i32
    %swap3A_207 = arith.index_cast %swap3A_206 : i32 to index
    %swap3A_208 = arith.constant 48 : index
    %swap3A_209 = tpu.vector_load %arg8[%swap3A_207, %swap3A_208] {strides = array<i32>} : memref<6x80xi32, #tpu.memory_space<vmem>>, vector<1x16xi32>,
    %swap3A_210 = vector.shape_cast %swap3A_209 : vector<1x16xi32> to vector<16xi32>
    %swap3A_211 = vector.shape_cast %and3A_205 : vector<16xi32> to vector<1x16xi32>
    tpu.vector_store %arg8[%swap3A_207, %swap3A_208], %swap3A_211 {strides = array<i32>} : memref<6x80xi32, #tpu.memory_space<vmem>>, vector<1x16xi32>,
    %get3A_212 = arith.constant 1 : i32
    %get3A_213 = arith.index_cast %get3A_212 : i32 to index
    %get3A_214 = arith.constant 64 : index
    %get3A_215 = tpu.vector_load %arg6[%get3A_213, %get3A_214] {strides = array<i32>} : memref<125x80xi32, #tpu.memory_space<vmem>>, vector<1x16xi32>,
    %get3A_216 = vector.shape_cast %get3A_215 : vector<1x16xi32> to vector<16xi32>
    %shift_right_logical3A_217 = arith.constant 14 : i32
    %shift_right_logical3A_218 = vector.broadcast %shift_right_logical3A_217 : i32 to vector<16xi32>
    %shift_right_logical3A_219 = arith.shrui %get3A_216, %shift_right_logical3A_218 : vector<16xi32>
    %swap3A_220 = arith.constant 1 : i32
    %swap3A_221 = arith.index_cast %swap3A_220 : i32 to index
    %swap3A_222 = arith.constant 64 : index
    %swap3A_223 = tpu.vector_load %arg7[%swap3A_221, %swap3A_222] {strides = array<i32>} : memref<6x80xi32, #tpu.memory_space<vmem>>, vector<1x16xi32>,
    %swap3A_224 = vector.shape_cast %swap3A_223 : vector<1x16xi32> to vector<16xi32>
    %swap3A_225 = vector.shape_cast %shift_right_logical3A_219 : vector<16xi32> to vector<1x16xi32>
    tpu.vector_store %arg7[%swap3A_221, %swap3A_222], %swap3A_225 {strides = array<i32>} : memref<6x80xi32, #tpu.memory_space<vmem>>, vector<1x16xi32>,
    %and3A_226 = arith.constant 16383 : i32
    %and3A_227 = vector.broadcast %and3A_226 : i32 to vector<16xi32>
    %and3A_228 = arith.andi %get3A_216, %and3A_227 : vector<16xi32>
    %swap3A_229 = arith.constant 1 : i32
    %swap3A_230 = arith.index_cast %swap3A_229 : i32 to index
    %swap3A_231 = arith.constant 64 : index
    %swap3A_232 = tpu.vector_load %arg8[%swap3A_230, %swap3A_231] {strides = array<i32>} : memref<6x80xi32, #tpu.memory_space<vmem>>, vector<1x16xi32>,
    %swap3A_233 = vector.shape_cast %swap3A_232 : vector<1x16xi32> to vector<16xi32>
    %swap3A_234 = vector.shape_cast %and3A_228 : vector<16xi32> to vector<1x16xi32>
    tpu.vector_store %arg8[%swap3A_230, %swap3A_231], %swap3A_234 {strides = array<i32>} : memref<6x80xi32, #tpu.memory_space<vmem>>, vector<1x16xi32>,
    %dma_start3A_235 = arith.constant 1 : i32
    %dma_start3A_236 = arith.constant 0 : i32
    %dma_start3A_237 = tpu.memref_slice %arg7[%dma_start3A_235, %dma_start3A_236] : memref<6x80xi32, #tpu.memory_space<vmem>> -> memref<1x80xi32, #tpu.memory_space<vmem>>
    %dma_start3A_238 = tpu.memref_squeeze %dma_start3A_237 : memref<1x80xi32, #tpu.memory_space<vmem>> -> memref<80xi32, #tpu.memory_space<vmem>>
    %dma_start3A_239 = arith.constant 0 : i32
    %dma_start3A_240 = arith.constant 0 : i32
    %dma_start3A_241 = tpu.memref_slice %arg2[%dma_start3A_239, %dma_start3A_240] : memref<110000x128xf32, #tpu.memory_space<hbm>> -> memref<110000x128xf32, #tpu.memory_space<hbm>>
    tpu.enqueue_indirect_dma source(%dma_start3A_241 : memref<110000x128xf32, #tpu.memory_space<hbm>>) target(%arg10 : memref<80x128xf32, #tpu.memory_space<vmem>>) offsets(%dma_start3A_238 : memref<80xi32, #tpu.memory_space<vmem>>) semaphore(%arg14 : memref<!tpu.dma_semaphore, #tpu.memory_space<semaphore_mem>>)
    %get3A_242 = arith.constant 2 : i32
    %get3A_243 = arith.index_cast %get3A_242 : i32 to index
    %get3A_244 = arith.constant 0 : index
    %get3A_245 = tpu.vector_load %arg6[%get3A_243, %get3A_244] {strides = array<i32>} : memref<125x80xi32, #tpu.memory_space<vmem>>, vector<1x16xi32>,
    %get3A_246 = vector.shape_cast %get3A_245 : vector<1x16xi32> to vector<16xi32>
    %shift_right_logical3A_247 = arith.constant 14 : i32
    %shift_right_logical3A_248 = vector.broadcast %shift_right_logical3A_247 : i32 to vector<16xi32>
    %shift_right_logical3A_249 = arith.shrui %get3A_246, %shift_right_logical3A_248 : vector<16xi32>
    %swap3A_250 = arith.constant 2 : i32
    %swap3A_251 = arith.index_cast %swap3A_250 : i32 to index
    %swap3A_252 = arith.constant 0 : index
    %swap3A_253 = tpu.vector_load %arg7[%swap3A_251, %swap3A_252] {strides = array<i32>} : memref<6x80xi32, #tpu.memory_space<vmem>>, vector<1x16xi32>,
    %swap3A_254 = vector.shape_cast %swap3A_253 : vector<1x16xi32> to vector<16xi32>
    %swap3A_255 = vector.shape_cast %shift_right_logical3A_249 : vector<16xi32> to vector<1x16xi32>
    tpu.vector_store %arg7[%swap3A_251, %swap3A_252], %swap3A_255 {strides = array<i32>} : memref<6x80xi32, #tpu.memory_space<vmem>>, vector<1x16xi32>,
    %and3A_256 = arith.constant 16383 : i32
    %and3A_257 = vector.broadcast %and3A_256 : i32 to vector<16xi32>
    %and3A_258 = arith.andi %get3A_246, %and3A_257 : vector<16xi32>
    %swap3A_259 = arith.constant 2 : i32
    %swap3A_260 = arith.index_cast %swap3A_259 : i32 to index
    %swap3A_261 = arith.constant 0 : index
    %swap3A_262 = tpu.vector_load %arg8[%swap3A_260, %swap3A_261] {strides = array<i32>} : memref<6x80xi32, #tpu.memory_space<vmem>>, vector<1x16xi32>,
    %swap3A_263 = vector.shape_cast %swap3A_262 : vector<1x16xi32> to vector<16xi32>
    %swap3A_264 = vector.shape_cast %and3A_258 : vector<16xi32> to vector<1x16xi32>
    tpu.vector_store %arg8[%swap3A_260, %swap3A_261], %swap3A_264 {strides = array<i32>} : memref<6x80xi32, #tpu.memory_space<vmem>>, vector<1x16xi32>,
    %get3A_265 = arith.constant 2 : i32
    %get3A_266 = arith.index_cast %get3A_265 : i32 to index
    %get3A_267 = arith.constant 16 : index
    %get3A_268 = tpu.vector_load %arg6[%get3A_266, %get3A_267] {strides = array<i32>} : memref<125x80xi32, #tpu.memory_space<vmem>>, vector<1x16xi32>,
    %get3A_269 = vector.shape_cast %get3A_268 : vector<1x16xi32> to vector<16xi32>
    %shift_right_logical3A_270 = arith.constant 14 : i32
    %shift_right_logical3A_271 = vector.broadcast %shift_right_logical3A_270 : i32 to vector<16xi32>
    %shift_right_logical3A_272 = arith.shrui %get3A_269, %shift_right_logical3A_271 : vector<16xi32>
    %swap3A_273 = arith.constant 2 : i32
    %swap3A_274 = arith.index_cast %swap3A_273 : i32 to index
    %swap3A_275 = arith.constant 16 : index
    %swap3A_276 = tpu.vector_load %arg7[%swap3A_274, %swap3A_275] {strides = array<i32>} : memref<6x80xi32, #tpu.memory_space<vmem>>, vector<1x16xi32>,
    %swap3A_277 = vector.shape_cast %swap3A_276 : vector<1x16xi32> to vector<16xi32>
    %swap3A_278 = vector.shape_cast %shift_right_logical3A_272 : vector<16xi32> to vector<1x16xi32>
    tpu.vector_store %arg7[%swap3A_274, %swap3A_275], %swap3A_278 {strides = array<i32>} : memref<6x80xi32, #tpu.memory_space<vmem>>, vector<1x16xi32>,
    %and3A_279 = arith.constant 16383 : i32
    %and3A_280 = vector.broadcast %and3A_279 : i32 to vector<16xi32>
    %and3A_281 = arith.andi %get3A_269, %and3A_280 : vector<16xi32>
    %swap3A_282 = arith.constant 2 : i32
    %swap3A_283 = arith.index_cast %swap3A_282 : i32 to index
    %swap3A_284 = arith.constant 16 : index
    %swap3A_285 = tpu.vector_load %arg8[%swap3A_283, %swap3A_284] {strides = array<i32>} : memref<6x80xi32, #tpu.memory_space<vmem>>, vector<1x16xi32>,
    %swap3A_286 = vector.shape_cast %swap3A_285 : vector<1x16xi32> to vector<16xi32>
    %swap3A_287 = vector.shape_cast %and3A_281 : vector<16xi32> to vector<1x16xi32>
    tpu.vector_store %arg8[%swap3A_283, %swap3A_284], %swap3A_287 {strides = array<i32>} : memref<6x80xi32, #tpu.memory_space<vmem>>, vector<1x16xi32>,
    %get3A_288 = arith.constant 2 : i32
    %get3A_289 = arith.index_cast %get3A_288 : i32 to index
    %get3A_290 = arith.constant 32 : index
    %get3A_291 = tpu.vector_load %arg6[%get3A_289, %get3A_290] {strides = array<i32>} : memref<125x80xi32, #tpu.memory_space<vmem>>, vector<1x16xi32>,
    %get3A_292 = vector.shape_cast %get3A_291 : vector<1x16xi32> to vector<16xi32>
    %shift_right_logical3A_293 = arith.constant 14 : i32
    %shift_right_logical3A_294 = vector.broadcast %shift_right_logical3A_293 : i32 to vector<16xi32>
    %shift_right_logical3A_295 = arith.shrui %get3A_292, %shift_right_logical3A_294 : vector<16xi32>
    %swap3A_296 = arith.constant 2 : i32
    %swap3A_297 = arith.index_cast %swap3A_296 : i32 to index
    %swap3A_298 = arith.constant 32 : index
    %swap3A_299 = tpu.vector_load %arg7[%swap3A_297, %swap3A_298] {strides = array<i32>} : memref<6x80xi32, #tpu.memory_space<vmem>>, vector<1x16xi32>,
    %swap3A_300 = vector.shape_cast %swap3A_299 : vector<1x16xi32> to vector<16xi32>
    %swap3A_301 = vector.shape_cast %shift_right_logical3A_295 : vector<16xi32> to vector<1x16xi32>
    tpu.vector_store %arg7[%swap3A_297, %swap3A_298], %swap3A_301 {strides = array<i32>} : memref<6x80xi32, #tpu.memory_space<vmem>>, vector<1x16xi32>,
    %and3A_302 = arith.constant 16383 : i32
    %and3A_303 = vector.broadcast %and3A_302 : i32 to vector<16xi32>
    %and3A_304 = arith.andi %get3A_292, %and3A_303 : vector<16xi32>
    %swap3A_305 = arith.constant 2 : i32
    %swap3A_306 = arith.index_cast %swap3A_305 : i32 to index
    %swap3A_307 = arith.constant 32 : index
    %swap3A_308 = tpu.vector_load %arg8[%swap3A_306, %swap3A_307] {strides = array<i32>} : memref<6x80xi32, #tpu.memory_space<vmem>>, vector<1x16xi32>,
    %swap3A_309 = vector.shape_cast %swap3A_308 : vector<1x16xi32> to vector<16xi32>
    %swap3A_310 = vector.shape_cast %and3A_304 : vector<16xi32> to vector<1x16xi32>
    tpu.vector_store %arg8[%swap3A_306, %swap3A_307], %swap3A_310 {strides = array<i32>} : memref<6x80xi32, #tpu.memory_space<vmem>>, vector<1x16xi32>,
    %get3A_311 = arith.constant 2 : i32
    %get3A_312 = arith.index_cast %get3A_311 : i32 to index
    %get3A_313 = arith.constant 48 : index
    %get3A_314 = tpu.vector_load %arg6[%get3A_312, %get3A_313] {strides = array<i32>} : memref<125x80xi32, #tpu.memory_space<vmem>>, vector<1x16xi32>,
    %get3A_315 = vector.shape_cast %get3A_314 : vector<1x16xi32> to vector<16xi32>
    %shift_right_logical3A_316 = arith.constant 14 : i32
    %shift_right_logical3A_317 = vector.broadcast %shift_right_logical3A_316 : i32 to vector<16xi32>
    %shift_right_logical3A_318 = arith.shrui %get3A_315, %shift_right_logical3A_317 : vector<16xi32>
    %swap3A_319 = arith.constant 2 : i32
    %swap3A_320 = arith.index_cast %swap3A_319 : i32 to index
    %swap3A_321 = arith.constant 48 : index
    %swap3A_322 = tpu.vector_load %arg7[%swap3A_320, %swap3A_321] {strides = array<i32>} : memref<6x80xi32, #tpu.memory_space<vmem>>, vector<1x16xi32>,
    %swap3A_323 = vector.shape_cast %swap3A_322 : vector<1x16xi32> to vector<16xi32>
    %swap3A_324 = vector.shape_cast %shift_right_logical3A_318 : vector<16xi32> to vector<1x16xi32>
    tpu.vector_store %arg7[%swap3A_320, %swap3A_321], %swap3A_324 {strides = array<i32>} : memref<6x80xi32, #tpu.memory_space<vmem>>, vector<1x16xi32>,
    %and3A_325 = arith.constant 16383 : i32
    %and3A_326 = vector.broadcast %and3A_325 : i32 to vector<16xi32>
    %and3A_327 = arith.andi %get3A_315, %and3A_326 : vector<16xi32>
    %swap3A_328 = arith.constant 2 : i32
    %swap3A_329 = arith.index_cast %swap3A_328 : i32 to index
    %swap3A_330 = arith.constant 48 : index
    %swap3A_331 = tpu.vector_load %arg8[%swap3A_329, %swap3A_330] {strides = array<i32>} : memref<6x80xi32, #tpu.memory_space<vmem>>, vector<1x16xi32>,
    %swap3A_332 = vector.shape_cast %swap3A_331 : vector<1x16xi32> to vector<16xi32>
    %swap3A_333 = vector.shape_cast %and3A_327 : vector<16xi32> to vector<1x16xi32>
    tpu.vector_store %arg8[%swap3A_329, %swap3A_330], %swap3A_333 {strides = array<i32>} : memref<6x80xi32, #tpu.memory_space<vmem>>, vector<1x16xi32>,
    %get3A_334 = arith.constant 2 : i32
    %get3A_335 = arith.index_cast %get3A_334 : i32 to index
    %get3A_336 = arith.constant 64 : index
    %get3A_337 = tpu.vector_load %arg6[%get3A_335, %get3A_336] {strides = array<i32>} : memref<125x80xi32, #tpu.memory_space<vmem>>, vector<1x16xi32>,
    %get3A_338 = vector.shape_cast %get3A_337 : vector<1x16xi32> to vector<16xi32>
    %shift_right_logical3A_339 = arith.constant 14 : i32
    %shift_right_logical3A_340 = vector.broadcast %shift_right_logical3A_339 : i32 to vector<16xi32>
    %shift_right_logical3A_341 = arith.shrui %get3A_338, %shift_right_logical3A_340 : vector<16xi32>
    %swap3A_342 = arith.constant 2 : i32
    %swap3A_343 = arith.index_cast %swap3A_342 : i32 to index
    %swap3A_344 = arith.constant 64 : index
    %swap3A_345 = tpu.vector_load %arg7[%swap3A_343, %swap3A_344] {strides = array<i32>} : memref<6x80xi32, #tpu.memory_space<vmem>>, vector<1x16xi32>,
    %swap3A_346 = vector.shape_cast %swap3A_345 : vector<1x16xi32> to vector<16xi32>
    %swap3A_347 = vector.shape_cast %shift_right_logical3A_341 : vector<16xi32> to vector<1x16xi32>
    tpu.vector_store %arg7[%swap3A_343, %swap3A_344], %swap3A_347 {strides = array<i32>} : memref<6x80xi32, #tpu.memory_space<vmem>>, vector<1x16xi32>,
    %and3A_348 = arith.constant 16383 : i32
    %and3A_349 = vector.broadcast %and3A_348 : i32 to vector<16xi32>
    %and3A_350 = arith.andi %get3A_338, %and3A_349 : vector<16xi32>
    %swap3A_351 = arith.constant 2 : i32
    %swap3A_352 = arith.index_cast %swap3A_351 : i32 to index
    %swap3A_353 = arith.constant 64 : index
    %swap3A_354 = tpu.vector_load %arg8[%swap3A_352, %swap3A_353] {strides = array<i32>} : memref<6x80xi32, #tpu.memory_space<vmem>>, vector<1x16xi32>,
    %swap3A_355 = vector.shape_cast %swap3A_354 : vector<1x16xi32> to vector<16xi32>
    %swap3A_356 = vector.shape_cast %and3A_350 : vector<16xi32> to vector<1x16xi32>
    tpu.vector_store %arg8[%swap3A_352, %swap3A_353], %swap3A_356 {strides = array<i32>} : memref<6x80xi32, #tpu.memory_space<vmem>>, vector<1x16xi32>,
    %dma_start3A_357 = arith.constant 2 : i32
    %dma_start3A_358 = arith.constant 0 : i32
    %dma_start3A_359 = tpu.memref_slice %arg7[%dma_start3A_357, %dma_start3A_358] : memref<6x80xi32, #tpu.memory_space<vmem>> -> memref<1x80xi32, #tpu.memory_space<vmem>>
    %dma_start3A_360 = tpu.memref_squeeze %dma_start3A_359 : memref<1x80xi32, #tpu.memory_space<vmem>> -> memref<80xi32, #tpu.memory_space<vmem>>
    %dma_start3A_361 = arith.constant 0 : i32
    %dma_start3A_362 = arith.constant 0 : i32
    %dma_start3A_363 = tpu.memref_slice %arg2[%dma_start3A_361, %dma_start3A_362] : memref<110000x128xf32, #tpu.memory_space<hbm>> -> memref<110000x128xf32, #tpu.memory_space<hbm>>
    tpu.enqueue_indirect_dma source(%dma_start3A_363 : memref<110000x128xf32, #tpu.memory_space<hbm>>) target(%arg11 : memref<80x128xf32, #tpu.memory_space<vmem>>) offsets(%dma_start3A_360 : memref<80xi32, #tpu.memory_space<vmem>>) semaphore(%arg15 : memref<!tpu.dma_semaphore, #tpu.memory_space<semaphore_mem>>)
    %scan3A = arith.constant 0 : i32
    %scan3A_364 = arith.constant 0 : i32
    %scan3A_365 = arith.constant 41 : i32
    %scan3A_366 = arith.addi %scan3A_364, %scan3A_365 : i32
    %scan3A_367 = arith.constant 1 : i32
    scf.for %scan3A_422 = %scan3A_364 to %scan3A_366 step %scan3A_367  : i32 {
      %and3A_423 = arith.constant 1 : i32
      %and3A_424 = arith.andi %scan3A_422, %and3A_423 : i32
      %mul3A_425 = arith.constant 3 : i32
      %mul3A_426 = arith.muli %and3A_424, %mul3A_425 : i32
      %add3A_427 = arith.constant 1 : i32
      %add3A_428 = arith.addi %scan3A_422, %add3A_427 : i32
      %and3A_429 = arith.constant 1 : i32
      %and3A_430 = arith.andi %add3A_428, %and3A_429 : i32
      %mul3A_431 = arith.constant 3 : i32
      %mul3A_432 = arith.muli %and3A_430, %mul3A_431 : i32
      %add3A_433 = arith.constant 0 : i32
      %add3A_434 = arith.addi %mul3A_426, %add3A_433 : i32
      %dma_wait3A_435 = arith.constant 0 : i32
      %dma_wait3A_436 = tpu.memref_slice %arg7[%add3A_434, %dma_wait3A_435] : memref<6x80xi32, #tpu.memory_space<vmem>> -> memref<1x80xi32, #tpu.memory_space<vmem>>
      %dma_wait3A_437 = tpu.memref_squeeze %dma_wait3A_436 : memref<1x80xi32, #tpu.memory_space<vmem>> -> memref<80xi32, #tpu.memory_space<vmem>>
      %dma_wait3A_438 = arith.constant 0 : i32
      %dma_wait3A_439 = arith.constant 0 : i32
      %dma_wait3A_440 = tpu.memref_slice %arg2[%dma_wait3A_438, %dma_wait3A_439] : memref<110000x128xf32, #tpu.memory_space<hbm>> -> memref<110000x128xf32, #tpu.memory_space<hbm>>
      tpu.wait_indirect_dma semaphore(%arg13 : memref<!tpu.dma_semaphore, #tpu.memory_space<semaphore_mem>>) src(%dma_wait3A_440 : memref<110000x128xf32, #tpu.memory_space<hbm>>) dst(%arg9 : memref<80x128xf32, #tpu.memory_space<vmem>>)
      %add3A_441 = arith.constant 0 : i32
      %add3A_442 = arith.addi %mul3A_426, %add3A_441 : i32
      %dma_start3A_443 = arith.constant 0 : i32
      %dma_start3A_444 = tpu.memref_slice %arg8[%add3A_442, %dma_start3A_443] : memref<6x80xi32, #tpu.memory_space<vmem>> -> memref<1x80xi32, #tpu.memory_space<vmem>>
      %dma_start3A_445 = tpu.memref_squeeze %dma_start3A_444 : memref<1x80xi32, #tpu.memory_space<vmem>> -> memref<80xi32, #tpu.memory_space<vmem>>
      %dma_start3A_446 = arith.constant 0 : i32
      %dma_start3A_447 = arith.constant 0 : i32
      %dma_start3A_448 = tpu.memref_slice %arg12[%dma_start3A_446, %dma_start3A_447] : memref<10000x128xf32, #tpu.memory_space<vmem_shared>> -> memref<10000x128xf32, #tpu.memory_space<vmem_shared>>
      tpu.enqueue_indirect_dma source(%arg9 : memref<80x128xf32, #tpu.memory_space<vmem>>) target(%dma_start3A_448 : memref<10000x128xf32, #tpu.memory_space<vmem_shared>>) offsets(%dma_start3A_445 : memref<80xi32, #tpu.memory_space<vmem>>) semaphore(%arg16 : memref<!tpu.dma_semaphore, #tpu.memory_space<semaphore_mem>>) {add = true}
      %add3A_449 = arith.constant 1 : i32
      %add3A_450 = arith.addi %mul3A_426, %add3A_449 : i32
      %dma_wait3A_451 = arith.constant 0 : i32
      %dma_wait3A_452 = tpu.memref_slice %arg7[%add3A_450, %dma_wait3A_451] : memref<6x80xi32, #tpu.memory_space<vmem>> -> memref<1x80xi32, #tpu.memory_space<vmem>>
      %dma_wait3A_453 = tpu.memref_squeeze %dma_wait3A_452 : memref<1x80xi32, #tpu.memory_space<vmem>> -> memref<80xi32, #tpu.memory_space<vmem>>
      %dma_wait3A_454 = arith.constant 0 : i32
      %dma_wait3A_455 = arith.constant 0 : i32
      %dma_wait3A_456 = tpu.memref_slice %arg2[%dma_wait3A_454, %dma_wait3A_455] : memref<110000x128xf32, #tpu.memory_space<hbm>> -> memref<110000x128xf32, #tpu.memory_space<hbm>>
      tpu.wait_indirect_dma semaphore(%arg14 : memref<!tpu.dma_semaphore, #tpu.memory_space<semaphore_mem>>) src(%dma_wait3A_456 : memref<110000x128xf32, #tpu.memory_space<hbm>>) dst(%arg10 : memref<80x128xf32, #tpu.memory_space<vmem>>)
      %add3A_457 = arith.constant 1 : i32
      %add3A_458 = arith.addi %mul3A_426, %add3A_457 : i32
      %dma_start3A_459 = arith.constant 0 : i32
      %dma_start3A_460 = tpu.memref_slice %arg8[%add3A_458, %dma_start3A_459] : memref<6x80xi32, #tpu.memory_space<vmem>> -> memref<1x80xi32, #tpu.memory_space<vmem>>
      %dma_start3A_461 = tpu.memref_squeeze %dma_start3A_460 : memref<1x80xi32, #tpu.memory_space<vmem>> -> memref<80xi32, #tpu.memory_space<vmem>>
      %dma_start3A_462 = arith.constant 0 : i32
      %dma_start3A_463 = arith.constant 0 : i32
      %dma_start3A_464 = tpu.memref_slice %arg12[%dma_start3A_462, %dma_start3A_463] : memref<10000x128xf32, #tpu.memory_space<vmem_shared>> -> memref<10000x128xf32, #tpu.memory_space<vmem_shared>>
      tpu.enqueue_indirect_dma source(%arg10 : memref<80x128xf32, #tpu.memory_space<vmem>>) target(%dma_start3A_464 : memref<10000x128xf32, #tpu.memory_space<vmem_shared>>) offsets(%dma_start3A_461 : memref<80xi32, #tpu.memory_space<vmem>>) semaphore(%arg17 : memref<!tpu.dma_semaphore, #tpu.memory_space<semaphore_mem>>) {add = true}
      %add3A_465 = arith.constant 2 : i32
      %add3A_466 = arith.addi %mul3A_426, %add3A_465 : i32
      %dma_wait3A_467 = arith.constant 0 : i32
      %dma_wait3A_468 = tpu.memref_slice %arg7[%add3A_466, %dma_wait3A_467] : memref<6x80xi32, #tpu.memory_space<vmem>> -> memref<1x80xi32, #tpu.memory_space<vmem>>
      %dma_wait3A_469 = tpu.memref_squeeze %dma_wait3A_468 : memref<1x80xi32, #tpu.memory_space<vmem>> -> memref<80xi32, #tpu.memory_space<vmem>>
      %dma_wait3A_470 = arith.constant 0 : i32
      %dma_wait3A_471 = arith.constant 0 : i32
      %dma_wait3A_472 = tpu.memref_slice %arg2[%dma_wait3A_470, %dma_wait3A_471] : memref<110000x128xf32, #tpu.memory_space<hbm>> -> memref<110000x128xf32, #tpu.memory_space<hbm>>
      tpu.wait_indirect_dma semaphore(%arg15 : memref<!tpu.dma_semaphore, #tpu.memory_space<semaphore_mem>>) src(%dma_wait3A_472 : memref<110000x128xf32, #tpu.memory_space<hbm>>) dst(%arg11 : memref<80x128xf32, #tpu.memory_space<vmem>>)
      %add3A_473 = arith.constant 2 : i32
      %add3A_474 = arith.addi %mul3A_426, %add3A_473 : i32
      %dma_start3A_475 = arith.constant 0 : i32
      %dma_start3A_476 = tpu.memref_slice %arg8[%add3A_474, %dma_start3A_475] : memref<6x80xi32, #tpu.memory_space<vmem>> -> memref<1x80xi32, #tpu.memory_space<vmem>>
      %dma_start3A_477 = tpu.memref_squeeze %dma_start3A_476 : memref<1x80xi32, #tpu.memory_space<vmem>> -> memref<80xi32, #tpu.memory_space<vmem>>
      %dma_start3A_478 = arith.constant 0 : i32
      %dma_start3A_479 = arith.constant 0 : i32
      %dma_start3A_480 = tpu.memref_slice %arg12[%dma_start3A_478, %dma_start3A_479] : memref<10000x128xf32, #tpu.memory_space<vmem_shared>> -> memref<10000x128xf32, #tpu.memory_space<vmem_shared>>
      tpu.enqueue_indirect_dma source(%arg11 : memref<80x128xf32, #tpu.memory_space<vmem>>) target(%dma_start3A_480 : memref<10000x128xf32, #tpu.memory_space<vmem_shared>>) offsets(%dma_start3A_477 : memref<80xi32, #tpu.memory_space<vmem>>) semaphore(%arg18 : memref<!tpu.dma_semaphore, #tpu.memory_space<semaphore_mem>>) {add = true}
      %mul3A_481 = arith.constant 3 : i32
      %mul3A_482 = arith.muli %scan3A_422, %mul3A_481 : i32
      %add3A_483 = arith.constant 0 : i32
      %add3A_484 = arith.addi %mul3A_482, %add3A_483 : i32
      %add3A_485 = arith.constant 3 : i32
      %add3A_486 = arith.addi %add3A_484, %add3A_485 : i32
      %lt3A = arith.constant 125 : i32
      %lt3A_487 = arith.cmpi slt, %add3A_486, %lt3A : i32
      %convert_element_type3A = arith.extui %lt3A_487 : i1 to i32
      %cond3A = arith.constant 0 : i32
      %cond3A_488 = arith.cmpi ne, %convert_element_type3A, %cond3A : i32
      scf.if %cond3A_488 {
        %add3A_511 = arith.constant 0 : i32
        %add3A_512 = arith.addi %mul3A_432, %add3A_511 : i32
        %get3A_513 = arith.index_cast %add3A_486 : i32 to index
        %get3A_514 = arith.constant 0 : index
        %get3A_515 = tpu.vector_load %arg6[%get3A_513, %get3A_514] {strides = array<i32>} : memref<125x80xi32, #tpu.memory_space<vmem>>, vector<1x16xi32>,
        %get3A_516 = vector.shape_cast %get3A_515 : vector<1x16xi32> to vector<16xi32>
        %shift_right_logical3A_517 = arith.constant 14 : i32
        %shift_right_logical3A_518 = vector.broadcast %shift_right_logical3A_517 : i32 to vector<16xi32>
        %shift_right_logical3A_519 = arith.shrui %get3A_516, %shift_right_logical3A_518 : vector<16xi32>
        %swap3A_520 = arith.index_cast %add3A_512 : i32 to index
        %swap3A_521 = arith.constant 0 : index
        %swap3A_522 = tpu.vector_load %arg7[%swap3A_520, %swap3A_521] {strides = array<i32>} : memref<6x80xi32, #tpu.memory_space<vmem>>, vector<1x16xi32>,
        %swap3A_523 = vector.shape_cast %swap3A_522 : vector<1x16xi32> to vector<16xi32>
        %swap3A_524 = vector.shape_cast %shift_right_logical3A_519 : vector<16xi32> to vector<1x16xi32>
        tpu.vector_store %arg7[%swap3A_520, %swap3A_521], %swap3A_524 {strides = array<i32>} : memref<6x80xi32, #tpu.memory_space<vmem>>, vector<1x16xi32>,
        %and3A_525 = arith.constant 16383 : i32
        %and3A_526 = vector.broadcast %and3A_525 : i32 to vector<16xi32>
        %and3A_527 = arith.andi %get3A_516, %and3A_526 : vector<16xi32>
        %swap3A_528 = arith.index_cast %add3A_512 : i32 to index
        %swap3A_529 = arith.constant 0 : index
        %swap3A_530 = tpu.vector_load %arg8[%swap3A_528, %swap3A_529] {strides = array<i32>} : memref<6x80xi32, #tpu.memory_space<vmem>>, vector<1x16xi32>,
        %swap3A_531 = vector.shape_cast %swap3A_530 : vector<1x16xi32> to vector<16xi32>
        %swap3A_532 = vector.shape_cast %and3A_527 : vector<16xi32> to vector<1x16xi32>
        tpu.vector_store %arg8[%swap3A_528, %swap3A_529], %swap3A_532 {strides = array<i32>} : memref<6x80xi32, #tpu.memory_space<vmem>>, vector<1x16xi32>,
        %get3A_533 = arith.index_cast %add3A_486 : i32 to index
        %get3A_534 = arith.constant 16 : index
        %get3A_535 = tpu.vector_load %arg6[%get3A_533, %get3A_534] {strides = array<i32>} : memref<125x80xi32, #tpu.memory_space<vmem>>, vector<1x16xi32>,
        %get3A_536 = vector.shape_cast %get3A_535 : vector<1x16xi32> to vector<16xi32>
        %shift_right_logical3A_537 = arith.constant 14 : i32
        %shift_right_logical3A_538 = vector.broadcast %shift_right_logical3A_537 : i32 to vector<16xi32>
        %shift_right_logical3A_539 = arith.shrui %get3A_536, %shift_right_logical3A_538 : vector<16xi32>
        %swap3A_540 = arith.index_cast %add3A_512 : i32 to index
        %swap3A_541 = arith.constant 16 : index
        %swap3A_542 = tpu.vector_load %arg7[%swap3A_540, %swap3A_541] {strides = array<i32>} : memref<6x80xi32, #tpu.memory_space<vmem>>, vector<1x16xi32>,
        %swap3A_543 = vector.shape_cast %swap3A_542 : vector<1x16xi32> to vector<16xi32>
        %swap3A_544 = vector.shape_cast %shift_right_logical3A_539 : vector<16xi32> to vector<1x16xi32>
        tpu.vector_store %arg7[%swap3A_540, %swap3A_541], %swap3A_544 {strides = array<i32>} : memref<6x80xi32, #tpu.memory_space<vmem>>, vector<1x16xi32>,
        %and3A_545 = arith.constant 16383 : i32
        %and3A_546 = vector.broadcast %and3A_545 : i32 to vector<16xi32>
        %and3A_547 = arith.andi %get3A_536, %and3A_546 : vector<16xi32>
        %swap3A_548 = arith.index_cast %add3A_512 : i32 to index
        %swap3A_549 = arith.constant 16 : index
        %swap3A_550 = tpu.vector_load %arg8[%swap3A_548, %swap3A_549] {strides = array<i32>} : memref<6x80xi32, #tpu.memory_space<vmem>>, vector<1x16xi32>,
        %swap3A_551 = vector.shape_cast %swap3A_550 : vector<1x16xi32> to vector<16xi32>
        %swap3A_552 = vector.shape_cast %and3A_547 : vector<16xi32> to vector<1x16xi32>
        tpu.vector_store %arg8[%swap3A_548, %swap3A_549], %swap3A_552 {strides = array<i32>} : memref<6x80xi32, #tpu.memory_space<vmem>>, vector<1x16xi32>,
        %get3A_553 = arith.index_cast %add3A_486 : i32 to index
        %get3A_554 = arith.constant 32 : index
        %get3A_555 = tpu.vector_load %arg6[%get3A_553, %get3A_554] {strides = array<i32>} : memref<125x80xi32, #tpu.memory_space<vmem>>, vector<1x16xi32>,
        %get3A_556 = vector.shape_cast %get3A_555 : vector<1x16xi32> to vector<16xi32>
        %shift_right_logical3A_557 = arith.constant 14 : i32
        %shift_right_logical3A_558 = vector.broadcast %shift_right_logical3A_557 : i32 to vector<16xi32>
        %shift_right_logical3A_559 = arith.shrui %get3A_556, %shift_right_logical3A_558 : vector<16xi32>
        %swap3A_560 = arith.index_cast %add3A_512 : i32 to index
        %swap3A_561 = arith.constant 32 : index
        %swap3A_562 = tpu.vector_load %arg7[%swap3A_560, %swap3A_561] {strides = array<i32>} : memref<6x80xi32, #tpu.memory_space<vmem>>, vector<1x16xi32>,
        %swap3A_563 = vector.shape_cast %swap3A_562 : vector<1x16xi32> to vector<16xi32>
        %swap3A_564 = vector.shape_cast %shift_right_logical3A_559 : vector<16xi32> to vector<1x16xi32>
        tpu.vector_store %arg7[%swap3A_560, %swap3A_561], %swap3A_564 {strides = array<i32>} : memref<6x80xi32, #tpu.memory_space<vmem>>, vector<1x16xi32>,
        %and3A_565 = arith.constant 16383 : i32
        %and3A_566 = vector.broadcast %and3A_565 : i32 to vector<16xi32>
        %and3A_567 = arith.andi %get3A_556, %and3A_566 : vector<16xi32>
        %swap3A_568 = arith.index_cast %add3A_512 : i32 to index
        %swap3A_569 = arith.constant 32 : index
        %swap3A_570 = tpu.vector_load %arg8[%swap3A_568, %swap3A_569] {strides = array<i32>} : memref<6x80xi32, #tpu.memory_space<vmem>>, vector<1x16xi32>,
        %swap3A_571 = vector.shape_cast %swap3A_570 : vector<1x16xi32> to vector<16xi32>
        %swap3A_572 = vector.shape_cast %and3A_567 : vector<16xi32> to vector<1x16xi32>
        tpu.vector_store %arg8[%swap3A_568, %swap3A_569], %swap3A_572 {strides = array<i32>} : memref<6x80xi32, #tpu.memory_space<vmem>>, vector<1x16xi32>,
        %get3A_573 = arith.index_cast %add3A_486 : i32 to index
        %get3A_574 = arith.constant 48 : index
        %get3A_575 = tpu.vector_load %arg6[%get3A_573, %get3A_574] {strides = array<i32>} : memref<125x80xi32, #tpu.memory_space<vmem>>, vector<1x16xi32>,
        %get3A_576 = vector.shape_cast %get3A_575 : vector<1x16xi32> to vector<16xi32>
        %shift_right_logical3A_577 = arith.constant 14 : i32
        %shift_right_logical3A_578 = vector.broadcast %shift_right_logical3A_577 : i32 to vector<16xi32>
        %shift_right_logical3A_579 = arith.shrui %get3A_576, %shift_right_logical3A_578 : vector<16xi32>
        %swap3A_580 = arith.index_cast %add3A_512 : i32 to index
        %swap3A_581 = arith.constant 48 : index
        %swap3A_582 = tpu.vector_load %arg7[%swap3A_580, %swap3A_581] {strides = array<i32>} : memref<6x80xi32, #tpu.memory_space<vmem>>, vector<1x16xi32>,
        %swap3A_583 = vector.shape_cast %swap3A_582 : vector<1x16xi32> to vector<16xi32>
        %swap3A_584 = vector.shape_cast %shift_right_logical3A_579 : vector<16xi32> to vector<1x16xi32>
        tpu.vector_store %arg7[%swap3A_580, %swap3A_581], %swap3A_584 {strides = array<i32>} : memref<6x80xi32, #tpu.memory_space<vmem>>, vector<1x16xi32>,
        %and3A_585 = arith.constant 16383 : i32
        %and3A_586 = vector.broadcast %and3A_585 : i32 to vector<16xi32>
        %and3A_587 = arith.andi %get3A_576, %and3A_586 : vector<16xi32>
        %swap3A_588 = arith.index_cast %add3A_512 : i32 to index
        %swap3A_589 = arith.constant 48 : index
        %swap3A_590 = tpu.vector_load %arg8[%swap3A_588, %swap3A_589] {strides = array<i32>} : memref<6x80xi32, #tpu.memory_space<vmem>>, vector<1x16xi32>,
        %swap3A_591 = vector.shape_cast %swap3A_590 : vector<1x16xi32> to vector<16xi32>
        %swap3A_592 = vector.shape_cast %and3A_587 : vector<16xi32> to vector<1x16xi32>
        tpu.vector_store %arg8[%swap3A_588, %swap3A_589], %swap3A_592 {strides = array<i32>} : memref<6x80xi32, #tpu.memory_space<vmem>>, vector<1x16xi32>,
        %get3A_593 = arith.index_cast %add3A_486 : i32 to index
        %get3A_594 = arith.constant 64 : index
        %get3A_595 = tpu.vector_load %arg6[%get3A_593, %get3A_594] {strides = array<i32>} : memref<125x80xi32, #tpu.memory_space<vmem>>, vector<1x16xi32>,
        %get3A_596 = vector.shape_cast %get3A_595 : vector<1x16xi32> to vector<16xi32>
        %shift_right_logical3A_597 = arith.constant 14 : i32
        %shift_right_logical3A_598 = vector.broadcast %shift_right_logical3A_597 : i32 to vector<16xi32>
        %shift_right_logical3A_599 = arith.shrui %get3A_596, %shift_right_logical3A_598 : vector<16xi32>
        %swap3A_600 = arith.index_cast %add3A_512 : i32 to index
        %swap3A_601 = arith.constant 64 : index
        %swap3A_602 = tpu.vector_load %arg7[%swap3A_600, %swap3A_601] {strides = array<i32>} : memref<6x80xi32, #tpu.memory_space<vmem>>, vector<1x16xi32>,
        %swap3A_603 = vector.shape_cast %swap3A_602 : vector<1x16xi32> to vector<16xi32>
        %swap3A_604 = vector.shape_cast %shift_right_logical3A_599 : vector<16xi32> to vector<1x16xi32>
        tpu.vector_store %arg7[%swap3A_600, %swap3A_601], %swap3A_604 {strides = array<i32>} : memref<6x80xi32, #tpu.memory_space<vmem>>, vector<1x16xi32>,
        %and3A_605 = arith.constant 16383 : i32
        %and3A_606 = vector.broadcast %and3A_605 : i32 to vector<16xi32>
        %and3A_607 = arith.andi %get3A_596, %and3A_606 : vector<16xi32>
        %swap3A_608 = arith.index_cast %add3A_512 : i32 to index
        %swap3A_609 = arith.constant 64 : index
        %swap3A_610 = tpu.vector_load %arg8[%swap3A_608, %swap3A_609] {strides = array<i32>} : memref<6x80xi32, #tpu.memory_space<vmem>>, vector<1x16xi32>,
        %swap3A_611 = vector.shape_cast %swap3A_610 : vector<1x16xi32> to vector<16xi32>
        %swap3A_612 = vector.shape_cast %and3A_607 : vector<16xi32> to vector<1x16xi32>
        tpu.vector_store %arg8[%swap3A_608, %swap3A_609], %swap3A_612 {strides = array<i32>} : memref<6x80xi32, #tpu.memory_space<vmem>>, vector<1x16xi32>,
        %add3A_613 = arith.constant 0 : i32
        %add3A_614 = arith.addi %mul3A_426, %add3A_613 : i32
        %dma_wait3A_615 = arith.constant 0 : i32
        %dma_wait3A_616 = tpu.memref_slice %arg8[%add3A_614, %dma_wait3A_615] : memref<6x80xi32, #tpu.memory_space<vmem>> -> memref<1x80xi32, #tpu.memory_space<vmem>>
        %dma_wait3A_617 = tpu.memref_squeeze %dma_wait3A_616 : memref<1x80xi32, #tpu.memory_space<vmem>> -> memref<80xi32, #tpu.memory_space<vmem>>
        %dma_wait3A_618 = arith.constant 0 : i32
        %dma_wait3A_619 = arith.constant 0 : i32
        %dma_wait3A_620 = tpu.memref_slice %arg12[%dma_wait3A_618, %dma_wait3A_619] : memref<10000x128xf32, #tpu.memory_space<vmem_shared>> -> memref<10000x128xf32, #tpu.memory_space<vmem_shared>>
        tpu.wait_indirect_dma semaphore(%arg16 : memref<!tpu.dma_semaphore, #tpu.memory_space<semaphore_mem>>) src(%arg9 : memref<80x128xf32, #tpu.memory_space<vmem>>) dst(%dma_wait3A_620 : memref<10000x128xf32, #tpu.memory_space<vmem_shared>>)
        %add3A_621 = arith.constant 0 : i32
        %add3A_622 = arith.addi %mul3A_432, %add3A_621 : i32
        %dma_start3A_623 = arith.constant 0 : i32
        %dma_start3A_624 = tpu.memref_slice %arg7[%add3A_622, %dma_start3A_623] : memref<6x80xi32, #tpu.memory_space<vmem>> -> memref<1x80xi32, #tpu.memory_space<vmem>>
        %dma_start3A_625 = tpu.memref_squeeze %dma_start3A_624 : memref<1x80xi32, #tpu.memory_space<vmem>> -> memref<80xi32, #tpu.memory_space<vmem>>
        %dma_start3A_626 = arith.constant 0 : i32
        %dma_start3A_627 = arith.constant 0 : i32
        %dma_start3A_628 = tpu.memref_slice %arg2[%dma_start3A_626, %dma_start3A_627] : memref<110000x128xf32, #tpu.memory_space<hbm>> -> memref<110000x128xf32, #tpu.memory_space<hbm>>
        tpu.enqueue_indirect_dma source(%dma_start3A_628 : memref<110000x128xf32, #tpu.memory_space<hbm>>) target(%arg9 : memref<80x128xf32, #tpu.memory_space<vmem>>) offsets(%dma_start3A_625 : memref<80xi32, #tpu.memory_space<vmem>>) semaphore(%arg13 : memref<!tpu.dma_semaphore, #tpu.memory_space<semaphore_mem>>)
      } else {
      }
      %mul3A_489 = arith.constant 3 : i32
      %mul3A_490 = arith.muli %scan3A_422, %mul3A_489 : i32
      %add3A_491 = arith.constant 1 : i32
      %add3A_492 = arith.addi %mul3A_490, %add3A_491 : i32
      %add3A_493 = arith.constant 3 : i32
      %add3A_494 = arith.addi %add3A_492, %add3A_493 : i32
      %lt3A_495 = arith.constant 125 : i32
      %lt3A_496 = arith.cmpi slt, %add3A_494, %lt3A_495 : i32
      %convert_element_type3A_497 = arith.extui %lt3A_496 : i1 to i32
      %cond3A_498 = arith.constant 0 : i32
      %cond3A_499 = arith.cmpi ne, %convert_element_type3A_497, %cond3A_498 : i32
      scf.if %cond3A_499 {
        %add3A_511 = arith.constant 1 : i32
        %add3A_512 = arith.addi %mul3A_432, %add3A_511 : i32
        %get3A_513 = arith.index_cast %add3A_494 : i32 to index
        %get3A_514 = arith.constant 0 : index
        %get3A_515 = tpu.vector_load %arg6[%get3A_513, %get3A_514] {strides = array<i32>} : memref<125x80xi32, #tpu.memory_space<vmem>>, vector<1x16xi32>,
        %get3A_516 = vector.shape_cast %get3A_515 : vector<1x16xi32> to vector<16xi32>
        %shift_right_logical3A_517 = arith.constant 14 : i32
        %shift_right_logical3A_518 = vector.broadcast %shift_right_logical3A_517 : i32 to vector<16xi32>
        %shift_right_logical3A_519 = arith.shrui %get3A_516, %shift_right_logical3A_518 : vector<16xi32>
        %swap3A_520 = arith.index_cast %add3A_512 : i32 to index
        %swap3A_521 = arith.constant 0 : index
        %swap3A_522 = tpu.vector_load %arg7[%swap3A_520, %swap3A_521] {strides = array<i32>} : memref<6x80xi32, #tpu.memory_space<vmem>>, vector<1x16xi32>,
        %swap3A_523 = vector.shape_cast %swap3A_522 : vector<1x16xi32> to vector<16xi32>
        %swap3A_524 = vector.shape_cast %shift_right_logical3A_519 : vector<16xi32> to vector<1x16xi32>
        tpu.vector_store %arg7[%swap3A_520, %swap3A_521], %swap3A_524 {strides = array<i32>} : memref<6x80xi32, #tpu.memory_space<vmem>>, vector<1x16xi32>,
        %and3A_525 = arith.constant 16383 : i32
        %and3A_526 = vector.broadcast %and3A_525 : i32 to vector<16xi32>
        %and3A_527 = arith.andi %get3A_516, %and3A_526 : vector<16xi32>
        %swap3A_528 = arith.index_cast %add3A_512 : i32 to index
        %swap3A_529 = arith.constant 0 : index
        %swap3A_530 = tpu.vector_load %arg8[%swap3A_528, %swap3A_529] {strides = array<i32>} : memref<6x80xi32, #tpu.memory_space<vmem>>, vector<1x16xi32>,
        %swap3A_531 = vector.shape_cast %swap3A_530 : vector<1x16xi32> to vector<16xi32>
        %swap3A_532 = vector.shape_cast %and3A_527 : vector<16xi32> to vector<1x16xi32>
        tpu.vector_store %arg8[%swap3A_528, %swap3A_529], %swap3A_532 {strides = array<i32>} : memref<6x80xi32, #tpu.memory_space<vmem>>, vector<1x16xi32>,
        %get3A_533 = arith.index_cast %add3A_494 : i32 to index
        %get3A_534 = arith.constant 16 : index
        %get3A_535 = tpu.vector_load %arg6[%get3A_533, %get3A_534] {strides = array<i32>} : memref<125x80xi32, #tpu.memory_space<vmem>>, vector<1x16xi32>,
        %get3A_536 = vector.shape_cast %get3A_535 : vector<1x16xi32> to vector<16xi32>
        %shift_right_logical3A_537 = arith.constant 14 : i32
        %shift_right_logical3A_538 = vector.broadcast %shift_right_logical3A_537 : i32 to vector<16xi32>
        %shift_right_logical3A_539 = arith.shrui %get3A_536, %shift_right_logical3A_538 : vector<16xi32>
        %swap3A_540 = arith.index_cast %add3A_512 : i32 to index
        %swap3A_541 = arith.constant 16 : index
        %swap3A_542 = tpu.vector_load %arg7[%swap3A_540, %swap3A_541] {strides = array<i32>} : memref<6x80xi32, #tpu.memory_space<vmem>>, vector<1x16xi32>,
        %swap3A_543 = vector.shape_cast %swap3A_542 : vector<1x16xi32> to vector<16xi32>
        %swap3A_544 = vector.shape_cast %shift_right_logical3A_539 : vector<16xi32> to vector<1x16xi32>
        tpu.vector_store %arg7[%swap3A_540, %swap3A_541], %swap3A_544 {strides = array<i32>} : memref<6x80xi32, #tpu.memory_space<vmem>>, vector<1x16xi32>,
        %and3A_545 = arith.constant 16383 : i32
        %and3A_546 = vector.broadcast %and3A_545 : i32 to vector<16xi32>
        %and3A_547 = arith.andi %get3A_536, %and3A_546 : vector<16xi32>
        %swap3A_548 = arith.index_cast %add3A_512 : i32 to index
        %swap3A_549 = arith.constant 16 : index
        %swap3A_550 = tpu.vector_load %arg8[%swap3A_548, %swap3A_549] {strides = array<i32>} : memref<6x80xi32, #tpu.memory_space<vmem>>, vector<1x16xi32>,
        %swap3A_551 = vector.shape_cast %swap3A_550 : vector<1x16xi32> to vector<16xi32>
        %swap3A_552 = vector.shape_cast %and3A_547 : vector<16xi32> to vector<1x16xi32>
        tpu.vector_store %arg8[%swap3A_548, %swap3A_549], %swap3A_552 {strides = array<i32>} : memref<6x80xi32, #tpu.memory_space<vmem>>, vector<1x16xi32>,
        %get3A_553 = arith.index_cast %add3A_494 : i32 to index
        %get3A_554 = arith.constant 32 : index
        %get3A_555 = tpu.vector_load %arg6[%get3A_553, %get3A_554] {strides = array<i32>} : memref<125x80xi32, #tpu.memory_space<vmem>>, vector<1x16xi32>,
        %get3A_556 = vector.shape_cast %get3A_555 : vector<1x16xi32> to vector<16xi32>
        %shift_right_logical3A_557 = arith.constant 14 : i32
        %shift_right_logical3A_558 = vector.broadcast %shift_right_logical3A_557 : i32 to vector<16xi32>
        %shift_right_logical3A_559 = arith.shrui %get3A_556, %shift_right_logical3A_558 : vector<16xi32>
        %swap3A_560 = arith.index_cast %add3A_512 : i32 to index
        %swap3A_561 = arith.constant 32 : index
        %swap3A_562 = tpu.vector_load %arg7[%swap3A_560, %swap3A_561] {strides = array<i32>} : memref<6x80xi32, #tpu.memory_space<vmem>>, vector<1x16xi32>,
        %swap3A_563 = vector.shape_cast %swap3A_562 : vector<1x16xi32> to vector<16xi32>
        %swap3A_564 = vector.shape_cast %shift_right_logical3A_559 : vector<16xi32> to vector<1x16xi32>
        tpu.vector_store %arg7[%swap3A_560, %swap3A_561], %swap3A_564 {strides = array<i32>} : memref<6x80xi32, #tpu.memory_space<vmem>>, vector<1x16xi32>,
        %and3A_565 = arith.constant 16383 : i32
        %and3A_566 = vector.broadcast %and3A_565 : i32 to vector<16xi32>
        %and3A_567 = arith.andi %get3A_556, %and3A_566 : vector<16xi32>
        %swap3A_568 = arith.index_cast %add3A_512 : i32 to index
        %swap3A_569 = arith.constant 32 : index
        %swap3A_570 = tpu.vector_load %arg8[%swap3A_568, %swap3A_569] {strides = array<i32>} : memref<6x80xi32, #tpu.memory_space<vmem>>, vector<1x16xi32>,
        %swap3A_571 = vector.shape_cast %swap3A_570 : vector<1x16xi32> to vector<16xi32>
        %swap3A_572 = vector.shape_cast %and3A_567 : vector<16xi32> to vector<1x16xi32>
        tpu.vector_store %arg8[%swap3A_568, %swap3A_569], %swap3A_572 {strides = array<i32>} : memref<6x80xi32, #tpu.memory_space<vmem>>, vector<1x16xi32>,
        %get3A_573 = arith.index_cast %add3A_494 : i32 to index
        %get3A_574 = arith.constant 48 : index
        %get3A_575 = tpu.vector_load %arg6[%get3A_573, %get3A_574] {strides = array<i32>} : memref<125x80xi32, #tpu.memory_space<vmem>>, vector<1x16xi32>,
        %get3A_576 = vector.shape_cast %get3A_575 : vector<1x16xi32> to vector<16xi32>
        %shift_right_logical3A_577 = arith.constant 14 : i32
        %shift_right_logical3A_578 = vector.broadcast %shift_right_logical3A_577 : i32 to vector<16xi32>
        %shift_right_logical3A_579 = arith.shrui %get3A_576, %shift_right_logical3A_578 : vector<16xi32>
        %swap3A_580 = arith.index_cast %add3A_512 : i32 to index
        %swap3A_581 = arith.constant 48 : index
        %swap3A_582 = tpu.vector_load %arg7[%swap3A_580, %swap3A_581] {strides = array<i32>} : memref<6x80xi32, #tpu.memory_space<vmem>>, vector<1x16xi32>,
        %swap3A_583 = vector.shape_cast %swap3A_582 : vector<1x16xi32> to vector<16xi32>
        %swap3A_584 = vector.shape_cast %shift_right_logical3A_579 : vector<16xi32> to vector<1x16xi32>
        tpu.vector_store %arg7[%swap3A_580, %swap3A_581], %swap3A_584 {strides = array<i32>} : memref<6x80xi32, #tpu.memory_space<vmem>>, vector<1x16xi32>,
        %and3A_585 = arith.constant 16383 : i32
        %and3A_586 = vector.broadcast %and3A_585 : i32 to vector<16xi32>
        %and3A_587 = arith.andi %get3A_576, %and3A_586 : vector<16xi32>
        %swap3A_588 = arith.index_cast %add3A_512 : i32 to index
        %swap3A_589 = arith.constant 48 : index
        %swap3A_590 = tpu.vector_load %arg8[%swap3A_588, %swap3A_589] {strides = array<i32>} : memref<6x80xi32, #tpu.memory_space<vmem>>, vector<1x16xi32>,
        %swap3A_591 = vector.shape_cast %swap3A_590 : vector<1x16xi32> to vector<16xi32>
        %swap3A_592 = vector.shape_cast %and3A_587 : vector<16xi32> to vector<1x16xi32>
        tpu.vector_store %arg8[%swap3A_588, %swap3A_589], %swap3A_592 {strides = array<i32>} : memref<6x80xi32, #tpu.memory_space<vmem>>, vector<1x16xi32>,
        %get3A_593 = arith.index_cast %add3A_494 : i32 to index
        %get3A_594 = arith.constant 64 : index
        %get3A_595 = tpu.vector_load %arg6[%get3A_593, %get3A_594] {strides = array<i32>} : memref<125x80xi32, #tpu.memory_space<vmem>>, vector<1x16xi32>,
        %get3A_596 = vector.shape_cast %get3A_595 : vector<1x16xi32> to vector<16xi32>
        %shift_right_logical3A_597 = arith.constant 14 : i32
        %shift_right_logical3A_598 = vector.broadcast %shift_right_logical3A_597 : i32 to vector<16xi32>
        %shift_right_logical3A_599 = arith.shrui %get3A_596, %shift_right_logical3A_598 : vector<16xi32>
        %swap3A_600 = arith.index_cast %add3A_512 : i32 to index
        %swap3A_601 = arith.constant 64 : index
        %swap3A_602 = tpu.vector_load %arg7[%swap3A_600, %swap3A_601] {strides = array<i32>} : memref<6x80xi32, #tpu.memory_space<vmem>>, vector<1x16xi32>,
        %swap3A_603 = vector.shape_cast %swap3A_602 : vector<1x16xi32> to vector<16xi32>
        %swap3A_604 = vector.shape_cast %shift_right_logical3A_599 : vector<16xi32> to vector<1x16xi32>
        tpu.vector_store %arg7[%swap3A_600, %swap3A_601], %swap3A_604 {strides = array<i32>} : memref<6x80xi32, #tpu.memory_space<vmem>>, vector<1x16xi32>,
        %and3A_605 = arith.constant 16383 : i32
        %and3A_606 = vector.broadcast %and3A_605 : i32 to vector<16xi32>
        %and3A_607 = arith.andi %get3A_596, %and3A_606 : vector<16xi32>
        %swap3A_608 = arith.index_cast %add3A_512 : i32 to index
        %swap3A_609 = arith.constant 64 : index
        %swap3A_610 = tpu.vector_load %arg8[%swap3A_608, %swap3A_609] {strides = array<i32>} : memref<6x80xi32, #tpu.memory_space<vmem>>, vector<1x16xi32>,
        %swap3A_611 = vector.shape_cast %swap3A_610 : vector<1x16xi32> to vector<16xi32>
        %swap3A_612 = vector.shape_cast %and3A_607 : vector<16xi32> to vector<1x16xi32>
        tpu.vector_store %arg8[%swap3A_608, %swap3A_609], %swap3A_612 {strides = array<i32>} : memref<6x80xi32, #tpu.memory_space<vmem>>, vector<1x16xi32>,
        %add3A_613 = arith.constant 1 : i32
        %add3A_614 = arith.addi %mul3A_426, %add3A_613 : i32
        %dma_wait3A_615 = arith.constant 0 : i32
        %dma_wait3A_616 = tpu.memref_slice %arg8[%add3A_614, %dma_wait3A_615] : memref<6x80xi32, #tpu.memory_space<vmem>> -> memref<1x80xi32, #tpu.memory_space<vmem>>
        %dma_wait3A_617 = tpu.memref_squeeze %dma_wait3A_616 : memref<1x80xi32, #tpu.memory_space<vmem>> -> memref<80xi32, #tpu.memory_space<vmem>>
        %dma_wait3A_618 = arith.constant 0 : i32
        %dma_wait3A_619 = arith.constant 0 : i32
        %dma_wait3A_620 = tpu.memref_slice %arg12[%dma_wait3A_618, %dma_wait3A_619] : memref<10000x128xf32, #tpu.memory_space<vmem_shared>> -> memref<10000x128xf32, #tpu.memory_space<vmem_shared>>
        tpu.wait_indirect_dma semaphore(%arg17 : memref<!tpu.dma_semaphore, #tpu.memory_space<semaphore_mem>>) src(%arg10 : memref<80x128xf32, #tpu.memory_space<vmem>>) dst(%dma_wait3A_620 : memref<10000x128xf32, #tpu.memory_space<vmem_shared>>)
        %add3A_621 = arith.constant 1 : i32
        %add3A_622 = arith.addi %mul3A_432, %add3A_621 : i32
        %dma_start3A_623 = arith.constant 0 : i32
        %dma_start3A_624 = tpu.memref_slice %arg7[%add3A_622, %dma_start3A_623] : memref<6x80xi32, #tpu.memory_space<vmem>> -> memref<1x80xi32, #tpu.memory_space<vmem>>
        %dma_start3A_625 = tpu.memref_squeeze %dma_start3A_624 : memref<1x80xi32, #tpu.memory_space<vmem>> -> memref<80xi32, #tpu.memory_space<vmem>>
        %dma_start3A_626 = arith.constant 0 : i32
        %dma_start3A_627 = arith.constant 0 : i32
        %dma_start3A_628 = tpu.memref_slice %arg2[%dma_start3A_626, %dma_start3A_627] : memref<110000x128xf32, #tpu.memory_space<hbm>> -> memref<110000x128xf32, #tpu.memory_space<hbm>>
        tpu.enqueue_indirect_dma source(%dma_start3A_628 : memref<110000x128xf32, #tpu.memory_space<hbm>>) target(%arg10 : memref<80x128xf32, #tpu.memory_space<vmem>>) offsets(%dma_start3A_625 : memref<80xi32, #tpu.memory_space<vmem>>) semaphore(%arg14 : memref<!tpu.dma_semaphore, #tpu.memory_space<semaphore_mem>>)
      } else {
      }
      %mul3A_500 = arith.constant 3 : i32
      %mul3A_501 = arith.muli %scan3A_422, %mul3A_500 : i32
      %add3A_502 = arith.constant 2 : i32
      %add3A_503 = arith.addi %mul3A_501, %add3A_502 : i32
      %add3A_504 = arith.constant 3 : i32
      %add3A_505 = arith.addi %add3A_503, %add3A_504 : i32
      %lt3A_506 = arith.constant 125 : i32
      %lt3A_507 = arith.cmpi slt, %add3A_505, %lt3A_506 : i32
      %convert_element_type3A_508 = arith.extui %lt3A_507 : i1 to i32
      %cond3A_509 = arith.constant 0 : i32
      %cond3A_510 = arith.cmpi ne, %convert_element_type3A_508, %cond3A_509 : i32
      scf.if %cond3A_510 {
        %add3A_511 = arith.constant 2 : i32
        %add3A_512 = arith.addi %mul3A_432, %add3A_511 : i32
        %get3A_513 = arith.index_cast %add3A_505 : i32 to index
        %get3A_514 = arith.constant 0 : index
        %get3A_515 = tpu.vector_load %arg6[%get3A_513, %get3A_514] {strides = array<i32>} : memref<125x80xi32, #tpu.memory_space<vmem>>, vector<1x16xi32>,
        %get3A_516 = vector.shape_cast %get3A_515 : vector<1x16xi32> to vector<16xi32>
        %shift_right_logical3A_517 = arith.constant 14 : i32
        %shift_right_logical3A_518 = vector.broadcast %shift_right_logical3A_517 : i32 to vector<16xi32>
        %shift_right_logical3A_519 = arith.shrui %get3A_516, %shift_right_logical3A_518 : vector<16xi32>
        %swap3A_520 = arith.index_cast %add3A_512 : i32 to index
        %swap3A_521 = arith.constant 0 : index
        %swap3A_522 = tpu.vector_load %arg7[%swap3A_520, %swap3A_521] {strides = array<i32>} : memref<6x80xi32, #tpu.memory_space<vmem>>, vector<1x16xi32>,
        %swap3A_523 = vector.shape_cast %swap3A_522 : vector<1x16xi32> to vector<16xi32>
        %swap3A_524 = vector.shape_cast %shift_right_logical3A_519 : vector<16xi32> to vector<1x16xi32>
        tpu.vector_store %arg7[%swap3A_520, %swap3A_521], %swap3A_524 {strides = array<i32>} : memref<6x80xi32, #tpu.memory_space<vmem>>, vector<1x16xi32>,
        %and3A_525 = arith.constant 16383 : i32
        %and3A_526 = vector.broadcast %and3A_525 : i32 to vector<16xi32>
        %and3A_527 = arith.andi %get3A_516, %and3A_526 : vector<16xi32>
        %swap3A_528 = arith.index_cast %add3A_512 : i32 to index
        %swap3A_529 = arith.constant 0 : index
        %swap3A_530 = tpu.vector_load %arg8[%swap3A_528, %swap3A_529] {strides = array<i32>} : memref<6x80xi32, #tpu.memory_space<vmem>>, vector<1x16xi32>,
        %swap3A_531 = vector.shape_cast %swap3A_530 : vector<1x16xi32> to vector<16xi32>
        %swap3A_532 = vector.shape_cast %and3A_527 : vector<16xi32> to vector<1x16xi32>
        tpu.vector_store %arg8[%swap3A_528, %swap3A_529], %swap3A_532 {strides = array<i32>} : memref<6x80xi32, #tpu.memory_space<vmem>>, vector<1x16xi32>,
        %get3A_533 = arith.index_cast %add3A_505 : i32 to index
        %get3A_534 = arith.constant 16 : index
        %get3A_535 = tpu.vector_load %arg6[%get3A_533, %get3A_534] {strides = array<i32>} : memref<125x80xi32, #tpu.memory_space<vmem>>, vector<1x16xi32>,
        %get3A_536 = vector.shape_cast %get3A_535 : vector<1x16xi32> to vector<16xi32>
        %shift_right_logical3A_537 = arith.constant 14 : i32
        %shift_right_logical3A_538 = vector.broadcast %shift_right_logical3A_537 : i32 to vector<16xi32>
        %shift_right_logical3A_539 = arith.shrui %get3A_536, %shift_right_logical3A_538 : vector<16xi32>
        %swap3A_540 = arith.index_cast %add3A_512 : i32 to index
        %swap3A_541 = arith.constant 16 : index
        %swap3A_542 = tpu.vector_load %arg7[%swap3A_540, %swap3A_541] {strides = array<i32>} : memref<6x80xi32, #tpu.memory_space<vmem>>, vector<1x16xi32>,
        %swap3A_543 = vector.shape_cast %swap3A_542 : vector<1x16xi32> to vector<16xi32>
        %swap3A_544 = vector.shape_cast %shift_right_logical3A_539 : vector<16xi32> to vector<1x16xi32>
        tpu.vector_store %arg7[%swap3A_540, %swap3A_541], %swap3A_544 {strides = array<i32>} : memref<6x80xi32, #tpu.memory_space<vmem>>, vector<1x16xi32>,
        %and3A_545 = arith.constant 16383 : i32
        %and3A_546 = vector.broadcast %and3A_545 : i32 to vector<16xi32>
        %and3A_547 = arith.andi %get3A_536, %and3A_546 : vector<16xi32>
        %swap3A_548 = arith.index_cast %add3A_512 : i32 to index
        %swap3A_549 = arith.constant 16 : index
        %swap3A_550 = tpu.vector_load %arg8[%swap3A_548, %swap3A_549] {strides = array<i32>} : memref<6x80xi32, #tpu.memory_space<vmem>>, vector<1x16xi32>,
        %swap3A_551 = vector.shape_cast %swap3A_550 : vector<1x16xi32> to vector<16xi32>
        %swap3A_552 = vector.shape_cast %and3A_547 : vector<16xi32> to vector<1x16xi32>
        tpu.vector_store %arg8[%swap3A_548, %swap3A_549], %swap3A_552 {strides = array<i32>} : memref<6x80xi32, #tpu.memory_space<vmem>>, vector<1x16xi32>,
        %get3A_553 = arith.index_cast %add3A_505 : i32 to index
        %get3A_554 = arith.constant 32 : index
        %get3A_555 = tpu.vector_load %arg6[%get3A_553, %get3A_554] {strides = array<i32>} : memref<125x80xi32, #tpu.memory_space<vmem>>, vector<1x16xi32>,
        %get3A_556 = vector.shape_cast %get3A_555 : vector<1x16xi32> to vector<16xi32>
        %shift_right_logical3A_557 = arith.constant 14 : i32
        %shift_right_logical3A_558 = vector.broadcast %shift_right_logical3A_557 : i32 to vector<16xi32>
        %shift_right_logical3A_559 = arith.shrui %get3A_556, %shift_right_logical3A_558 : vector<16xi32>
        %swap3A_560 = arith.index_cast %add3A_512 : i32 to index
        %swap3A_561 = arith.constant 32 : index
        %swap3A_562 = tpu.vector_load %arg7[%swap3A_560, %swap3A_561] {strides = array<i32>} : memref<6x80xi32, #tpu.memory_space<vmem>>, vector<1x16xi32>,
        %swap3A_563 = vector.shape_cast %swap3A_562 : vector<1x16xi32> to vector<16xi32>
        %swap3A_564 = vector.shape_cast %shift_right_logical3A_559 : vector<16xi32> to vector<1x16xi32>
        tpu.vector_store %arg7[%swap3A_560, %swap3A_561], %swap3A_564 {strides = array<i32>} : memref<6x80xi32, #tpu.memory_space<vmem>>, vector<1x16xi32>,
        %and3A_565 = arith.constant 16383 : i32
        %and3A_566 = vector.broadcast %and3A_565 : i32 to vector<16xi32>
        %and3A_567 = arith.andi %get3A_556, %and3A_566 : vector<16xi32>
        %swap3A_568 = arith.index_cast %add3A_512 : i32 to index
        %swap3A_569 = arith.constant 32 : index
        %swap3A_570 = tpu.vector_load %arg8[%swap3A_568, %swap3A_569] {strides = array<i32>} : memref<6x80xi32, #tpu.memory_space<vmem>>, vector<1x16xi32>,
        %swap3A_571 = vector.shape_cast %swap3A_570 : vector<1x16xi32> to vector<16xi32>
        %swap3A_572 = vector.shape_cast %and3A_567 : vector<16xi32> to vector<1x16xi32>
        tpu.vector_store %arg8[%swap3A_568, %swap3A_569], %swap3A_572 {strides = array<i32>} : memref<6x80xi32, #tpu.memory_space<vmem>>, vector<1x16xi32>,
        %get3A_573 = arith.index_cast %add3A_505 : i32 to index
        %get3A_574 = arith.constant 48 : index
        %get3A_575 = tpu.vector_load %arg6[%get3A_573, %get3A_574] {strides = array<i32>} : memref<125x80xi32, #tpu.memory_space<vmem>>, vector<1x16xi32>,
        %get3A_576 = vector.shape_cast %get3A_575 : vector<1x16xi32> to vector<16xi32>
        %shift_right_logical3A_577 = arith.constant 14 : i32
        %shift_right_logical3A_578 = vector.broadcast %shift_right_logical3A_577 : i32 to vector<16xi32>
        %shift_right_logical3A_579 = arith.shrui %get3A_576, %shift_right_logical3A_578 : vector<16xi32>
        %swap3A_580 = arith.index_cast %add3A_512 : i32 to index
        %swap3A_581 = arith.constant 48 : index
        %swap3A_582 = tpu.vector_load %arg7[%swap3A_580, %swap3A_581] {strides = array<i32>} : memref<6x80xi32, #tpu.memory_space<vmem>>, vector<1x16xi32>,
        %swap3A_583 = vector.shape_cast %swap3A_582 : vector<1x16xi32> to vector<16xi32>
        %swap3A_584 = vector.shape_cast %shift_right_logical3A_579 : vector<16xi32> to vector<1x16xi32>
        tpu.vector_store %arg7[%swap3A_580, %swap3A_581], %swap3A_584 {strides = array<i32>} : memref<6x80xi32, #tpu.memory_space<vmem>>, vector<1x16xi32>,
        %and3A_585 = arith.constant 16383 : i32
        %and3A_586 = vector.broadcast %and3A_585 : i32 to vector<16xi32>
        %and3A_587 = arith.andi %get3A_576, %and3A_586 : vector<16xi32>
        %swap3A_588 = arith.index_cast %add3A_512 : i32 to index
        %swap3A_589 = arith.constant 48 : index
        %swap3A_590 = tpu.vector_load %arg8[%swap3A_588, %swap3A_589] {strides = array<i32>} : memref<6x80xi32, #tpu.memory_space<vmem>>, vector<1x16xi32>,
        %swap3A_591 = vector.shape_cast %swap3A_590 : vector<1x16xi32> to vector<16xi32>
        %swap3A_592 = vector.shape_cast %and3A_587 : vector<16xi32> to vector<1x16xi32>
        tpu.vector_store %arg8[%swap3A_588, %swap3A_589], %swap3A_592 {strides = array<i32>} : memref<6x80xi32, #tpu.memory_space<vmem>>, vector<1x16xi32>,
        %get3A_593 = arith.index_cast %add3A_505 : i32 to index
        %get3A_594 = arith.constant 64 : index
        %get3A_595 = tpu.vector_load %arg6[%get3A_593, %get3A_594] {strides = array<i32>} : memref<125x80xi32, #tpu.memory_space<vmem>>, vector<1x16xi32>,
        %get3A_596 = vector.shape_cast %get3A_595 : vector<1x16xi32> to vector<16xi32>
        %shift_right_logical3A_597 = arith.constant 14 : i32
        %shift_right_logical3A_598 = vector.broadcast %shift_right_logical3A_597 : i32 to vector<16xi32>
        %shift_right_logical3A_599 = arith.shrui %get3A_596, %shift_right_logical3A_598 : vector<16xi32>
        %swap3A_600 = arith.index_cast %add3A_512 : i32 to index
        %swap3A_601 = arith.constant 64 : index
        %swap3A_602 = tpu.vector_load %arg7[%swap3A_600, %swap3A_601] {strides = array<i32>} : memref<6x80xi32, #tpu.memory_space<vmem>>, vector<1x16xi32>,
        %swap3A_603 = vector.shape_cast %swap3A_602 : vector<1x16xi32> to vector<16xi32>
        %swap3A_604 = vector.shape_cast %shift_right_logical3A_599 : vector<16xi32> to vector<1x16xi32>
        tpu.vector_store %arg7[%swap3A_600, %swap3A_601], %swap3A_604 {strides = array<i32>} : memref<6x80xi32, #tpu.memory_space<vmem>>, vector<1x16xi32>,
        %and3A_605 = arith.constant 16383 : i32
        %and3A_606 = vector.broadcast %and3A_605 : i32 to vector<16xi32>
        %and3A_607 = arith.andi %get3A_596, %and3A_606 : vector<16xi32>
        %swap3A_608 = arith.index_cast %add3A_512 : i32 to index
        %swap3A_609 = arith.constant 64 : index
        %swap3A_610 = tpu.vector_load %arg8[%swap3A_608, %swap3A_609] {strides = array<i32>} : memref<6x80xi32, #tpu.memory_space<vmem>>, vector<1x16xi32>,
        %swap3A_611 = vector.shape_cast %swap3A_610 : vector<1x16xi32> to vector<16xi32>
        %swap3A_612 = vector.shape_cast %and3A_607 : vector<16xi32> to vector<1x16xi32>
        tpu.vector_store %arg8[%swap3A_608, %swap3A_609], %swap3A_612 {strides = array<i32>} : memref<6x80xi32, #tpu.memory_space<vmem>>, vector<1x16xi32>,
        %add3A_613 = arith.constant 2 : i32
        %add3A_614 = arith.addi %mul3A_426, %add3A_613 : i32
        %dma_wait3A_615 = arith.constant 0 : i32
        %dma_wait3A_616 = tpu.memref_slice %arg8[%add3A_614, %dma_wait3A_615] : memref<6x80xi32, #tpu.memory_space<vmem>> -> memref<1x80xi32, #tpu.memory_space<vmem>>
        %dma_wait3A_617 = tpu.memref_squeeze %dma_wait3A_616 : memref<1x80xi32, #tpu.memory_space<vmem>> -> memref<80xi32, #tpu.memory_space<vmem>>
        %dma_wait3A_618 = arith.constant 0 : i32
        %dma_wait3A_619 = arith.constant 0 : i32
        %dma_wait3A_620 = tpu.memref_slice %arg12[%dma_wait3A_618, %dma_wait3A_619] : memref<10000x128xf32, #tpu.memory_space<vmem_shared>> -> memref<10000x128xf32, #tpu.memory_space<vmem_shared>>
        tpu.wait_indirect_dma semaphore(%arg18 : memref<!tpu.dma_semaphore, #tpu.memory_space<semaphore_mem>>) src(%arg11 : memref<80x128xf32, #tpu.memory_space<vmem>>) dst(%dma_wait3A_620 : memref<10000x128xf32, #tpu.memory_space<vmem_shared>>)
        %add3A_621 = arith.constant 2 : i32
        %add3A_622 = arith.addi %mul3A_432, %add3A_621 : i32
        %dma_start3A_623 = arith.constant 0 : i32
        %dma_start3A_624 = tpu.memref_slice %arg7[%add3A_622, %dma_start3A_623] : memref<6x80xi32, #tpu.memory_space<vmem>> -> memref<1x80xi32, #tpu.memory_space<vmem>>
        %dma_start3A_625 = tpu.memref_squeeze %dma_start3A_624 : memref<1x80xi32, #tpu.memory_space<vmem>> -> memref<80xi32, #tpu.memory_space<vmem>>
        %dma_start3A_626 = arith.constant 0 : i32
        %dma_start3A_627 = arith.constant 0 : i32
        %dma_start3A_628 = tpu.memref_slice %arg2[%dma_start3A_626, %dma_start3A_627] : memref<110000x128xf32, #tpu.memory_space<hbm>> -> memref<110000x128xf32, #tpu.memory_space<hbm>>
        tpu.enqueue_indirect_dma source(%dma_start3A_628 : memref<110000x128xf32, #tpu.memory_space<hbm>>) target(%arg11 : memref<80x128xf32, #tpu.memory_space<vmem>>) offsets(%dma_start3A_625 : memref<80xi32, #tpu.memory_space<vmem>>) semaphore(%arg15 : memref<!tpu.dma_semaphore, #tpu.memory_space<semaphore_mem>>)
      } else {
      }
    }
    %scan3A_368 = arith.constant 41 : i32
    %dma_wait3A = arith.constant 3 : i32
    %dma_wait3A_369 = arith.constant 0 : i32
    %dma_wait3A_370 = tpu.memref_slice %arg7[%dma_wait3A, %dma_wait3A_369] : memref<6x80xi32, #tpu.memory_space<vmem>> -> memref<1x80xi32, #tpu.memory_space<vmem>>
    %dma_wait3A_371 = tpu.memref_squeeze %dma_wait3A_370 : memref<1x80xi32, #tpu.memory_space<vmem>> -> memref<80xi32, #tpu.memory_space<vmem>>
    %dma_wait3A_372 = arith.constant 0 : i32
    %dma_wait3A_373 = arith.constant 0 : i32
    %dma_wait3A_374 = tpu.memref_slice %arg2[%dma_wait3A_372, %dma_wait3A_373] : memref<110000x128xf32, #tpu.memory_space<hbm>> -> memref<110000x128xf32, #tpu.memory_space<hbm>>
    tpu.wait_indirect_dma semaphore(%arg13 : memref<!tpu.dma_semaphore, #tpu.memory_space<semaphore_mem>>) src(%dma_wait3A_374 : memref<110000x128xf32, #tpu.memory_space<hbm>>) dst(%arg9 : memref<80x128xf32, #tpu.memory_space<vmem>>)
    %dma_start3A_375 = arith.constant 3 : i32
    %dma_start3A_376 = arith.constant 0 : i32
    %dma_start3A_377 = tpu.memref_slice %arg8[%dma_start3A_375, %dma_start3A_376] : memref<6x80xi32, #tpu.memory_space<vmem>> -> memref<1x80xi32, #tpu.memory_space<vmem>>
    %dma_start3A_378 = tpu.memref_squeeze %dma_start3A_377 : memref<1x80xi32, #tpu.memory_space<vmem>> -> memref<80xi32, #tpu.memory_space<vmem>>
    %dma_start3A_379 = arith.constant 0 : i32
    %dma_start3A_380 = arith.constant 0 : i32
    %dma_start3A_381 = tpu.memref_slice %arg12[%dma_start3A_379, %dma_start3A_380] : memref<10000x128xf32, #tpu.memory_space<vmem_shared>> -> memref<10000x128xf32, #tpu.memory_space<vmem_shared>>
    tpu.enqueue_indirect_dma source(%arg9 : memref<80x128xf32, #tpu.memory_space<vmem>>) target(%dma_start3A_381 : memref<10000x128xf32, #tpu.memory_space<vmem_shared>>) offsets(%dma_start3A_378 : memref<80xi32, #tpu.memory_space<vmem>>) semaphore(%arg16 : memref<!tpu.dma_semaphore, #tpu.memory_space<semaphore_mem>>) {add = true}
    %dma_wait3A_382 = arith.constant 4 : i32
    %dma_wait3A_383 = arith.constant 0 : i32
    %dma_wait3A_384 = tpu.memref_slice %arg7[%dma_wait3A_382, %dma_wait3A_383] : memref<6x80xi32, #tpu.memory_space<vmem>> -> memref<1x80xi32, #tpu.memory_space<vmem>>
    %dma_wait3A_385 = tpu.memref_squeeze %dma_wait3A_384 : memref<1x80xi32, #tpu.memory_space<vmem>> -> memref<80xi32, #tpu.memory_space<vmem>>
    %dma_wait3A_386 = arith.constant 0 : i32
    %dma_wait3A_387 = arith.constant 0 : i32
    %dma_wait3A_388 = tpu.memref_slice %arg2[%dma_wait3A_386, %dma_wait3A_387] : memref<110000x128xf32, #tpu.memory_space<hbm>> -> memref<110000x128xf32, #tpu.memory_space<hbm>>
    tpu.wait_indirect_dma semaphore(%arg14 : memref<!tpu.dma_semaphore, #tpu.memory_space<semaphore_mem>>) src(%dma_wait3A_388 : memref<110000x128xf32, #tpu.memory_space<hbm>>) dst(%arg10 : memref<80x128xf32, #tpu.memory_space<vmem>>)
    %dma_start3A_389 = arith.constant 4 : i32
    %dma_start3A_390 = arith.constant 0 : i32
    %dma_start3A_391 = tpu.memref_slice %arg8[%dma_start3A_389, %dma_start3A_390] : memref<6x80xi32, #tpu.memory_space<vmem>> -> memref<1x80xi32, #tpu.memory_space<vmem>>
    %dma_start3A_392 = tpu.memref_squeeze %dma_start3A_391 : memref<1x80xi32, #tpu.memory_space<vmem>> -> memref<80xi32, #tpu.memory_space<vmem>>
    %dma_start3A_393 = arith.constant 0 : i32
    %dma_start3A_394 = arith.constant 0 : i32
    %dma_start3A_395 = tpu.memref_slice %arg12[%dma_start3A_393, %dma_start3A_394] : memref<10000x128xf32, #tpu.memory_space<vmem_shared>> -> memref<10000x128xf32, #tpu.memory_space<vmem_shared>>
    tpu.enqueue_indirect_dma source(%arg10 : memref<80x128xf32, #tpu.memory_space<vmem>>) target(%dma_start3A_395 : memref<10000x128xf32, #tpu.memory_space<vmem_shared>>) offsets(%dma_start3A_392 : memref<80xi32, #tpu.memory_space<vmem>>) semaphore(%arg17 : memref<!tpu.dma_semaphore, #tpu.memory_space<semaphore_mem>>) {add = true}
    %dma_wait3A_396 = arith.constant 0 : i32
    %dma_wait3A_397 = arith.constant 0 : i32
    %dma_wait3A_398 = tpu.memref_slice %arg8[%dma_wait3A_396, %dma_wait3A_397] : memref<6x80xi32, #tpu.memory_space<vmem>> -> memref<1x80xi32, #tpu.memory_space<vmem>>
    %dma_wait3A_399 = tpu.memref_squeeze %dma_wait3A_398 : memref<1x80xi32, #tpu.memory_space<vmem>> -> memref<80xi32, #tpu.memory_space<vmem>>
    %dma_wait3A_400 = arith.constant 0 : i32
    %dma_wait3A_401 = arith.constant 0 : i32
    %dma_wait3A_402 = tpu.memref_slice %arg12[%dma_wait3A_400, %dma_wait3A_401] : memref<10000x128xf32, #tpu.memory_space<vmem_shared>> -> memref<10000x128xf32, #tpu.memory_space<vmem_shared>>
    tpu.wait_indirect_dma semaphore(%arg16 : memref<!tpu.dma_semaphore, #tpu.memory_space<semaphore_mem>>) src(%arg9 : memref<80x128xf32, #tpu.memory_space<vmem>>) dst(%dma_wait3A_402 : memref<10000x128xf32, #tpu.memory_space<vmem_shared>>)
    %dma_wait3A_403 = arith.constant 1 : i32
    %dma_wait3A_404 = arith.constant 0 : i32
    %dma_wait3A_405 = tpu.memref_slice %arg8[%dma_wait3A_403, %dma_wait3A_404] : memref<6x80xi32, #tpu.memory_space<vmem>> -> memref<1x80xi32, #tpu.memory_space<vmem>>
    %dma_wait3A_406 = tpu.memref_squeeze %dma_wait3A_405 : memref<1x80xi32, #tpu.memory_space<vmem>> -> memref<80xi32, #tpu.memory_space<vmem>>
    %dma_wait3A_407 = arith.constant 0 : i32
    %dma_wait3A_408 = arith.constant 0 : i32
    %dma_wait3A_409 = tpu.memref_slice %arg12[%dma_wait3A_407, %dma_wait3A_408] : memref<10000x128xf32, #tpu.memory_space<vmem_shared>> -> memref<10000x128xf32, #tpu.memory_space<vmem_shared>>
    tpu.wait_indirect_dma semaphore(%arg17 : memref<!tpu.dma_semaphore, #tpu.memory_space<semaphore_mem>>) src(%arg10 : memref<80x128xf32, #tpu.memory_space<vmem>>) dst(%dma_wait3A_409 : memref<10000x128xf32, #tpu.memory_space<vmem_shared>>)
    %dma_wait3A_410 = arith.constant 2 : i32
    %dma_wait3A_411 = arith.constant 0 : i32
    %dma_wait3A_412 = tpu.memref_slice %arg8[%dma_wait3A_410, %dma_wait3A_411] : memref<6x80xi32, #tpu.memory_space<vmem>> -> memref<1x80xi32, #tpu.memory_space<vmem>>
    %dma_wait3A_413 = tpu.memref_squeeze %dma_wait3A_412 : memref<1x80xi32, #tpu.memory_space<vmem>> -> memref<80xi32, #tpu.memory_space<vmem>>
    %dma_wait3A_414 = arith.constant 0 : i32
    %dma_wait3A_415 = arith.constant 0 : i32
    %dma_wait3A_416 = tpu.memref_slice %arg12[%dma_wait3A_414, %dma_wait3A_415] : memref<10000x128xf32, #tpu.memory_space<vmem_shared>> -> memref<10000x128xf32, #tpu.memory_space<vmem_shared>>
    tpu.wait_indirect_dma semaphore(%arg18 : memref<!tpu.dma_semaphore, #tpu.memory_space<semaphore_mem>>) src(%arg11 : memref<80x128xf32, #tpu.memory_space<vmem>>) dst(%dma_wait3A_416 : memref<10000x128xf32, #tpu.memory_space<vmem_shared>>)
    %barrier3A_417 = arith.constant 0 : index
    tpu.barrier barrier_id(%barrier3A_417)
    %mul3A_418 = arith.constant 624 : i32
    %mul3A_419 = arith.muli %arg1, %mul3A_418 : i32
    %mul3A_420 = arith.constant 624 : i32
    %mul3A_421 = arith.muli %arg1, %mul3A_420 : i32
    "tpu.region"() ({
      %run_scoped3A = tpu.sem_alloc : memref<!tpu.dma_semaphore, #tpu.memory_space<semaphore_mem>>
      %dma_start3A_422 = arith.constant 0 : i32
      %dma_start3A_423 = tpu.memref_slice %arg5[%arg0, %mul3A_421, %dma_start3A_422] : memref<2x10000x128xf32, #tpu.memory_space<hbm>> -> memref<1x640x128xf32, #tpu.memory_space<hbm>>
      %dma_start3A_424 = tpu.memref_squeeze %dma_start3A_423 : memref<1x640x128xf32, #tpu.memory_space<hbm>> -> memref<640x128xf32, #tpu.memory_space<hbm>>
      %dma_start3A_425 = arith.constant 0 : i32
      %dma_start3A_426 = tpu.memref_slice %arg12[%mul3A_419, %dma_start3A_425] : memref<10000x128xf32, #tpu.memory_space<vmem_shared>> -> memref<640x128xf32, #tpu.memory_space<vmem_shared>>
      tpu.enqueue_dma source(%dma_start3A_426 : memref<640x128xf32, #tpu.memory_space<vmem_shared>>) target(%dma_start3A_424 : memref<640x128xf32, #tpu.memory_space<hbm>>) target_semaphore(%run_scoped3A : memref<!tpu.dma_semaphore, #tpu.memory_space<semaphore_mem>>)
      %dma_wait3A_427 = arith.constant 0 : i32
      %dma_wait3A_428 = tpu.memref_slice %arg5[%arg0, %mul3A_421, %dma_wait3A_427] : memref<2x10000x128xf32, #tpu.memory_space<hbm>> -> memref<1x640x128xf32, #tpu.memory_space<hbm>>
      %dma_wait3A_429 = tpu.memref_squeeze %dma_wait3A_428 : memref<1x640x128xf32, #tpu.memory_space<hbm>> -> memref<640x128xf32, #tpu.memory_space<hbm>>
      %dma_wait3A_430 = arith.constant 0 : i32
      %dma_wait3A_431 = tpu.memref_slice %arg12[%mul3A_419, %dma_wait3A_430] : memref<10000x128xf32, #tpu.memory_space<vmem_shared>> -> memref<640x128xf32, #tpu.memory_space<vmem_shared>>
      tpu.wait_dma2 semaphore(%run_scoped3A : memref<!tpu.dma_semaphore, #tpu.memory_space<semaphore_mem>>) src(%dma_wait3A_431 : memref<640x128xf32, #tpu.memory_space<vmem_shared>>) dst(%dma_wait3A_429 : memref<640x128xf32, #tpu.memory_space<hbm>>)
      tpu.yield
    }) : () -> ()
    return
  }
}

#map = affine_map<(d0, d1) -> (0, 0)>
#map1 = affine_map<(d0, d1) -> (0, 0, 0)>
module attributes {stable_mosaic.version = 14 : i64} {
  func.func @_sc_body(%arg0: i32, %arg1: i32, %arg2: memref<110000x128xf32, #tpu.memory_space<hbm>>, %arg3: memref<32x125x80xi32, #tpu.memory_space<hbm>>, %arg4: memref<640x128xf32, #tpu.memory_space<hbm>>, %arg5: memref<2x10000x128xf32, #tpu.memory_space<hbm>>, %arg6: memref<125x80xi32, #tpu.memory_space<vmem>>, %arg7: memref<6x80xi32, #tpu.memory_space<vmem>>, %arg8: memref<6x80xi32, #tpu.memory_space<vmem>>, %arg9: memref<80x128xf32, #tpu.memory_space<vmem>>, %arg10: memref<80x128xf32, #tpu.memory_space<vmem>>, %arg11: memref<80x128xf32, #tpu.memory_space<vmem>>, %arg12: memref<10000x128xf32, #tpu.memory_space<vmem_shared>>, %arg13: memref<!tpu.dma_semaphore, #tpu.memory_space<semaphore_mem>>, %arg14: memref<!tpu.dma_semaphore, #tpu.memory_space<semaphore_mem>>, %arg15: memref<!tpu.dma_semaphore, #tpu.memory_space<semaphore_mem>>, %arg16: memref<!tpu.dma_semaphore, #tpu.memory_space<semaphore_mem>>, %arg17: memref<!tpu.dma_semaphore, #tpu.memory_space<semaphore_mem>>, %arg18: memref<!tpu.dma_semaphore, #tpu.memory_space<semaphore_mem>>) attributes {dimension_semantics = [#tpu.dimension_semantics<core_parallel>, #tpu.dimension_semantics<subcore_parallel>], iteration_bounds = array<i64: 2, 16>, scalar_prefetch = 0 : i64, scratch_operands = 13 : i64, tpu.core_type = #tpu.core_type<sc_vector_subcore>, window_params = [{transform_indices = #map}, {transform_indices = #map1}, {transform_indices = #map}, {transform_indices = #map1}]} {
    %mul3A = arith.constant 2 : i32
    %mul3A_0 = arith.muli %arg1, %mul3A : i32
    %add3A = arith.addi %mul3A_0, %arg0 : i32
    %mul3A_1 = arith.constant 624 : i32
    %mul3A_2 = arith.muli %arg1, %mul3A_1 : i32
    "tpu.region"() ({
      %run_scoped3A = tpu.sem_alloc : memref<!tpu.dma_semaphore, #tpu.memory_space<semaphore_mem>>
      %dma_start3A_422 = arith.constant 0 : i32
      %dma_start3A_423 = tpu.memref_slice %arg12[%mul3A_2, %dma_start3A_422] : memref<10000x128xf32, #tpu.memory_space<vmem_shared>> -> memref<640x128xf32, #tpu.memory_space<vmem_shared>>
      tpu.enqueue_dma source(%arg4 : memref<640x128xf32, #tpu.memory_space<hbm>>) target(%dma_start3A_423 : memref<640x128xf32, #tpu.memory_space<vmem_shared>>) target_semaphore(%run_scoped3A : memref<!tpu.dma_semaphore, #tpu.memory_space<semaphore_mem>>)
      %dma_wait3A_424 = arith.constant 0 : i32
      %dma_wait3A_425 = tpu.memref_slice %arg12[%mul3A_2, %dma_wait3A_424] : memref<10000x128xf32, #tpu.memory_space<vmem_shared>> -> memref<640x128xf32, #tpu.memory_space<vmem_shared>>
      tpu.wait_dma2 semaphore(%run_scoped3A : memref<!tpu.dma_semaphore, #tpu.memory_space<semaphore_mem>>) src(%arg4 : memref<640x128xf32, #tpu.memory_space<hbm>>) dst(%dma_wait3A_425 : memref<640x128xf32, #tpu.memory_space<vmem_shared>>)
      tpu.yield
    }) : () -> ()
    "tpu.region"() ({
      %run_scoped3A = tpu.sem_alloc : memref<!tpu.dma_semaphore, #tpu.memory_space<semaphore_mem>>
      %dma_start3A_422 = arith.constant 0 : i32
      %dma_start3A_423 = arith.constant 0 : i32
      %dma_start3A_424 = tpu.memref_slice %arg3[%add3A, %dma_start3A_422, %dma_start3A_423] : memref<32x125x80xi32, #tpu.memory_space<hbm>> -> memref<1x125x80xi32, #tpu.memory_space<hbm>>
      %dma_start3A_425 = tpu.memref_squeeze %dma_start3A_424 : memref<1x125x80xi32, #tpu.memory_space<hbm>> -> memref<125x80xi32, #tpu.memory_space<hbm>>
      %dma_start3A_426 = arith.constant 0 : i32
      %dma_start3A_427 = arith.constant 0 : i32
      %dma_start3A_428 = tpu.memref_slice %arg3[%add3A, %dma_start3A_426, %dma_start3A_427] : memref<32x125x80xi32, #tpu.memory_space<hbm>> -> memref<1x125x80xi32, #tpu.memory_space<hbm>>
      %dma_start3A_429 = tpu.memref_squeeze %dma_start3A_428 : memref<1x125x80xi32, #tpu.memory_space<hbm>> -> memref<125x80xi32, #tpu.memory_space<hbm>>
      tpu.enqueue_dma source(%dma_start3A_429 : memref<125x80xi32, #tpu.memory_space<hbm>>) target(%arg6 : memref<125x80xi32, #tpu.memory_space<vmem>>) target_semaphore(%run_scoped3A : memref<!tpu.dma_semaphore, #tpu.memory_space<semaphore_mem>>)
      %dma_wait3A_430 = arith.constant 0 : i32
      %dma_wait3A_431 = arith.constant 0 : i32
      %dma_wait3A_432 = tpu.memref_slice %arg3[%add3A, %dma_wait3A_430, %dma_wait3A_431] : memref<32x125x80xi32, #tpu.memory_space<hbm>> -> memref<1x125x80xi32, #tpu.memory_space<hbm>>
      %dma_wait3A_433 = tpu.memref_squeeze %dma_wait3A_432 : memref<1x125x80xi32, #tpu.memory_space<hbm>> -> memref<125x80xi32, #tpu.memory_space<hbm>>
      %dma_wait3A_434 = arith.constant 0 : i32
      %dma_wait3A_435 = arith.constant 0 : i32
      %dma_wait3A_436 = tpu.memref_slice %arg3[%add3A, %dma_wait3A_434, %dma_wait3A_435] : memref<32x125x80xi32, #tpu.memory_space<hbm>> -> memref<1x125x80xi32, #tpu.memory_space<hbm>>
      %dma_wait3A_437 = tpu.memref_squeeze %dma_wait3A_436 : memref<1x125x80xi32, #tpu.memory_space<hbm>> -> memref<125x80xi32, #tpu.memory_space<hbm>>
      tpu.wait_dma2 semaphore(%run_scoped3A : memref<!tpu.dma_semaphore, #tpu.memory_space<semaphore_mem>>) src(%dma_wait3A_437 : memref<125x80xi32, #tpu.memory_space<hbm>>) dst(%arg6 : memref<125x80xi32, #tpu.memory_space<vmem>>)
      tpu.yield
    }) : () -> ()
    %barrier3A = arith.constant 0 : index
    tpu.barrier barrier_id(%barrier3A)
    %get3A = arith.constant 0 : i32
    %get3A_3 = arith.index_cast %get3A : i32 to index
    %get3A_4 = arith.constant 0 : index
    %get3A_5 = tpu.vector_load %arg6[%get3A_3, %get3A_4] {strides = array<i32>} : memref<125x80xi32, #tpu.memory_space<vmem>>, vector<1x16xi32>,
    %get3A_6 = vector.shape_cast %get3A_5 : vector<1x16xi32> to vector<16xi32>
    %shift_right_logical3A = arith.constant 14 : i32
    %shift_right_logical3A_7 = vector.broadcast %shift_right_logical3A : i32 to vector<16xi32>
    %shift_right_logical3A_8 = arith.shrui %get3A_6, %shift_right_logical3A_7 : vector<16xi32>
    %swap3A = arith.constant 0 : i32
    %swap3A_9 = arith.index_cast %swap3A : i32 to index
    %swap3A_10 = arith.constant 0 : index
    %swap3A_11 = tpu.vector_load %arg7[%swap3A_9, %swap3A_10] {strides = array<i32>} : memref<6x80xi32, #tpu.memory_space<vmem>>, vector<1x16xi32>,
    %swap3A_12 = vector.shape_cast %swap3A_11 : vector<1x16xi32> to vector<16xi32>
    %swap3A_13 = vector.shape_cast %shift_right_logical3A_8 : vector<16xi32> to vector<1x16xi32>
    tpu.vector_store %arg7[%swap3A_9, %swap3A_10], %swap3A_13 {strides = array<i32>} : memref<6x80xi32, #tpu.memory_space<vmem>>, vector<1x16xi32>,
    %and3A = arith.constant 16383 : i32
    %and3A_14 = vector.broadcast %and3A : i32 to vector<16xi32>
    %and3A_15 = arith.andi %get3A_6, %and3A_14 : vector<16xi32>
    %swap3A_16 = arith.constant 0 : i32
    %swap3A_17 = arith.index_cast %swap3A_16 : i32 to index
    %swap3A_18 = arith.constant 0 : index
    %swap3A_19 = tpu.vector_load %arg8[%swap3A_17, %swap3A_18] {strides = array<i32>} : memref<6x80xi32, #tpu.memory_space<vmem>>, vector<1x16xi32>,
    %swap3A_20 = vector.shape_cast %swap3A_19 : vector<1x16xi32> to vector<16xi32>
    %swap3A_21 = vector.shape_cast %and3A_15 : vector<16xi32> to vector<1x16xi32>
    tpu.vector_store %arg8[%swap3A_17, %swap3A_18], %swap3A_21 {strides = array<i32>} : memref<6x80xi32, #tpu.memory_space<vmem>>, vector<1x16xi32>,
    %get3A_22 = arith.constant 0 : i32
    %get3A_23 = arith.index_cast %get3A_22 : i32 to index
    %get3A_24 = arith.constant 16 : index
    %get3A_25 = tpu.vector_load %arg6[%get3A_23, %get3A_24] {strides = array<i32>} : memref<125x80xi32, #tpu.memory_space<vmem>>, vector<1x16xi32>,
    %get3A_26 = vector.shape_cast %get3A_25 : vector<1x16xi32> to vector<16xi32>
    %shift_right_logical3A_27 = arith.constant 14 : i32
    %shift_right_logical3A_28 = vector.broadcast %shift_right_logical3A_27 : i32 to vector<16xi32>
    %shift_right_logical3A_29 = arith.shrui %get3A_26, %shift_right_logical3A_28 : vector<16xi32>
    %swap3A_30 = arith.constant 0 : i32
    %swap3A_31 = arith.index_cast %swap3A_30 : i32 to index
    %swap3A_32 = arith.constant 16 : index
    %swap3A_33 = tpu.vector_load %arg7[%swap3A_31, %swap3A_32] {strides = array<i32>} : memref<6x80xi32, #tpu.memory_space<vmem>>, vector<1x16xi32>,
    %swap3A_34 = vector.shape_cast %swap3A_33 : vector<1x16xi32> to vector<16xi32>
    %swap3A_35 = vector.shape_cast %shift_right_logical3A_29 : vector<16xi32> to vector<1x16xi32>
    tpu.vector_store %arg7[%swap3A_31, %swap3A_32], %swap3A_35 {strides = array<i32>} : memref<6x80xi32, #tpu.memory_space<vmem>>, vector<1x16xi32>,
    %and3A_36 = arith.constant 16383 : i32
    %and3A_37 = vector.broadcast %and3A_36 : i32 to vector<16xi32>
    %and3A_38 = arith.andi %get3A_26, %and3A_37 : vector<16xi32>
    %swap3A_39 = arith.constant 0 : i32
    %swap3A_40 = arith.index_cast %swap3A_39 : i32 to index
    %swap3A_41 = arith.constant 16 : index
    %swap3A_42 = tpu.vector_load %arg8[%swap3A_40, %swap3A_41] {strides = array<i32>} : memref<6x80xi32, #tpu.memory_space<vmem>>, vector<1x16xi32>,
    %swap3A_43 = vector.shape_cast %swap3A_42 : vector<1x16xi32> to vector<16xi32>
    %swap3A_44 = vector.shape_cast %and3A_38 : vector<16xi32> to vector<1x16xi32>
    tpu.vector_store %arg8[%swap3A_40, %swap3A_41], %swap3A_44 {strides = array<i32>} : memref<6x80xi32, #tpu.memory_space<vmem>>, vector<1x16xi32>,
    %get3A_45 = arith.constant 0 : i32
    %get3A_46 = arith.index_cast %get3A_45 : i32 to index
    %get3A_47 = arith.constant 32 : index
    %get3A_48 = tpu.vector_load %arg6[%get3A_46, %get3A_47] {strides = array<i32>} : memref<125x80xi32, #tpu.memory_space<vmem>>, vector<1x16xi32>,
    %get3A_49 = vector.shape_cast %get3A_48 : vector<1x16xi32> to vector<16xi32>
    %shift_right_logical3A_50 = arith.constant 14 : i32
    %shift_right_logical3A_51 = vector.broadcast %shift_right_logical3A_50 : i32 to vector<16xi32>
    %shift_right_logical3A_52 = arith.shrui %get3A_49, %shift_right_logical3A_51 : vector<16xi32>
    %swap3A_53 = arith.constant 0 : i32
    %swap3A_54 = arith.index_cast %swap3A_53 : i32 to index
    %swap3A_55 = arith.constant 32 : index
    %swap3A_56 = tpu.vector_load %arg7[%swap3A_54, %swap3A_55] {strides = array<i32>} : memref<6x80xi32, #tpu.memory_space<vmem>>, vector<1x16xi32>,
    %swap3A_57 = vector.shape_cast %swap3A_56 : vector<1x16xi32> to vector<16xi32>
    %swap3A_58 = vector.shape_cast %shift_right_logical3A_52 : vector<16xi32> to vector<1x16xi32>
    tpu.vector_store %arg7[%swap3A_54, %swap3A_55], %swap3A_58 {strides = array<i32>} : memref<6x80xi32, #tpu.memory_space<vmem>>, vector<1x16xi32>,
    %and3A_59 = arith.constant 16383 : i32
    %and3A_60 = vector.broadcast %and3A_59 : i32 to vector<16xi32>
    %and3A_61 = arith.andi %get3A_49, %and3A_60 : vector<16xi32>
    %swap3A_62 = arith.constant 0 : i32
    %swap3A_63 = arith.index_cast %swap3A_62 : i32 to index
    %swap3A_64 = arith.constant 32 : index
    %swap3A_65 = tpu.vector_load %arg8[%swap3A_63, %swap3A_64] {strides = array<i32>} : memref<6x80xi32, #tpu.memory_space<vmem>>, vector<1x16xi32>,
    %swap3A_66 = vector.shape_cast %swap3A_65 : vector<1x16xi32> to vector<16xi32>
    %swap3A_67 = vector.shape_cast %and3A_61 : vector<16xi32> to vector<1x16xi32>
    tpu.vector_store %arg8[%swap3A_63, %swap3A_64], %swap3A_67 {strides = array<i32>} : memref<6x80xi32, #tpu.memory_space<vmem>>, vector<1x16xi32>,
    %get3A_68 = arith.constant 0 : i32
    %get3A_69 = arith.index_cast %get3A_68 : i32 to index
    %get3A_70 = arith.constant 48 : index
    %get3A_71 = tpu.vector_load %arg6[%get3A_69, %get3A_70] {strides = array<i32>} : memref<125x80xi32, #tpu.memory_space<vmem>>, vector<1x16xi32>,
    %get3A_72 = vector.shape_cast %get3A_71 : vector<1x16xi32> to vector<16xi32>
    %shift_right_logical3A_73 = arith.constant 14 : i32
    %shift_right_logical3A_74 = vector.broadcast %shift_right_logical3A_73 : i32 to vector<16xi32>
    %shift_right_logical3A_75 = arith.shrui %get3A_72, %shift_right_logical3A_74 : vector<16xi32>
    %swap3A_76 = arith.constant 0 : i32
    %swap3A_77 = arith.index_cast %swap3A_76 : i32 to index
    %swap3A_78 = arith.constant 48 : index
    %swap3A_79 = tpu.vector_load %arg7[%swap3A_77, %swap3A_78] {strides = array<i32>} : memref<6x80xi32, #tpu.memory_space<vmem>>, vector<1x16xi32>,
    %swap3A_80 = vector.shape_cast %swap3A_79 : vector<1x16xi32> to vector<16xi32>
    %swap3A_81 = vector.shape_cast %shift_right_logical3A_75 : vector<16xi32> to vector<1x16xi32>
    tpu.vector_store %arg7[%swap3A_77, %swap3A_78], %swap3A_81 {strides = array<i32>} : memref<6x80xi32, #tpu.memory_space<vmem>>, vector<1x16xi32>,
    %and3A_82 = arith.constant 16383 : i32
    %and3A_83 = vector.broadcast %and3A_82 : i32 to vector<16xi32>
    %and3A_84 = arith.andi %get3A_72, %and3A_83 : vector<16xi32>
    %swap3A_85 = arith.constant 0 : i32
    %swap3A_86 = arith.index_cast %swap3A_85 : i32 to index
    %swap3A_87 = arith.constant 48 : index
    %swap3A_88 = tpu.vector_load %arg8[%swap3A_86, %swap3A_87] {strides = array<i32>} : memref<6x80xi32, #tpu.memory_space<vmem>>, vector<1x16xi32>,
    %swap3A_89 = vector.shape_cast %swap3A_88 : vector<1x16xi32> to vector<16xi32>
    %swap3A_90 = vector.shape_cast %and3A_84 : vector<16xi32> to vector<1x16xi32>
    tpu.vector_store %arg8[%swap3A_86, %swap3A_87], %swap3A_90 {strides = array<i32>} : memref<6x80xi32, #tpu.memory_space<vmem>>, vector<1x16xi32>,
    %get3A_91 = arith.constant 0 : i32
    %get3A_92 = arith.index_cast %get3A_91 : i32 to index
    %get3A_93 = arith.constant 64 : index
    %get3A_94 = tpu.vector_load %arg6[%get3A_92, %get3A_93] {strides = array<i32>} : memref<125x80xi32, #tpu.memory_space<vmem>>, vector<1x16xi32>,
    %get3A_95 = vector.shape_cast %get3A_94 : vector<1x16xi32> to vector<16xi32>
    %shift_right_logical3A_96 = arith.constant 14 : i32
    %shift_right_logical3A_97 = vector.broadcast %shift_right_logical3A_96 : i32 to vector<16xi32>
    %shift_right_logical3A_98 = arith.shrui %get3A_95, %shift_right_logical3A_97 : vector<16xi32>
    %swap3A_99 = arith.constant 0 : i32
    %swap3A_100 = arith.index_cast %swap3A_99 : i32 to index
    %swap3A_101 = arith.constant 64 : index
    %swap3A_102 = tpu.vector_load %arg7[%swap3A_100, %swap3A_101] {strides = array<i32>} : memref<6x80xi32, #tpu.memory_space<vmem>>, vector<1x16xi32>,
    %swap3A_103 = vector.shape_cast %swap3A_102 : vector<1x16xi32> to vector<16xi32>
    %swap3A_104 = vector.shape_cast %shift_right_logical3A_98 : vector<16xi32> to vector<1x16xi32>
    tpu.vector_store %arg7[%swap3A_100, %swap3A_101], %swap3A_104 {strides = array<i32>} : memref<6x80xi32, #tpu.memory_space<vmem>>, vector<1x16xi32>,
    %and3A_105 = arith.constant 16383 : i32
    %and3A_106 = vector.broadcast %and3A_105 : i32 to vector<16xi32>
    %and3A_107 = arith.andi %get3A_95, %and3A_106 : vector<16xi32>
    %swap3A_108 = arith.constant 0 : i32
    %swap3A_109 = arith.index_cast %swap3A_108 : i32 to index
    %swap3A_110 = arith.constant 64 : index
    %swap3A_111 = tpu.vector_load %arg8[%swap3A_109, %swap3A_110] {strides = array<i32>} : memref<6x80xi32, #tpu.memory_space<vmem>>, vector<1x16xi32>,
    %swap3A_112 = vector.shape_cast %swap3A_111 : vector<1x16xi32> to vector<16xi32>
    %swap3A_113 = vector.shape_cast %and3A_107 : vector<16xi32> to vector<1x16xi32>
    tpu.vector_store %arg8[%swap3A_109, %swap3A_110], %swap3A_113 {strides = array<i32>} : memref<6x80xi32, #tpu.memory_space<vmem>>, vector<1x16xi32>,
    %dma_start3A = arith.constant 0 : i32
    %dma_start3A_114 = arith.constant 0 : i32
    %dma_start3A_115 = tpu.memref_slice %arg7[%dma_start3A, %dma_start3A_114] : memref<6x80xi32, #tpu.memory_space<vmem>> -> memref<1x80xi32, #tpu.memory_space<vmem>>
    %dma_start3A_116 = tpu.memref_squeeze %dma_start3A_115 : memref<1x80xi32, #tpu.memory_space<vmem>> -> memref<80xi32, #tpu.memory_space<vmem>>
    %dma_start3A_117 = arith.constant 0 : i32
    %dma_start3A_118 = arith.constant 0 : i32
    %dma_start3A_119 = tpu.memref_slice %arg2[%dma_start3A_117, %dma_start3A_118] : memref<110000x128xf32, #tpu.memory_space<hbm>> -> memref<110000x128xf32, #tpu.memory_space<hbm>>
    tpu.enqueue_indirect_dma source(%dma_start3A_119 : memref<110000x128xf32, #tpu.memory_space<hbm>>) target(%arg9 : memref<80x128xf32, #tpu.memory_space<vmem>>) offsets(%dma_start3A_116 : memref<80xi32, #tpu.memory_space<vmem>>) semaphore(%arg13 : memref<!tpu.dma_semaphore, #tpu.memory_space<semaphore_mem>>)
    %get3A_120 = arith.constant 1 : i32
    %get3A_121 = arith.index_cast %get3A_120 : i32 to index
    %get3A_122 = arith.constant 0 : index
    %get3A_123 = tpu.vector_load %arg6[%get3A_121, %get3A_122] {strides = array<i32>} : memref<125x80xi32, #tpu.memory_space<vmem>>, vector<1x16xi32>,
    %get3A_124 = vector.shape_cast %get3A_123 : vector<1x16xi32> to vector<16xi32>
    %shift_right_logical3A_125 = arith.constant 14 : i32
    %shift_right_logical3A_126 = vector.broadcast %shift_right_logical3A_125 : i32 to vector<16xi32>
    %shift_right_logical3A_127 = arith.shrui %get3A_124, %shift_right_logical3A_126 : vector<16xi32>
    %swap3A_128 = arith.constant 1 : i32
    %swap3A_129 = arith.index_cast %swap3A_128 : i32 to index
    %swap3A_130 = arith.constant 0 : index
    %swap3A_131 = tpu.vector_load %arg7[%swap3A_129, %swap3A_130] {strides = array<i32>} : memref<6x80xi32, #tpu.memory_space<vmem>>, vector<1x16xi32>,
    %swap3A_132 = vector.shape_cast %swap3A_131 : vector<1x16xi32> to vector<16xi32>
    %swap3A_133 = vector.shape_cast %shift_right_logical3A_127 : vector<16xi32> to vector<1x16xi32>
    tpu.vector_store %arg7[%swap3A_129, %swap3A_130], %swap3A_133 {strides = array<i32>} : memref<6x80xi32, #tpu.memory_space<vmem>>, vector<1x16xi32>,
    %and3A_134 = arith.constant 16383 : i32
    %and3A_135 = vector.broadcast %and3A_134 : i32 to vector<16xi32>
    %and3A_136 = arith.andi %get3A_124, %and3A_135 : vector<16xi32>
    %swap3A_137 = arith.constant 1 : i32
    %swap3A_138 = arith.index_cast %swap3A_137 : i32 to index
    %swap3A_139 = arith.constant 0 : index
    %swap3A_140 = tpu.vector_load %arg8[%swap3A_138, %swap3A_139] {strides = array<i32>} : memref<6x80xi32, #tpu.memory_space<vmem>>, vector<1x16xi32>,
    %swap3A_141 = vector.shape_cast %swap3A_140 : vector<1x16xi32> to vector<16xi32>
    %swap3A_142 = vector.shape_cast %and3A_136 : vector<16xi32> to vector<1x16xi32>
    tpu.vector_store %arg8[%swap3A_138, %swap3A_139], %swap3A_142 {strides = array<i32>} : memref<6x80xi32, #tpu.memory_space<vmem>>, vector<1x16xi32>,
    %get3A_143 = arith.constant 1 : i32
    %get3A_144 = arith.index_cast %get3A_143 : i32 to index
    %get3A_145 = arith.constant 16 : index
    %get3A_146 = tpu.vector_load %arg6[%get3A_144, %get3A_145] {strides = array<i32>} : memref<125x80xi32, #tpu.memory_space<vmem>>, vector<1x16xi32>,
    %get3A_147 = vector.shape_cast %get3A_146 : vector<1x16xi32> to vector<16xi32>
    %shift_right_logical3A_148 = arith.constant 14 : i32
    %shift_right_logical3A_149 = vector.broadcast %shift_right_logical3A_148 : i32 to vector<16xi32>
    %shift_right_logical3A_150 = arith.shrui %get3A_147, %shift_right_logical3A_149 : vector<16xi32>
    %swap3A_151 = arith.constant 1 : i32
    %swap3A_152 = arith.index_cast %swap3A_151 : i32 to index
    %swap3A_153 = arith.constant 16 : index
    %swap3A_154 = tpu.vector_load %arg7[%swap3A_152, %swap3A_153] {strides = array<i32>} : memref<6x80xi32, #tpu.memory_space<vmem>>, vector<1x16xi32>,
    %swap3A_155 = vector.shape_cast %swap3A_154 : vector<1x16xi32> to vector<16xi32>
    %swap3A_156 = vector.shape_cast %shift_right_logical3A_150 : vector<16xi32> to vector<1x16xi32>
    tpu.vector_store %arg7[%swap3A_152, %swap3A_153], %swap3A_156 {strides = array<i32>} : memref<6x80xi32, #tpu.memory_space<vmem>>, vector<1x16xi32>,
    %and3A_157 = arith.constant 16383 : i32
    %and3A_158 = vector.broadcast %and3A_157 : i32 to vector<16xi32>
    %and3A_159 = arith.andi %get3A_147, %and3A_158 : vector<16xi32>
    %swap3A_160 = arith.constant 1 : i32
    %swap3A_161 = arith.index_cast %swap3A_160 : i32 to index
    %swap3A_162 = arith.constant 16 : index
    %swap3A_163 = tpu.vector_load %arg8[%swap3A_161, %swap3A_162] {strides = array<i32>} : memref<6x80xi32, #tpu.memory_space<vmem>>, vector<1x16xi32>,
    %swap3A_164 = vector.shape_cast %swap3A_163 : vector<1x16xi32> to vector<16xi32>
    %swap3A_165 = vector.shape_cast %and3A_159 : vector<16xi32> to vector<1x16xi32>
    tpu.vector_store %arg8[%swap3A_161, %swap3A_162], %swap3A_165 {strides = array<i32>} : memref<6x80xi32, #tpu.memory_space<vmem>>, vector<1x16xi32>,
    %get3A_166 = arith.constant 1 : i32
    %get3A_167 = arith.index_cast %get3A_166 : i32 to index
    %get3A_168 = arith.constant 32 : index
    %get3A_169 = tpu.vector_load %arg6[%get3A_167, %get3A_168] {strides = array<i32>} : memref<125x80xi32, #tpu.memory_space<vmem>>, vector<1x16xi32>,
    %get3A_170 = vector.shape_cast %get3A_169 : vector<1x16xi32> to vector<16xi32>
    %shift_right_logical3A_171 = arith.constant 14 : i32
    %shift_right_logical3A_172 = vector.broadcast %shift_right_logical3A_171 : i32 to vector<16xi32>
    %shift_right_logical3A_173 = arith.shrui %get3A_170, %shift_right_logical3A_172 : vector<16xi32>
    %swap3A_174 = arith.constant 1 : i32
    %swap3A_175 = arith.index_cast %swap3A_174 : i32 to index
    %swap3A_176 = arith.constant 32 : index
    %swap3A_177 = tpu.vector_load %arg7[%swap3A_175, %swap3A_176] {strides = array<i32>} : memref<6x80xi32, #tpu.memory_space<vmem>>, vector<1x16xi32>,
    %swap3A_178 = vector.shape_cast %swap3A_177 : vector<1x16xi32> to vector<16xi32>
    %swap3A_179 = vector.shape_cast %shift_right_logical3A_173 : vector<16xi32> to vector<1x16xi32>
    tpu.vector_store %arg7[%swap3A_175, %swap3A_176], %swap3A_179 {strides = array<i32>} : memref<6x80xi32, #tpu.memory_space<vmem>>, vector<1x16xi32>,
    %and3A_180 = arith.constant 16383 : i32
    %and3A_181 = vector.broadcast %and3A_180 : i32 to vector<16xi32>
    %and3A_182 = arith.andi %get3A_170, %and3A_181 : vector<16xi32>
    %swap3A_183 = arith.constant 1 : i32
    %swap3A_184 = arith.index_cast %swap3A_183 : i32 to index
    %swap3A_185 = arith.constant 32 : index
    %swap3A_186 = tpu.vector_load %arg8[%swap3A_184, %swap3A_185] {strides = array<i32>} : memref<6x80xi32, #tpu.memory_space<vmem>>, vector<1x16xi32>,
    %swap3A_187 = vector.shape_cast %swap3A_186 : vector<1x16xi32> to vector<16xi32>
    %swap3A_188 = vector.shape_cast %and3A_182 : vector<16xi32> to vector<1x16xi32>
    tpu.vector_store %arg8[%swap3A_184, %swap3A_185], %swap3A_188 {strides = array<i32>} : memref<6x80xi32, #tpu.memory_space<vmem>>, vector<1x16xi32>,
    %get3A_189 = arith.constant 1 : i32
    %get3A_190 = arith.index_cast %get3A_189 : i32 to index
    %get3A_191 = arith.constant 48 : index
    %get3A_192 = tpu.vector_load %arg6[%get3A_190, %get3A_191] {strides = array<i32>} : memref<125x80xi32, #tpu.memory_space<vmem>>, vector<1x16xi32>,
    %get3A_193 = vector.shape_cast %get3A_192 : vector<1x16xi32> to vector<16xi32>
    %shift_right_logical3A_194 = arith.constant 14 : i32
    %shift_right_logical3A_195 = vector.broadcast %shift_right_logical3A_194 : i32 to vector<16xi32>
    %shift_right_logical3A_196 = arith.shrui %get3A_193, %shift_right_logical3A_195 : vector<16xi32>
    %swap3A_197 = arith.constant 1 : i32
    %swap3A_198 = arith.index_cast %swap3A_197 : i32 to index
    %swap3A_199 = arith.constant 48 : index
    %swap3A_200 = tpu.vector_load %arg7[%swap3A_198, %swap3A_199] {strides = array<i32>} : memref<6x80xi32, #tpu.memory_space<vmem>>, vector<1x16xi32>,
    %swap3A_201 = vector.shape_cast %swap3A_200 : vector<1x16xi32> to vector<16xi32>
    %swap3A_202 = vector.shape_cast %shift_right_logical3A_196 : vector<16xi32> to vector<1x16xi32>
    tpu.vector_store %arg7[%swap3A_198, %swap3A_199], %swap3A_202 {strides = array<i32>} : memref<6x80xi32, #tpu.memory_space<vmem>>, vector<1x16xi32>,
    %and3A_203 = arith.constant 16383 : i32
    %and3A_204 = vector.broadcast %and3A_203 : i32 to vector<16xi32>
    %and3A_205 = arith.andi %get3A_193, %and3A_204 : vector<16xi32>
    %swap3A_206 = arith.constant 1 : i32
    %swap3A_207 = arith.index_cast %swap3A_206 : i32 to index
    %swap3A_208 = arith.constant 48 : index
    %swap3A_209 = tpu.vector_load %arg8[%swap3A_207, %swap3A_208] {strides = array<i32>} : memref<6x80xi32, #tpu.memory_space<vmem>>, vector<1x16xi32>,
    %swap3A_210 = vector.shape_cast %swap3A_209 : vector<1x16xi32> to vector<16xi32>
    %swap3A_211 = vector.shape_cast %and3A_205 : vector<16xi32> to vector<1x16xi32>
    tpu.vector_store %arg8[%swap3A_207, %swap3A_208], %swap3A_211 {strides = array<i32>} : memref<6x80xi32, #tpu.memory_space<vmem>>, vector<1x16xi32>,
    %get3A_212 = arith.constant 1 : i32
    %get3A_213 = arith.index_cast %get3A_212 : i32 to index
    %get3A_214 = arith.constant 64 : index
    %get3A_215 = tpu.vector_load %arg6[%get3A_213, %get3A_214] {strides = array<i32>} : memref<125x80xi32, #tpu.memory_space<vmem>>, vector<1x16xi32>,
    %get3A_216 = vector.shape_cast %get3A_215 : vector<1x16xi32> to vector<16xi32>
    %shift_right_logical3A_217 = arith.constant 14 : i32
    %shift_right_logical3A_218 = vector.broadcast %shift_right_logical3A_217 : i32 to vector<16xi32>
    %shift_right_logical3A_219 = arith.shrui %get3A_216, %shift_right_logical3A_218 : vector<16xi32>
    %swap3A_220 = arith.constant 1 : i32
    %swap3A_221 = arith.index_cast %swap3A_220 : i32 to index
    %swap3A_222 = arith.constant 64 : index
    %swap3A_223 = tpu.vector_load %arg7[%swap3A_221, %swap3A_222] {strides = array<i32>} : memref<6x80xi32, #tpu.memory_space<vmem>>, vector<1x16xi32>,
    %swap3A_224 = vector.shape_cast %swap3A_223 : vector<1x16xi32> to vector<16xi32>
    %swap3A_225 = vector.shape_cast %shift_right_logical3A_219 : vector<16xi32> to vector<1x16xi32>
    tpu.vector_store %arg7[%swap3A_221, %swap3A_222], %swap3A_225 {strides = array<i32>} : memref<6x80xi32, #tpu.memory_space<vmem>>, vector<1x16xi32>,
    %and3A_226 = arith.constant 16383 : i32
    %and3A_227 = vector.broadcast %and3A_226 : i32 to vector<16xi32>
    %and3A_228 = arith.andi %get3A_216, %and3A_227 : vector<16xi32>
    %swap3A_229 = arith.constant 1 : i32
    %swap3A_230 = arith.index_cast %swap3A_229 : i32 to index
    %swap3A_231 = arith.constant 64 : index
    %swap3A_232 = tpu.vector_load %arg8[%swap3A_230, %swap3A_231] {strides = array<i32>} : memref<6x80xi32, #tpu.memory_space<vmem>>, vector<1x16xi32>,
    %swap3A_233 = vector.shape_cast %swap3A_232 : vector<1x16xi32> to vector<16xi32>
    %swap3A_234 = vector.shape_cast %and3A_228 : vector<16xi32> to vector<1x16xi32>
    tpu.vector_store %arg8[%swap3A_230, %swap3A_231], %swap3A_234 {strides = array<i32>} : memref<6x80xi32, #tpu.memory_space<vmem>>, vector<1x16xi32>,
    %dma_start3A_235 = arith.constant 1 : i32
    %dma_start3A_236 = arith.constant 0 : i32
    %dma_start3A_237 = tpu.memref_slice %arg7[%dma_start3A_235, %dma_start3A_236] : memref<6x80xi32, #tpu.memory_space<vmem>> -> memref<1x80xi32, #tpu.memory_space<vmem>>
    %dma_start3A_238 = tpu.memref_squeeze %dma_start3A_237 : memref<1x80xi32, #tpu.memory_space<vmem>> -> memref<80xi32, #tpu.memory_space<vmem>>
    %dma_start3A_239 = arith.constant 0 : i32
    %dma_start3A_240 = arith.constant 0 : i32
    %dma_start3A_241 = tpu.memref_slice %arg2[%dma_start3A_239, %dma_start3A_240] : memref<110000x128xf32, #tpu.memory_space<hbm>> -> memref<110000x128xf32, #tpu.memory_space<hbm>>
    tpu.enqueue_indirect_dma source(%dma_start3A_241 : memref<110000x128xf32, #tpu.memory_space<hbm>>) target(%arg10 : memref<80x128xf32, #tpu.memory_space<vmem>>) offsets(%dma_start3A_238 : memref<80xi32, #tpu.memory_space<vmem>>) semaphore(%arg14 : memref<!tpu.dma_semaphore, #tpu.memory_space<semaphore_mem>>)
    %get3A_242 = arith.constant 2 : i32
    %get3A_243 = arith.index_cast %get3A_242 : i32 to index
    %get3A_244 = arith.constant 0 : index
    %get3A_245 = tpu.vector_load %arg6[%get3A_243, %get3A_244] {strides = array<i32>} : memref<125x80xi32, #tpu.memory_space<vmem>>, vector<1x16xi32>,
    %get3A_246 = vector.shape_cast %get3A_245 : vector<1x16xi32> to vector<16xi32>
    %shift_right_logical3A_247 = arith.constant 14 : i32
    %shift_right_logical3A_248 = vector.broadcast %shift_right_logical3A_247 : i32 to vector<16xi32>
    %shift_right_logical3A_249 = arith.shrui %get3A_246, %shift_right_logical3A_248 : vector<16xi32>
    %swap3A_250 = arith.constant 2 : i32
    %swap3A_251 = arith.index_cast %swap3A_250 : i32 to index
    %swap3A_252 = arith.constant 0 : index
    %swap3A_253 = tpu.vector_load %arg7[%swap3A_251, %swap3A_252] {strides = array<i32>} : memref<6x80xi32, #tpu.memory_space<vmem>>, vector<1x16xi32>,
    %swap3A_254 = vector.shape_cast %swap3A_253 : vector<1x16xi32> to vector<16xi32>
    %swap3A_255 = vector.shape_cast %shift_right_logical3A_249 : vector<16xi32> to vector<1x16xi32>
    tpu.vector_store %arg7[%swap3A_251, %swap3A_252], %swap3A_255 {strides = array<i32>} : memref<6x80xi32, #tpu.memory_space<vmem>>, vector<1x16xi32>,
    %and3A_256 = arith.constant 16383 : i32
    %and3A_257 = vector.broadcast %and3A_256 : i32 to vector<16xi32>
    %and3A_258 = arith.andi %get3A_246, %and3A_257 : vector<16xi32>
    %swap3A_259 = arith.constant 2 : i32
    %swap3A_260 = arith.index_cast %swap3A_259 : i32 to index
    %swap3A_261 = arith.constant 0 : index
    %swap3A_262 = tpu.vector_load %arg8[%swap3A_260, %swap3A_261] {strides = array<i32>} : memref<6x80xi32, #tpu.memory_space<vmem>>, vector<1x16xi32>,
    %swap3A_263 = vector.shape_cast %swap3A_262 : vector<1x16xi32> to vector<16xi32>
    %swap3A_264 = vector.shape_cast %and3A_258 : vector<16xi32> to vector<1x16xi32>
    tpu.vector_store %arg8[%swap3A_260, %swap3A_261], %swap3A_264 {strides = array<i32>} : memref<6x80xi32, #tpu.memory_space<vmem>>, vector<1x16xi32>,
    %get3A_265 = arith.constant 2 : i32
    %get3A_266 = arith.index_cast %get3A_265 : i32 to index
    %get3A_267 = arith.constant 16 : index
    %get3A_268 = tpu.vector_load %arg6[%get3A_266, %get3A_267] {strides = array<i32>} : memref<125x80xi32, #tpu.memory_space<vmem>>, vector<1x16xi32>,
    %get3A_269 = vector.shape_cast %get3A_268 : vector<1x16xi32> to vector<16xi32>
    %shift_right_logical3A_270 = arith.constant 14 : i32
    %shift_right_logical3A_271 = vector.broadcast %shift_right_logical3A_270 : i32 to vector<16xi32>
    %shift_right_logical3A_272 = arith.shrui %get3A_269, %shift_right_logical3A_271 : vector<16xi32>
    %swap3A_273 = arith.constant 2 : i32
    %swap3A_274 = arith.index_cast %swap3A_273 : i32 to index
    %swap3A_275 = arith.constant 16 : index
    %swap3A_276 = tpu.vector_load %arg7[%swap3A_274, %swap3A_275] {strides = array<i32>} : memref<6x80xi32, #tpu.memory_space<vmem>>, vector<1x16xi32>,
    %swap3A_277 = vector.shape_cast %swap3A_276 : vector<1x16xi32> to vector<16xi32>
    %swap3A_278 = vector.shape_cast %shift_right_logical3A_272 : vector<16xi32> to vector<1x16xi32>
    tpu.vector_store %arg7[%swap3A_274, %swap3A_275], %swap3A_278 {strides = array<i32>} : memref<6x80xi32, #tpu.memory_space<vmem>>, vector<1x16xi32>,
    %and3A_279 = arith.constant 16383 : i32
    %and3A_280 = vector.broadcast %and3A_279 : i32 to vector<16xi32>
    %and3A_281 = arith.andi %get3A_269, %and3A_280 : vector<16xi32>
    %swap3A_282 = arith.constant 2 : i32
    %swap3A_283 = arith.index_cast %swap3A_282 : i32 to index
    %swap3A_284 = arith.constant 16 : index
    %swap3A_285 = tpu.vector_load %arg8[%swap3A_283, %swap3A_284] {strides = array<i32>} : memref<6x80xi32, #tpu.memory_space<vmem>>, vector<1x16xi32>,
    %swap3A_286 = vector.shape_cast %swap3A_285 : vector<1x16xi32> to vector<16xi32>
    %swap3A_287 = vector.shape_cast %and3A_281 : vector<16xi32> to vector<1x16xi32>
    tpu.vector_store %arg8[%swap3A_283, %swap3A_284], %swap3A_287 {strides = array<i32>} : memref<6x80xi32, #tpu.memory_space<vmem>>, vector<1x16xi32>,
    %get3A_288 = arith.constant 2 : i32
    %get3A_289 = arith.index_cast %get3A_288 : i32 to index
    %get3A_290 = arith.constant 32 : index
    %get3A_291 = tpu.vector_load %arg6[%get3A_289, %get3A_290] {strides = array<i32>} : memref<125x80xi32, #tpu.memory_space<vmem>>, vector<1x16xi32>,
    %get3A_292 = vector.shape_cast %get3A_291 : vector<1x16xi32> to vector<16xi32>
    %shift_right_logical3A_293 = arith.constant 14 : i32
    %shift_right_logical3A_294 = vector.broadcast %shift_right_logical3A_293 : i32 to vector<16xi32>
    %shift_right_logical3A_295 = arith.shrui %get3A_292, %shift_right_logical3A_294 : vector<16xi32>
    %swap3A_296 = arith.constant 2 : i32
    %swap3A_297 = arith.index_cast %swap3A_296 : i32 to index
    %swap3A_298 = arith.constant 32 : index
    %swap3A_299 = tpu.vector_load %arg7[%swap3A_297, %swap3A_298] {strides = array<i32>} : memref<6x80xi32, #tpu.memory_space<vmem>>, vector<1x16xi32>,
    %swap3A_300 = vector.shape_cast %swap3A_299 : vector<1x16xi32> to vector<16xi32>
    %swap3A_301 = vector.shape_cast %shift_right_logical3A_295 : vector<16xi32> to vector<1x16xi32>
    tpu.vector_store %arg7[%swap3A_297, %swap3A_298], %swap3A_301 {strides = array<i32>} : memref<6x80xi32, #tpu.memory_space<vmem>>, vector<1x16xi32>,
    %and3A_302 = arith.constant 16383 : i32
    %and3A_303 = vector.broadcast %and3A_302 : i32 to vector<16xi32>
    %and3A_304 = arith.andi %get3A_292, %and3A_303 : vector<16xi32>
    %swap3A_305 = arith.constant 2 : i32
    %swap3A_306 = arith.index_cast %swap3A_305 : i32 to index
    %swap3A_307 = arith.constant 32 : index
    %swap3A_308 = tpu.vector_load %arg8[%swap3A_306, %swap3A_307] {strides = array<i32>} : memref<6x80xi32, #tpu.memory_space<vmem>>, vector<1x16xi32>,
    %swap3A_309 = vector.shape_cast %swap3A_308 : vector<1x16xi32> to vector<16xi32>
    %swap3A_310 = vector.shape_cast %and3A_304 : vector<16xi32> to vector<1x16xi32>
    tpu.vector_store %arg8[%swap3A_306, %swap3A_307], %swap3A_310 {strides = array<i32>} : memref<6x80xi32, #tpu.memory_space<vmem>>, vector<1x16xi32>,
    %get3A_311 = arith.constant 2 : i32
    %get3A_312 = arith.index_cast %get3A_311 : i32 to index
    %get3A_313 = arith.constant 48 : index
    %get3A_314 = tpu.vector_load %arg6[%get3A_312, %get3A_313] {strides = array<i32>} : memref<125x80xi32, #tpu.memory_space<vmem>>, vector<1x16xi32>,
    %get3A_315 = vector.shape_cast %get3A_314 : vector<1x16xi32> to vector<16xi32>
    %shift_right_logical3A_316 = arith.constant 14 : i32
    %shift_right_logical3A_317 = vector.broadcast %shift_right_logical3A_316 : i32 to vector<16xi32>
    %shift_right_logical3A_318 = arith.shrui %get3A_315, %shift_right_logical3A_317 : vector<16xi32>
    %swap3A_319 = arith.constant 2 : i32
    %swap3A_320 = arith.index_cast %swap3A_319 : i32 to index
    %swap3A_321 = arith.constant 48 : index
    %swap3A_322 = tpu.vector_load %arg7[%swap3A_320, %swap3A_321] {strides = array<i32>} : memref<6x80xi32, #tpu.memory_space<vmem>>, vector<1x16xi32>,
    %swap3A_323 = vector.shape_cast %swap3A_322 : vector<1x16xi32> to vector<16xi32>
    %swap3A_324 = vector.shape_cast %shift_right_logical3A_318 : vector<16xi32> to vector<1x16xi32>
    tpu.vector_store %arg7[%swap3A_320, %swap3A_321], %swap3A_324 {strides = array<i32>} : memref<6x80xi32, #tpu.memory_space<vmem>>, vector<1x16xi32>,
    %and3A_325 = arith.constant 16383 : i32
    %and3A_326 = vector.broadcast %and3A_325 : i32 to vector<16xi32>
    %and3A_327 = arith.andi %get3A_315, %and3A_326 : vector<16xi32>
    %swap3A_328 = arith.constant 2 : i32
    %swap3A_329 = arith.index_cast %swap3A_328 : i32 to index
    %swap3A_330 = arith.constant 48 : index
    %swap3A_331 = tpu.vector_load %arg8[%swap3A_329, %swap3A_330] {strides = array<i32>} : memref<6x80xi32, #tpu.memory_space<vmem>>, vector<1x16xi32>,
    %swap3A_332 = vector.shape_cast %swap3A_331 : vector<1x16xi32> to vector<16xi32>
    %swap3A_333 = vector.shape_cast %and3A_327 : vector<16xi32> to vector<1x16xi32>
    tpu.vector_store %arg8[%swap3A_329, %swap3A_330], %swap3A_333 {strides = array<i32>} : memref<6x80xi32, #tpu.memory_space<vmem>>, vector<1x16xi32>,
    %get3A_334 = arith.constant 2 : i32
    %get3A_335 = arith.index_cast %get3A_334 : i32 to index
    %get3A_336 = arith.constant 64 : index
    %get3A_337 = tpu.vector_load %arg6[%get3A_335, %get3A_336] {strides = array<i32>} : memref<125x80xi32, #tpu.memory_space<vmem>>, vector<1x16xi32>,
    %get3A_338 = vector.shape_cast %get3A_337 : vector<1x16xi32> to vector<16xi32>
    %shift_right_logical3A_339 = arith.constant 14 : i32
    %shift_right_logical3A_340 = vector.broadcast %shift_right_logical3A_339 : i32 to vector<16xi32>
    %shift_right_logical3A_341 = arith.shrui %get3A_338, %shift_right_logical3A_340 : vector<16xi32>
    %swap3A_342 = arith.constant 2 : i32
    %swap3A_343 = arith.index_cast %swap3A_342 : i32 to index
    %swap3A_344 = arith.constant 64 : index
    %swap3A_345 = tpu.vector_load %arg7[%swap3A_343, %swap3A_344] {strides = array<i32>} : memref<6x80xi32, #tpu.memory_space<vmem>>, vector<1x16xi32>,
    %swap3A_346 = vector.shape_cast %swap3A_345 : vector<1x16xi32> to vector<16xi32>
    %swap3A_347 = vector.shape_cast %shift_right_logical3A_341 : vector<16xi32> to vector<1x16xi32>
    tpu.vector_store %arg7[%swap3A_343, %swap3A_344], %swap3A_347 {strides = array<i32>} : memref<6x80xi32, #tpu.memory_space<vmem>>, vector<1x16xi32>,
    %and3A_348 = arith.constant 16383 : i32
    %and3A_349 = vector.broadcast %and3A_348 : i32 to vector<16xi32>
    %and3A_350 = arith.andi %get3A_338, %and3A_349 : vector<16xi32>
    %swap3A_351 = arith.constant 2 : i32
    %swap3A_352 = arith.index_cast %swap3A_351 : i32 to index
    %swap3A_353 = arith.constant 64 : index
    %swap3A_354 = tpu.vector_load %arg8[%swap3A_352, %swap3A_353] {strides = array<i32>} : memref<6x80xi32, #tpu.memory_space<vmem>>, vector<1x16xi32>,
    %swap3A_355 = vector.shape_cast %swap3A_354 : vector<1x16xi32> to vector<16xi32>
    %swap3A_356 = vector.shape_cast %and3A_350 : vector<16xi32> to vector<1x16xi32>
    tpu.vector_store %arg8[%swap3A_352, %swap3A_353], %swap3A_356 {strides = array<i32>} : memref<6x80xi32, #tpu.memory_space<vmem>>, vector<1x16xi32>,
    %dma_start3A_357 = arith.constant 2 : i32
    %dma_start3A_358 = arith.constant 0 : i32
    %dma_start3A_359 = tpu.memref_slice %arg7[%dma_start3A_357, %dma_start3A_358] : memref<6x80xi32, #tpu.memory_space<vmem>> -> memref<1x80xi32, #tpu.memory_space<vmem>>
    %dma_start3A_360 = tpu.memref_squeeze %dma_start3A_359 : memref<1x80xi32, #tpu.memory_space<vmem>> -> memref<80xi32, #tpu.memory_space<vmem>>
    %dma_start3A_361 = arith.constant 0 : i32
    %dma_start3A_362 = arith.constant 0 : i32
    %dma_start3A_363 = tpu.memref_slice %arg2[%dma_start3A_361, %dma_start3A_362] : memref<110000x128xf32, #tpu.memory_space<hbm>> -> memref<110000x128xf32, #tpu.memory_space<hbm>>
    tpu.enqueue_indirect_dma source(%dma_start3A_363 : memref<110000x128xf32, #tpu.memory_space<hbm>>) target(%arg11 : memref<80x128xf32, #tpu.memory_space<vmem>>) offsets(%dma_start3A_360 : memref<80xi32, #tpu.memory_space<vmem>>) semaphore(%arg15 : memref<!tpu.dma_semaphore, #tpu.memory_space<semaphore_mem>>)
    %scan3A = arith.constant 0 : i32
    %scan3A_364 = arith.constant 0 : i32
    %scan3A_365 = arith.constant 41 : i32
    %scan3A_366 = arith.addi %scan3A_364, %scan3A_365 : i32
    %scan3A_367 = arith.constant 1 : i32
    scf.for %scan3A_422 = %scan3A_364 to %scan3A_366 step %scan3A_367  : i32 {
      %and3A_423 = arith.constant 1 : i32
      %and3A_424 = arith.andi %scan3A_422, %and3A_423 : i32
      %mul3A_425 = arith.constant 3 : i32
      %mul3A_426 = arith.muli %and3A_424, %mul3A_425 : i32
      %add3A_427 = arith.constant 1 : i32
      %add3A_428 = arith.addi %scan3A_422, %add3A_427 : i32
      %and3A_429 = arith.constant 1 : i32
      %and3A_430 = arith.andi %add3A_428, %and3A_429 : i32
      %mul3A_431 = arith.constant 3 : i32
      %mul3A_432 = arith.muli %and3A_430, %mul3A_431 : i32
      %add3A_433 = arith.constant 0 : i32
      %add3A_434 = arith.addi %mul3A_426, %add3A_433 : i32
      %dma_wait3A_435 = arith.constant 0 : i32
      %dma_wait3A_436 = tpu.memref_slice %arg7[%add3A_434, %dma_wait3A_435] : memref<6x80xi32, #tpu.memory_space<vmem>> -> memref<1x80xi32, #tpu.memory_space<vmem>>
      %dma_wait3A_437 = tpu.memref_squeeze %dma_wait3A_436 : memref<1x80xi32, #tpu.memory_space<vmem>> -> memref<80xi32, #tpu.memory_space<vmem>>
      %dma_wait3A_438 = arith.constant 0 : i32
      %dma_wait3A_439 = arith.constant 0 : i32
      %dma_wait3A_440 = tpu.memref_slice %arg2[%dma_wait3A_438, %dma_wait3A_439] : memref<110000x128xf32, #tpu.memory_space<hbm>> -> memref<110000x128xf32, #tpu.memory_space<hbm>>
      tpu.wait_indirect_dma semaphore(%arg13 : memref<!tpu.dma_semaphore, #tpu.memory_space<semaphore_mem>>) src(%dma_wait3A_440 : memref<110000x128xf32, #tpu.memory_space<hbm>>) dst(%arg9 : memref<80x128xf32, #tpu.memory_space<vmem>>)
      %add3A_441 = arith.constant 0 : i32
      %add3A_442 = arith.addi %mul3A_426, %add3A_441 : i32
      %dma_start3A_443 = arith.constant 0 : i32
      %dma_start3A_444 = tpu.memref_slice %arg8[%add3A_442, %dma_start3A_443] : memref<6x80xi32, #tpu.memory_space<vmem>> -> memref<1x80xi32, #tpu.memory_space<vmem>>
      %dma_start3A_445 = tpu.memref_squeeze %dma_start3A_444 : memref<1x80xi32, #tpu.memory_space<vmem>> -> memref<80xi32, #tpu.memory_space<vmem>>
      %dma_start3A_446 = arith.constant 0 : i32
      %dma_start3A_447 = arith.constant 0 : i32
      %dma_start3A_448 = tpu.memref_slice %arg12[%dma_start3A_446, %dma_start3A_447] : memref<10000x128xf32, #tpu.memory_space<vmem_shared>> -> memref<10000x128xf32, #tpu.memory_space<vmem_shared>>
      tpu.enqueue_indirect_dma source(%arg9 : memref<80x128xf32, #tpu.memory_space<vmem>>) target(%dma_start3A_448 : memref<10000x128xf32, #tpu.memory_space<vmem_shared>>) offsets(%dma_start3A_445 : memref<80xi32, #tpu.memory_space<vmem>>) semaphore(%arg16 : memref<!tpu.dma_semaphore, #tpu.memory_space<semaphore_mem>>) {add = true}
      %add3A_449 = arith.constant 1 : i32
      %add3A_450 = arith.addi %mul3A_426, %add3A_449 : i32
      %dma_wait3A_451 = arith.constant 0 : i32
      %dma_wait3A_452 = tpu.memref_slice %arg7[%add3A_450, %dma_wait3A_451] : memref<6x80xi32, #tpu.memory_space<vmem>> -> memref<1x80xi32, #tpu.memory_space<vmem>>
      %dma_wait3A_453 = tpu.memref_squeeze %dma_wait3A_452 : memref<1x80xi32, #tpu.memory_space<vmem>> -> memref<80xi32, #tpu.memory_space<vmem>>
      %dma_wait3A_454 = arith.constant 0 : i32
      %dma_wait3A_455 = arith.constant 0 : i32
      %dma_wait3A_456 = tpu.memref_slice %arg2[%dma_wait3A_454, %dma_wait3A_455] : memref<110000x128xf32, #tpu.memory_space<hbm>> -> memref<110000x128xf32, #tpu.memory_space<hbm>>
      tpu.wait_indirect_dma semaphore(%arg14 : memref<!tpu.dma_semaphore, #tpu.memory_space<semaphore_mem>>) src(%dma_wait3A_456 : memref<110000x128xf32, #tpu.memory_space<hbm>>) dst(%arg10 : memref<80x128xf32, #tpu.memory_space<vmem>>)
      %add3A_457 = arith.constant 1 : i32
      %add3A_458 = arith.addi %mul3A_426, %add3A_457 : i32
      %dma_start3A_459 = arith.constant 0 : i32
      %dma_start3A_460 = tpu.memref_slice %arg8[%add3A_458, %dma_start3A_459] : memref<6x80xi32, #tpu.memory_space<vmem>> -> memref<1x80xi32, #tpu.memory_space<vmem>>
      %dma_start3A_461 = tpu.memref_squeeze %dma_start3A_460 : memref<1x80xi32, #tpu.memory_space<vmem>> -> memref<80xi32, #tpu.memory_space<vmem>>
      %dma_start3A_462 = arith.constant 0 : i32
      %dma_start3A_463 = arith.constant 0 : i32
      %dma_start3A_464 = tpu.memref_slice %arg12[%dma_start3A_462, %dma_start3A_463] : memref<10000x128xf32, #tpu.memory_space<vmem_shared>> -> memref<10000x128xf32, #tpu.memory_space<vmem_shared>>
      tpu.enqueue_indirect_dma source(%arg10 : memref<80x128xf32, #tpu.memory_space<vmem>>) target(%dma_start3A_464 : memref<10000x128xf32, #tpu.memory_space<vmem_shared>>) offsets(%dma_start3A_461 : memref<80xi32, #tpu.memory_space<vmem>>) semaphore(%arg17 : memref<!tpu.dma_semaphore, #tpu.memory_space<semaphore_mem>>) {add = true}
      %add3A_465 = arith.constant 2 : i32
      %add3A_466 = arith.addi %mul3A_426, %add3A_465 : i32
      %dma_wait3A_467 = arith.constant 0 : i32
      %dma_wait3A_468 = tpu.memref_slice %arg7[%add3A_466, %dma_wait3A_467] : memref<6x80xi32, #tpu.memory_space<vmem>> -> memref<1x80xi32, #tpu.memory_space<vmem>>
      %dma_wait3A_469 = tpu.memref_squeeze %dma_wait3A_468 : memref<1x80xi32, #tpu.memory_space<vmem>> -> memref<80xi32, #tpu.memory_space<vmem>>
      %dma_wait3A_470 = arith.constant 0 : i32
      %dma_wait3A_471 = arith.constant 0 : i32
      %dma_wait3A_472 = tpu.memref_slice %arg2[%dma_wait3A_470, %dma_wait3A_471] : memref<110000x128xf32, #tpu.memory_space<hbm>> -> memref<110000x128xf32, #tpu.memory_space<hbm>>
      tpu.wait_indirect_dma semaphore(%arg15 : memref<!tpu.dma_semaphore, #tpu.memory_space<semaphore_mem>>) src(%dma_wait3A_472 : memref<110000x128xf32, #tpu.memory_space<hbm>>) dst(%arg11 : memref<80x128xf32, #tpu.memory_space<vmem>>)
      %add3A_473 = arith.constant 2 : i32
      %add3A_474 = arith.addi %mul3A_426, %add3A_473 : i32
      %dma_start3A_475 = arith.constant 0 : i32
      %dma_start3A_476 = tpu.memref_slice %arg8[%add3A_474, %dma_start3A_475] : memref<6x80xi32, #tpu.memory_space<vmem>> -> memref<1x80xi32, #tpu.memory_space<vmem>>
      %dma_start3A_477 = tpu.memref_squeeze %dma_start3A_476 : memref<1x80xi32, #tpu.memory_space<vmem>> -> memref<80xi32, #tpu.memory_space<vmem>>
      %dma_start3A_478 = arith.constant 0 : i32
      %dma_start3A_479 = arith.constant 0 : i32
      %dma_start3A_480 = tpu.memref_slice %arg12[%dma_start3A_478, %dma_start3A_479] : memref<10000x128xf32, #tpu.memory_space<vmem_shared>> -> memref<10000x128xf32, #tpu.memory_space<vmem_shared>>
      tpu.enqueue_indirect_dma source(%arg11 : memref<80x128xf32, #tpu.memory_space<vmem>>) target(%dma_start3A_480 : memref<10000x128xf32, #tpu.memory_space<vmem_shared>>) offsets(%dma_start3A_477 : memref<80xi32, #tpu.memory_space<vmem>>) semaphore(%arg18 : memref<!tpu.dma_semaphore, #tpu.memory_space<semaphore_mem>>) {add = true}
      %mul3A_481 = arith.constant 3 : i32
      %mul3A_482 = arith.muli %scan3A_422, %mul3A_481 : i32
      %add3A_483 = arith.constant 0 : i32
      %add3A_484 = arith.addi %mul3A_482, %add3A_483 : i32
      %add3A_485 = arith.constant 3 : i32
      %add3A_486 = arith.addi %add3A_484, %add3A_485 : i32
      %lt3A = arith.constant 125 : i32
      %lt3A_487 = arith.cmpi slt, %add3A_486, %lt3A : i32
      %convert_element_type3A = arith.extui %lt3A_487 : i1 to i32
      %cond3A = arith.constant 0 : i32
      %cond3A_488 = arith.cmpi ne, %convert_element_type3A, %cond3A : i32
      scf.if %cond3A_488 {
        %add3A_511 = arith.constant 0 : i32
        %add3A_512 = arith.addi %mul3A_432, %add3A_511 : i32
        %get3A_513 = arith.index_cast %add3A_486 : i32 to index
        %get3A_514 = arith.constant 0 : index
        %get3A_515 = tpu.vector_load %arg6[%get3A_513, %get3A_514] {strides = array<i32>} : memref<125x80xi32, #tpu.memory_space<vmem>>, vector<1x16xi32>,
        %get3A_516 = vector.shape_cast %get3A_515 : vector<1x16xi32> to vector<16xi32>
        %shift_right_logical3A_517 = arith.constant 14 : i32
        %shift_right_logical3A_518 = vector.broadcast %shift_right_logical3A_517 : i32 to vector<16xi32>
        %shift_right_logical3A_519 = arith.shrui %get3A_516, %shift_right_logical3A_518 : vector<16xi32>
        %swap3A_520 = arith.index_cast %add3A_512 : i32 to index
        %swap3A_521 = arith.constant 0 : index
        %swap3A_522 = tpu.vector_load %arg7[%swap3A_520, %swap3A_521] {strides = array<i32>} : memref<6x80xi32, #tpu.memory_space<vmem>>, vector<1x16xi32>,
        %swap3A_523 = vector.shape_cast %swap3A_522 : vector<1x16xi32> to vector<16xi32>
        %swap3A_524 = vector.shape_cast %shift_right_logical3A_519 : vector<16xi32> to vector<1x16xi32>
        tpu.vector_store %arg7[%swap3A_520, %swap3A_521], %swap3A_524 {strides = array<i32>} : memref<6x80xi32, #tpu.memory_space<vmem>>, vector<1x16xi32>,
        %and3A_525 = arith.constant 16383 : i32
        %and3A_526 = vector.broadcast %and3A_525 : i32 to vector<16xi32>
        %and3A_527 = arith.andi %get3A_516, %and3A_526 : vector<16xi32>
        %swap3A_528 = arith.index_cast %add3A_512 : i32 to index
        %swap3A_529 = arith.constant 0 : index
        %swap3A_530 = tpu.vector_load %arg8[%swap3A_528, %swap3A_529] {strides = array<i32>} : memref<6x80xi32, #tpu.memory_space<vmem>>, vector<1x16xi32>,
        %swap3A_531 = vector.shape_cast %swap3A_530 : vector<1x16xi32> to vector<16xi32>
        %swap3A_532 = vector.shape_cast %and3A_527 : vector<16xi32> to vector<1x16xi32>
        tpu.vector_store %arg8[%swap3A_528, %swap3A_529], %swap3A_532 {strides = array<i32>} : memref<6x80xi32, #tpu.memory_space<vmem>>, vector<1x16xi32>,
        %get3A_533 = arith.index_cast %add3A_486 : i32 to index
        %get3A_534 = arith.constant 16 : index
        %get3A_535 = tpu.vector_load %arg6[%get3A_533, %get3A_534] {strides = array<i32>} : memref<125x80xi32, #tpu.memory_space<vmem>>, vector<1x16xi32>,
        %get3A_536 = vector.shape_cast %get3A_535 : vector<1x16xi32> to vector<16xi32>
        %shift_right_logical3A_537 = arith.constant 14 : i32
        %shift_right_logical3A_538 = vector.broadcast %shift_right_logical3A_537 : i32 to vector<16xi32>
        %shift_right_logical3A_539 = arith.shrui %get3A_536, %shift_right_logical3A_538 : vector<16xi32>
        %swap3A_540 = arith.index_cast %add3A_512 : i32 to index
        %swap3A_541 = arith.constant 16 : index
        %swap3A_542 = tpu.vector_load %arg7[%swap3A_540, %swap3A_541] {strides = array<i32>} : memref<6x80xi32, #tpu.memory_space<vmem>>, vector<1x16xi32>,
        %swap3A_543 = vector.shape_cast %swap3A_542 : vector<1x16xi32> to vector<16xi32>
        %swap3A_544 = vector.shape_cast %shift_right_logical3A_539 : vector<16xi32> to vector<1x16xi32>
        tpu.vector_store %arg7[%swap3A_540, %swap3A_541], %swap3A_544 {strides = array<i32>} : memref<6x80xi32, #tpu.memory_space<vmem>>, vector<1x16xi32>,
        %and3A_545 = arith.constant 16383 : i32
        %and3A_546 = vector.broadcast %and3A_545 : i32 to vector<16xi32>
        %and3A_547 = arith.andi %get3A_536, %and3A_546 : vector<16xi32>
        %swap3A_548 = arith.index_cast %add3A_512 : i32 to index
        %swap3A_549 = arith.constant 16 : index
        %swap3A_550 = tpu.vector_load %arg8[%swap3A_548, %swap3A_549] {strides = array<i32>} : memref<6x80xi32, #tpu.memory_space<vmem>>, vector<1x16xi32>,
        %swap3A_551 = vector.shape_cast %swap3A_550 : vector<1x16xi32> to vector<16xi32>
        %swap3A_552 = vector.shape_cast %and3A_547 : vector<16xi32> to vector<1x16xi32>
        tpu.vector_store %arg8[%swap3A_548, %swap3A_549], %swap3A_552 {strides = array<i32>} : memref<6x80xi32, #tpu.memory_space<vmem>>, vector<1x16xi32>,
        %get3A_553 = arith.index_cast %add3A_486 : i32 to index
        %get3A_554 = arith.constant 32 : index
        %get3A_555 = tpu.vector_load %arg6[%get3A_553, %get3A_554] {strides = array<i32>} : memref<125x80xi32, #tpu.memory_space<vmem>>, vector<1x16xi32>,
        %get3A_556 = vector.shape_cast %get3A_555 : vector<1x16xi32> to vector<16xi32>
        %shift_right_logical3A_557 = arith.constant 14 : i32
        %shift_right_logical3A_558 = vector.broadcast %shift_right_logical3A_557 : i32 to vector<16xi32>
        %shift_right_logical3A_559 = arith.shrui %get3A_556, %shift_right_logical3A_558 : vector<16xi32>
        %swap3A_560 = arith.index_cast %add3A_512 : i32 to index
        %swap3A_561 = arith.constant 32 : index
        %swap3A_562 = tpu.vector_load %arg7[%swap3A_560, %swap3A_561] {strides = array<i32>} : memref<6x80xi32, #tpu.memory_space<vmem>>, vector<1x16xi32>,
        %swap3A_563 = vector.shape_cast %swap3A_562 : vector<1x16xi32> to vector<16xi32>
        %swap3A_564 = vector.shape_cast %shift_right_logical3A_559 : vector<16xi32> to vector<1x16xi32>
        tpu.vector_store %arg7[%swap3A_560, %swap3A_561], %swap3A_564 {strides = array<i32>} : memref<6x80xi32, #tpu.memory_space<vmem>>, vector<1x16xi32>,
        %and3A_565 = arith.constant 16383 : i32
        %and3A_566 = vector.broadcast %and3A_565 : i32 to vector<16xi32>
        %and3A_567 = arith.andi %get3A_556, %and3A_566 : vector<16xi32>
        %swap3A_568 = arith.index_cast %add3A_512 : i32 to index
        %swap3A_569 = arith.constant 32 : index
        %swap3A_570 = tpu.vector_load %arg8[%swap3A_568, %swap3A_569] {strides = array<i32>} : memref<6x80xi32, #tpu.memory_space<vmem>>, vector<1x16xi32>,
        %swap3A_571 = vector.shape_cast %swap3A_570 : vector<1x16xi32> to vector<16xi32>
        %swap3A_572 = vector.shape_cast %and3A_567 : vector<16xi32> to vector<1x16xi32>
        tpu.vector_store %arg8[%swap3A_568, %swap3A_569], %swap3A_572 {strides = array<i32>} : memref<6x80xi32, #tpu.memory_space<vmem>>, vector<1x16xi32>,
        %get3A_573 = arith.index_cast %add3A_486 : i32 to index
        %get3A_574 = arith.constant 48 : index
        %get3A_575 = tpu.vector_load %arg6[%get3A_573, %get3A_574] {strides = array<i32>} : memref<125x80xi32, #tpu.memory_space<vmem>>, vector<1x16xi32>,
        %get3A_576 = vector.shape_cast %get3A_575 : vector<1x16xi32> to vector<16xi32>
        %shift_right_logical3A_577 = arith.constant 14 : i32
        %shift_right_logical3A_578 = vector.broadcast %shift_right_logical3A_577 : i32 to vector<16xi32>
        %shift_right_logical3A_579 = arith.shrui %get3A_576, %shift_right_logical3A_578 : vector<16xi32>
        %swap3A_580 = arith.index_cast %add3A_512 : i32 to index
        %swap3A_581 = arith.constant 48 : index
        %swap3A_582 = tpu.vector_load %arg7[%swap3A_580, %swap3A_581] {strides = array<i32>} : memref<6x80xi32, #tpu.memory_space<vmem>>, vector<1x16xi32>,
        %swap3A_583 = vector.shape_cast %swap3A_582 : vector<1x16xi32> to vector<16xi32>
        %swap3A_584 = vector.shape_cast %shift_right_logical3A_579 : vector<16xi32> to vector<1x16xi32>
        tpu.vector_store %arg7[%swap3A_580, %swap3A_581], %swap3A_584 {strides = array<i32>} : memref<6x80xi32, #tpu.memory_space<vmem>>, vector<1x16xi32>,
        %and3A_585 = arith.constant 16383 : i32
        %and3A_586 = vector.broadcast %and3A_585 : i32 to vector<16xi32>
        %and3A_587 = arith.andi %get3A_576, %and3A_586 : vector<16xi32>
        %swap3A_588 = arith.index_cast %add3A_512 : i32 to index
        %swap3A_589 = arith.constant 48 : index
        %swap3A_590 = tpu.vector_load %arg8[%swap3A_588, %swap3A_589] {strides = array<i32>} : memref<6x80xi32, #tpu.memory_space<vmem>>, vector<1x16xi32>,
        %swap3A_591 = vector.shape_cast %swap3A_590 : vector<1x16xi32> to vector<16xi32>
        %swap3A_592 = vector.shape_cast %and3A_587 : vector<16xi32> to vector<1x16xi32>
        tpu.vector_store %arg8[%swap3A_588, %swap3A_589], %swap3A_592 {strides = array<i32>} : memref<6x80xi32, #tpu.memory_space<vmem>>, vector<1x16xi32>,
        %get3A_593 = arith.index_cast %add3A_486 : i32 to index
        %get3A_594 = arith.constant 64 : index
        %get3A_595 = tpu.vector_load %arg6[%get3A_593, %get3A_594] {strides = array<i32>} : memref<125x80xi32, #tpu.memory_space<vmem>>, vector<1x16xi32>,
        %get3A_596 = vector.shape_cast %get3A_595 : vector<1x16xi32> to vector<16xi32>
        %shift_right_logical3A_597 = arith.constant 14 : i32
        %shift_right_logical3A_598 = vector.broadcast %shift_right_logical3A_597 : i32 to vector<16xi32>
        %shift_right_logical3A_599 = arith.shrui %get3A_596, %shift_right_logical3A_598 : vector<16xi32>
        %swap3A_600 = arith.index_cast %add3A_512 : i32 to index
        %swap3A_601 = arith.constant 64 : index
        %swap3A_602 = tpu.vector_load %arg7[%swap3A_600, %swap3A_601] {strides = array<i32>} : memref<6x80xi32, #tpu.memory_space<vmem>>, vector<1x16xi32>,
        %swap3A_603 = vector.shape_cast %swap3A_602 : vector<1x16xi32> to vector<16xi32>
        %swap3A_604 = vector.shape_cast %shift_right_logical3A_599 : vector<16xi32> to vector<1x16xi32>
        tpu.vector_store %arg7[%swap3A_600, %swap3A_601], %swap3A_604 {strides = array<i32>} : memref<6x80xi32, #tpu.memory_space<vmem>>, vector<1x16xi32>,
        %and3A_605 = arith.constant 16383 : i32
        %and3A_606 = vector.broadcast %and3A_605 : i32 to vector<16xi32>
        %and3A_607 = arith.andi %get3A_596, %and3A_606 : vector<16xi32>
        %swap3A_608 = arith.index_cast %add3A_512 : i32 to index
        %swap3A_609 = arith.constant 64 : index
        %swap3A_610 = tpu.vector_load %arg8[%swap3A_608, %swap3A_609] {strides = array<i32>} : memref<6x80xi32, #tpu.memory_space<vmem>>, vector<1x16xi32>,
        %swap3A_611 = vector.shape_cast %swap3A_610 : vector<1x16xi32> to vector<16xi32>
        %swap3A_612 = vector.shape_cast %and3A_607 : vector<16xi32> to vector<1x16xi32>
        tpu.vector_store %arg8[%swap3A_608, %swap3A_609], %swap3A_612 {strides = array<i32>} : memref<6x80xi32, #tpu.memory_space<vmem>>, vector<1x16xi32>,
        %add3A_613 = arith.constant 0 : i32
        %add3A_614 = arith.addi %mul3A_426, %add3A_613 : i32
        %dma_wait3A_615 = arith.constant 0 : i32
        %dma_wait3A_616 = tpu.memref_slice %arg8[%add3A_614, %dma_wait3A_615] : memref<6x80xi32, #tpu.memory_space<vmem>> -> memref<1x80xi32, #tpu.memory_space<vmem>>
        %dma_wait3A_617 = tpu.memref_squeeze %dma_wait3A_616 : memref<1x80xi32, #tpu.memory_space<vmem>> -> memref<80xi32, #tpu.memory_space<vmem>>
        %dma_wait3A_618 = arith.constant 0 : i32
        %dma_wait3A_619 = arith.constant 0 : i32
        %dma_wait3A_620 = tpu.memref_slice %arg12[%dma_wait3A_618, %dma_wait3A_619] : memref<10000x128xf32, #tpu.memory_space<vmem_shared>> -> memref<10000x128xf32, #tpu.memory_space<vmem_shared>>
        tpu.wait_indirect_dma semaphore(%arg16 : memref<!tpu.dma_semaphore, #tpu.memory_space<semaphore_mem>>) src(%arg9 : memref<80x128xf32, #tpu.memory_space<vmem>>) dst(%dma_wait3A_620 : memref<10000x128xf32, #tpu.memory_space<vmem_shared>>)
        %add3A_621 = arith.constant 0 : i32
        %add3A_622 = arith.addi %mul3A_432, %add3A_621 : i32
        %dma_start3A_623 = arith.constant 0 : i32
        %dma_start3A_624 = tpu.memref_slice %arg7[%add3A_622, %dma_start3A_623] : memref<6x80xi32, #tpu.memory_space<vmem>> -> memref<1x80xi32, #tpu.memory_space<vmem>>
        %dma_start3A_625 = tpu.memref_squeeze %dma_start3A_624 : memref<1x80xi32, #tpu.memory_space<vmem>> -> memref<80xi32, #tpu.memory_space<vmem>>
        %dma_start3A_626 = arith.constant 0 : i32
        %dma_start3A_627 = arith.constant 0 : i32
        %dma_start3A_628 = tpu.memref_slice %arg2[%dma_start3A_626, %dma_start3A_627] : memref<110000x128xf32, #tpu.memory_space<hbm>> -> memref<110000x128xf32, #tpu.memory_space<hbm>>
        tpu.enqueue_indirect_dma source(%dma_start3A_628 : memref<110000x128xf32, #tpu.memory_space<hbm>>) target(%arg9 : memref<80x128xf32, #tpu.memory_space<vmem>>) offsets(%dma_start3A_625 : memref<80xi32, #tpu.memory_space<vmem>>) semaphore(%arg13 : memref<!tpu.dma_semaphore, #tpu.memory_space<semaphore_mem>>)
      } else {
      }
      %mul3A_489 = arith.constant 3 : i32
      %mul3A_490 = arith.muli %scan3A_422, %mul3A_489 : i32
      %add3A_491 = arith.constant 1 : i32
      %add3A_492 = arith.addi %mul3A_490, %add3A_491 : i32
      %add3A_493 = arith.constant 3 : i32
      %add3A_494 = arith.addi %add3A_492, %add3A_493 : i32
      %lt3A_495 = arith.constant 125 : i32
      %lt3A_496 = arith.cmpi slt, %add3A_494, %lt3A_495 : i32
      %convert_element_type3A_497 = arith.extui %lt3A_496 : i1 to i32
      %cond3A_498 = arith.constant 0 : i32
      %cond3A_499 = arith.cmpi ne, %convert_element_type3A_497, %cond3A_498 : i32
      scf.if %cond3A_499 {
        %add3A_511 = arith.constant 1 : i32
        %add3A_512 = arith.addi %mul3A_432, %add3A_511 : i32
        %get3A_513 = arith.index_cast %add3A_494 : i32 to index
        %get3A_514 = arith.constant 0 : index
        %get3A_515 = tpu.vector_load %arg6[%get3A_513, %get3A_514] {strides = array<i32>} : memref<125x80xi32, #tpu.memory_space<vmem>>, vector<1x16xi32>,
        %get3A_516 = vector.shape_cast %get3A_515 : vector<1x16xi32> to vector<16xi32>
        %shift_right_logical3A_517 = arith.constant 14 : i32
        %shift_right_logical3A_518 = vector.broadcast %shift_right_logical3A_517 : i32 to vector<16xi32>
        %shift_right_logical3A_519 = arith.shrui %get3A_516, %shift_right_logical3A_518 : vector<16xi32>
        %swap3A_520 = arith.index_cast %add3A_512 : i32 to index
        %swap3A_521 = arith.constant 0 : index
        %swap3A_522 = tpu.vector_load %arg7[%swap3A_520, %swap3A_521] {strides = array<i32>} : memref<6x80xi32, #tpu.memory_space<vmem>>, vector<1x16xi32>,
        %swap3A_523 = vector.shape_cast %swap3A_522 : vector<1x16xi32> to vector<16xi32>
        %swap3A_524 = vector.shape_cast %shift_right_logical3A_519 : vector<16xi32> to vector<1x16xi32>
        tpu.vector_store %arg7[%swap3A_520, %swap3A_521], %swap3A_524 {strides = array<i32>} : memref<6x80xi32, #tpu.memory_space<vmem>>, vector<1x16xi32>,
        %and3A_525 = arith.constant 16383 : i32
        %and3A_526 = vector.broadcast %and3A_525 : i32 to vector<16xi32>
        %and3A_527 = arith.andi %get3A_516, %and3A_526 : vector<16xi32>
        %swap3A_528 = arith.index_cast %add3A_512 : i32 to index
        %swap3A_529 = arith.constant 0 : index
        %swap3A_530 = tpu.vector_load %arg8[%swap3A_528, %swap3A_529] {strides = array<i32>} : memref<6x80xi32, #tpu.memory_space<vmem>>, vector<1x16xi32>,
        %swap3A_531 = vector.shape_cast %swap3A_530 : vector<1x16xi32> to vector<16xi32>
        %swap3A_532 = vector.shape_cast %and3A_527 : vector<16xi32> to vector<1x16xi32>
        tpu.vector_store %arg8[%swap3A_528, %swap3A_529], %swap3A_532 {strides = array<i32>} : memref<6x80xi32, #tpu.memory_space<vmem>>, vector<1x16xi32>,
        %get3A_533 = arith.index_cast %add3A_494 : i32 to index
        %get3A_534 = arith.constant 16 : index
        %get3A_535 = tpu.vector_load %arg6[%get3A_533, %get3A_534] {strides = array<i32>} : memref<125x80xi32, #tpu.memory_space<vmem>>, vector<1x16xi32>,
        %get3A_536 = vector.shape_cast %get3A_535 : vector<1x16xi32> to vector<16xi32>
        %shift_right_logical3A_537 = arith.constant 14 : i32
        %shift_right_logical3A_538 = vector.broadcast %shift_right_logical3A_537 : i32 to vector<16xi32>
        %shift_right_logical3A_539 = arith.shrui %get3A_536, %shift_right_logical3A_538 : vector<16xi32>
        %swap3A_540 = arith.index_cast %add3A_512 : i32 to index
        %swap3A_541 = arith.constant 16 : index
        %swap3A_542 = tpu.vector_load %arg7[%swap3A_540, %swap3A_541] {strides = array<i32>} : memref<6x80xi32, #tpu.memory_space<vmem>>, vector<1x16xi32>,
        %swap3A_543 = vector.shape_cast %swap3A_542 : vector<1x16xi32> to vector<16xi32>
        %swap3A_544 = vector.shape_cast %shift_right_logical3A_539 : vector<16xi32> to vector<1x16xi32>
        tpu.vector_store %arg7[%swap3A_540, %swap3A_541], %swap3A_544 {strides = array<i32>} : memref<6x80xi32, #tpu.memory_space<vmem>>, vector<1x16xi32>,
        %and3A_545 = arith.constant 16383 : i32
        %and3A_546 = vector.broadcast %and3A_545 : i32 to vector<16xi32>
        %and3A_547 = arith.andi %get3A_536, %and3A_546 : vector<16xi32>
        %swap3A_548 = arith.index_cast %add3A_512 : i32 to index
        %swap3A_549 = arith.constant 16 : index
        %swap3A_550 = tpu.vector_load %arg8[%swap3A_548, %swap3A_549] {strides = array<i32>} : memref<6x80xi32, #tpu.memory_space<vmem>>, vector<1x16xi32>,
        %swap3A_551 = vector.shape_cast %swap3A_550 : vector<1x16xi32> to vector<16xi32>
        %swap3A_552 = vector.shape_cast %and3A_547 : vector<16xi32> to vector<1x16xi32>
        tpu.vector_store %arg8[%swap3A_548, %swap3A_549], %swap3A_552 {strides = array<i32>} : memref<6x80xi32, #tpu.memory_space<vmem>>, vector<1x16xi32>,
        %get3A_553 = arith.index_cast %add3A_494 : i32 to index
        %get3A_554 = arith.constant 32 : index
        %get3A_555 = tpu.vector_load %arg6[%get3A_553, %get3A_554] {strides = array<i32>} : memref<125x80xi32, #tpu.memory_space<vmem>>, vector<1x16xi32>,
        %get3A_556 = vector.shape_cast %get3A_555 : vector<1x16xi32> to vector<16xi32>
        %shift_right_logical3A_557 = arith.constant 14 : i32
        %shift_right_logical3A_558 = vector.broadcast %shift_right_logical3A_557 : i32 to vector<16xi32>
        %shift_right_logical3A_559 = arith.shrui %get3A_556, %shift_right_logical3A_558 : vector<16xi32>
        %swap3A_560 = arith.index_cast %add3A_512 : i32 to index
        %swap3A_561 = arith.constant 32 : index
        %swap3A_562 = tpu.vector_load %arg7[%swap3A_560, %swap3A_561] {strides = array<i32>} : memref<6x80xi32, #tpu.memory_space<vmem>>, vector<1x16xi32>,
        %swap3A_563 = vector.shape_cast %swap3A_562 : vector<1x16xi32> to vector<16xi32>
        %swap3A_564 = vector.shape_cast %shift_right_logical3A_559 : vector<16xi32> to vector<1x16xi32>
        tpu.vector_store %arg7[%swap3A_560, %swap3A_561], %swap3A_564 {strides = array<i32>} : memref<6x80xi32, #tpu.memory_space<vmem>>, vector<1x16xi32>,
        %and3A_565 = arith.constant 16383 : i32
        %and3A_566 = vector.broadcast %and3A_565 : i32 to vector<16xi32>
        %and3A_567 = arith.andi %get3A_556, %and3A_566 : vector<16xi32>
        %swap3A_568 = arith.index_cast %add3A_512 : i32 to index
        %swap3A_569 = arith.constant 32 : index
        %swap3A_570 = tpu.vector_load %arg8[%swap3A_568, %swap3A_569] {strides = array<i32>} : memref<6x80xi32, #tpu.memory_space<vmem>>, vector<1x16xi32>,
        %swap3A_571 = vector.shape_cast %swap3A_570 : vector<1x16xi32> to vector<16xi32>
        %swap3A_572 = vector.shape_cast %and3A_567 : vector<16xi32> to vector<1x16xi32>
        tpu.vector_store %arg8[%swap3A_568, %swap3A_569], %swap3A_572 {strides = array<i32>} : memref<6x80xi32, #tpu.memory_space<vmem>>, vector<1x16xi32>,
        %get3A_573 = arith.index_cast %add3A_494 : i32 to index
        %get3A_574 = arith.constant 48 : index
        %get3A_575 = tpu.vector_load %arg6[%get3A_573, %get3A_574] {strides = array<i32>} : memref<125x80xi32, #tpu.memory_space<vmem>>, vector<1x16xi32>,
        %get3A_576 = vector.shape_cast %get3A_575 : vector<1x16xi32> to vector<16xi32>
        %shift_right_logical3A_577 = arith.constant 14 : i32
        %shift_right_logical3A_578 = vector.broadcast %shift_right_logical3A_577 : i32 to vector<16xi32>
        %shift_right_logical3A_579 = arith.shrui %get3A_576, %shift_right_logical3A_578 : vector<16xi32>
        %swap3A_580 = arith.index_cast %add3A_512 : i32 to index
        %swap3A_581 = arith.constant 48 : index
        %swap3A_582 = tpu.vector_load %arg7[%swap3A_580, %swap3A_581] {strides = array<i32>} : memref<6x80xi32, #tpu.memory_space<vmem>>, vector<1x16xi32>,
        %swap3A_583 = vector.shape_cast %swap3A_582 : vector<1x16xi32> to vector<16xi32>
        %swap3A_584 = vector.shape_cast %shift_right_logical3A_579 : vector<16xi32> to vector<1x16xi32>
        tpu.vector_store %arg7[%swap3A_580, %swap3A_581], %swap3A_584 {strides = array<i32>} : memref<6x80xi32, #tpu.memory_space<vmem>>, vector<1x16xi32>,
        %and3A_585 = arith.constant 16383 : i32
        %and3A_586 = vector.broadcast %and3A_585 : i32 to vector<16xi32>
        %and3A_587 = arith.andi %get3A_576, %and3A_586 : vector<16xi32>
        %swap3A_588 = arith.index_cast %add3A_512 : i32 to index
        %swap3A_589 = arith.constant 48 : index
        %swap3A_590 = tpu.vector_load %arg8[%swap3A_588, %swap3A_589] {strides = array<i32>} : memref<6x80xi32, #tpu.memory_space<vmem>>, vector<1x16xi32>,
        %swap3A_591 = vector.shape_cast %swap3A_590 : vector<1x16xi32> to vector<16xi32>
        %swap3A_592 = vector.shape_cast %and3A_587 : vector<16xi32> to vector<1x16xi32>
        tpu.vector_store %arg8[%swap3A_588, %swap3A_589], %swap3A_592 {strides = array<i32>} : memref<6x80xi32, #tpu.memory_space<vmem>>, vector<1x16xi32>,
        %get3A_593 = arith.index_cast %add3A_494 : i32 to index
        %get3A_594 = arith.constant 64 : index
        %get3A_595 = tpu.vector_load %arg6[%get3A_593, %get3A_594] {strides = array<i32>} : memref<125x80xi32, #tpu.memory_space<vmem>>, vector<1x16xi32>,
        %get3A_596 = vector.shape_cast %get3A_595 : vector<1x16xi32> to vector<16xi32>
        %shift_right_logical3A_597 = arith.constant 14 : i32
        %shift_right_logical3A_598 = vector.broadcast %shift_right_logical3A_597 : i32 to vector<16xi32>
        %shift_right_logical3A_599 = arith.shrui %get3A_596, %shift_right_logical3A_598 : vector<16xi32>
        %swap3A_600 = arith.index_cast %add3A_512 : i32 to index
        %swap3A_601 = arith.constant 64 : index
        %swap3A_602 = tpu.vector_load %arg7[%swap3A_600, %swap3A_601] {strides = array<i32>} : memref<6x80xi32, #tpu.memory_space<vmem>>, vector<1x16xi32>,
        %swap3A_603 = vector.shape_cast %swap3A_602 : vector<1x16xi32> to vector<16xi32>
        %swap3A_604 = vector.shape_cast %shift_right_logical3A_599 : vector<16xi32> to vector<1x16xi32>
        tpu.vector_store %arg7[%swap3A_600, %swap3A_601], %swap3A_604 {strides = array<i32>} : memref<6x80xi32, #tpu.memory_space<vmem>>, vector<1x16xi32>,
        %and3A_605 = arith.constant 16383 : i32
        %and3A_606 = vector.broadcast %and3A_605 : i32 to vector<16xi32>
        %and3A_607 = arith.andi %get3A_596, %and3A_606 : vector<16xi32>
        %swap3A_608 = arith.index_cast %add3A_512 : i32 to index
        %swap3A_609 = arith.constant 64 : index
        %swap3A_610 = tpu.vector_load %arg8[%swap3A_608, %swap3A_609] {strides = array<i32>} : memref<6x80xi32, #tpu.memory_space<vmem>>, vector<1x16xi32>,
        %swap3A_611 = vector.shape_cast %swap3A_610 : vector<1x16xi32> to vector<16xi32>
        %swap3A_612 = vector.shape_cast %and3A_607 : vector<16xi32> to vector<1x16xi32>
        tpu.vector_store %arg8[%swap3A_608, %swap3A_609], %swap3A_612 {strides = array<i32>} : memref<6x80xi32, #tpu.memory_space<vmem>>, vector<1x16xi32>,
        %add3A_613 = arith.constant 1 : i32
        %add3A_614 = arith.addi %mul3A_426, %add3A_613 : i32
        %dma_wait3A_615 = arith.constant 0 : i32
        %dma_wait3A_616 = tpu.memref_slice %arg8[%add3A_614, %dma_wait3A_615] : memref<6x80xi32, #tpu.memory_space<vmem>> -> memref<1x80xi32, #tpu.memory_space<vmem>>
        %dma_wait3A_617 = tpu.memref_squeeze %dma_wait3A_616 : memref<1x80xi32, #tpu.memory_space<vmem>> -> memref<80xi32, #tpu.memory_space<vmem>>
        %dma_wait3A_618 = arith.constant 0 : i32
        %dma_wait3A_619 = arith.constant 0 : i32
        %dma_wait3A_620 = tpu.memref_slice %arg12[%dma_wait3A_618, %dma_wait3A_619] : memref<10000x128xf32, #tpu.memory_space<vmem_shared>> -> memref<10000x128xf32, #tpu.memory_space<vmem_shared>>
        tpu.wait_indirect_dma semaphore(%arg17 : memref<!tpu.dma_semaphore, #tpu.memory_space<semaphore_mem>>) src(%arg10 : memref<80x128xf32, #tpu.memory_space<vmem>>) dst(%dma_wait3A_620 : memref<10000x128xf32, #tpu.memory_space<vmem_shared>>)
        %add3A_621 = arith.constant 1 : i32
        %add3A_622 = arith.addi %mul3A_432, %add3A_621 : i32
        %dma_start3A_623 = arith.constant 0 : i32
        %dma_start3A_624 = tpu.memref_slice %arg7[%add3A_622, %dma_start3A_623] : memref<6x80xi32, #tpu.memory_space<vmem>> -> memref<1x80xi32, #tpu.memory_space<vmem>>
        %dma_start3A_625 = tpu.memref_squeeze %dma_start3A_624 : memref<1x80xi32, #tpu.memory_space<vmem>> -> memref<80xi32, #tpu.memory_space<vmem>>
        %dma_start3A_626 = arith.constant 0 : i32
        %dma_start3A_627 = arith.constant 0 : i32
        %dma_start3A_628 = tpu.memref_slice %arg2[%dma_start3A_626, %dma_start3A_627] : memref<110000x128xf32, #tpu.memory_space<hbm>> -> memref<110000x128xf32, #tpu.memory_space<hbm>>
        tpu.enqueue_indirect_dma source(%dma_start3A_628 : memref<110000x128xf32, #tpu.memory_space<hbm>>) target(%arg10 : memref<80x128xf32, #tpu.memory_space<vmem>>) offsets(%dma_start3A_625 : memref<80xi32, #tpu.memory_space<vmem>>) semaphore(%arg14 : memref<!tpu.dma_semaphore, #tpu.memory_space<semaphore_mem>>)
      } else {
      }
      %mul3A_500 = arith.constant 3 : i32
      %mul3A_501 = arith.muli %scan3A_422, %mul3A_500 : i32
      %add3A_502 = arith.constant 2 : i32
      %add3A_503 = arith.addi %mul3A_501, %add3A_502 : i32
      %add3A_504 = arith.constant 3 : i32
      %add3A_505 = arith.addi %add3A_503, %add3A_504 : i32
      %lt3A_506 = arith.constant 125 : i32
      %lt3A_507 = arith.cmpi slt, %add3A_505, %lt3A_506 : i32
      %convert_element_type3A_508 = arith.extui %lt3A_507 : i1 to i32
      %cond3A_509 = arith.constant 0 : i32
      %cond3A_510 = arith.cmpi ne, %convert_element_type3A_508, %cond3A_509 : i32
      scf.if %cond3A_510 {
        %add3A_511 = arith.constant 2 : i32
        %add3A_512 = arith.addi %mul3A_432, %add3A_511 : i32
        %get3A_513 = arith.index_cast %add3A_505 : i32 to index
        %get3A_514 = arith.constant 0 : index
        %get3A_515 = tpu.vector_load %arg6[%get3A_513, %get3A_514] {strides = array<i32>} : memref<125x80xi32, #tpu.memory_space<vmem>>, vector<1x16xi32>,
        %get3A_516 = vector.shape_cast %get3A_515 : vector<1x16xi32> to vector<16xi32>
        %shift_right_logical3A_517 = arith.constant 14 : i32
        %shift_right_logical3A_518 = vector.broadcast %shift_right_logical3A_517 : i32 to vector<16xi32>
        %shift_right_logical3A_519 = arith.shrui %get3A_516, %shift_right_logical3A_518 : vector<16xi32>
        %swap3A_520 = arith.index_cast %add3A_512 : i32 to index
        %swap3A_521 = arith.constant 0 : index
        %swap3A_522 = tpu.vector_load %arg7[%swap3A_520, %swap3A_521] {strides = array<i32>} : memref<6x80xi32, #tpu.memory_space<vmem>>, vector<1x16xi32>,
        %swap3A_523 = vector.shape_cast %swap3A_522 : vector<1x16xi32> to vector<16xi32>
        %swap3A_524 = vector.shape_cast %shift_right_logical3A_519 : vector<16xi32> to vector<1x16xi32>
        tpu.vector_store %arg7[%swap3A_520, %swap3A_521], %swap3A_524 {strides = array<i32>} : memref<6x80xi32, #tpu.memory_space<vmem>>, vector<1x16xi32>,
        %and3A_525 = arith.constant 16383 : i32
        %and3A_526 = vector.broadcast %and3A_525 : i32 to vector<16xi32>
        %and3A_527 = arith.andi %get3A_516, %and3A_526 : vector<16xi32>
        %swap3A_528 = arith.index_cast %add3A_512 : i32 to index
        %swap3A_529 = arith.constant 0 : index
        %swap3A_530 = tpu.vector_load %arg8[%swap3A_528, %swap3A_529] {strides = array<i32>} : memref<6x80xi32, #tpu.memory_space<vmem>>, vector<1x16xi32>,
        %swap3A_531 = vector.shape_cast %swap3A_530 : vector<1x16xi32> to vector<16xi32>
        %swap3A_532 = vector.shape_cast %and3A_527 : vector<16xi32> to vector<1x16xi32>
        tpu.vector_store %arg8[%swap3A_528, %swap3A_529], %swap3A_532 {strides = array<i32>} : memref<6x80xi32, #tpu.memory_space<vmem>>, vector<1x16xi32>,
        %get3A_533 = arith.index_cast %add3A_505 : i32 to index
        %get3A_534 = arith.constant 16 : index
        %get3A_535 = tpu.vector_load %arg6[%get3A_533, %get3A_534] {strides = array<i32>} : memref<125x80xi32, #tpu.memory_space<vmem>>, vector<1x16xi32>,
        %get3A_536 = vector.shape_cast %get3A_535 : vector<1x16xi32> to vector<16xi32>
        %shift_right_logical3A_537 = arith.constant 14 : i32
        %shift_right_logical3A_538 = vector.broadcast %shift_right_logical3A_537 : i32 to vector<16xi32>
        %shift_right_logical3A_539 = arith.shrui %get3A_536, %shift_right_logical3A_538 : vector<16xi32>
        %swap3A_540 = arith.index_cast %add3A_512 : i32 to index
        %swap3A_541 = arith.constant 16 : index
        %swap3A_542 = tpu.vector_load %arg7[%swap3A_540, %swap3A_541] {strides = array<i32>} : memref<6x80xi32, #tpu.memory_space<vmem>>, vector<1x16xi32>,
        %swap3A_543 = vector.shape_cast %swap3A_542 : vector<1x16xi32> to vector<16xi32>
        %swap3A_544 = vector.shape_cast %shift_right_logical3A_539 : vector<16xi32> to vector<1x16xi32>
        tpu.vector_store %arg7[%swap3A_540, %swap3A_541], %swap3A_544 {strides = array<i32>} : memref<6x80xi32, #tpu.memory_space<vmem>>, vector<1x16xi32>,
        %and3A_545 = arith.constant 16383 : i32
        %and3A_546 = vector.broadcast %and3A_545 : i32 to vector<16xi32>
        %and3A_547 = arith.andi %get3A_536, %and3A_546 : vector<16xi32>
        %swap3A_548 = arith.index_cast %add3A_512 : i32 to index
        %swap3A_549 = arith.constant 16 : index
        %swap3A_550 = tpu.vector_load %arg8[%swap3A_548, %swap3A_549] {strides = array<i32>} : memref<6x80xi32, #tpu.memory_space<vmem>>, vector<1x16xi32>,
        %swap3A_551 = vector.shape_cast %swap3A_550 : vector<1x16xi32> to vector<16xi32>
        %swap3A_552 = vector.shape_cast %and3A_547 : vector<16xi32> to vector<1x16xi32>
        tpu.vector_store %arg8[%swap3A_548, %swap3A_549], %swap3A_552 {strides = array<i32>} : memref<6x80xi32, #tpu.memory_space<vmem>>, vector<1x16xi32>,
        %get3A_553 = arith.index_cast %add3A_505 : i32 to index
        %get3A_554 = arith.constant 32 : index
        %get3A_555 = tpu.vector_load %arg6[%get3A_553, %get3A_554] {strides = array<i32>} : memref<125x80xi32, #tpu.memory_space<vmem>>, vector<1x16xi32>,
        %get3A_556 = vector.shape_cast %get3A_555 : vector<1x16xi32> to vector<16xi32>
        %shift_right_logical3A_557 = arith.constant 14 : i32
        %shift_right_logical3A_558 = vector.broadcast %shift_right_logical3A_557 : i32 to vector<16xi32>
        %shift_right_logical3A_559 = arith.shrui %get3A_556, %shift_right_logical3A_558 : vector<16xi32>
        %swap3A_560 = arith.index_cast %add3A_512 : i32 to index
        %swap3A_561 = arith.constant 32 : index
        %swap3A_562 = tpu.vector_load %arg7[%swap3A_560, %swap3A_561] {strides = array<i32>} : memref<6x80xi32, #tpu.memory_space<vmem>>, vector<1x16xi32>,
        %swap3A_563 = vector.shape_cast %swap3A_562 : vector<1x16xi32> to vector<16xi32>
        %swap3A_564 = vector.shape_cast %shift_right_logical3A_559 : vector<16xi32> to vector<1x16xi32>
        tpu.vector_store %arg7[%swap3A_560, %swap3A_561], %swap3A_564 {strides = array<i32>} : memref<6x80xi32, #tpu.memory_space<vmem>>, vector<1x16xi32>,
        %and3A_565 = arith.constant 16383 : i32
        %and3A_566 = vector.broadcast %and3A_565 : i32 to vector<16xi32>
        %and3A_567 = arith.andi %get3A_556, %and3A_566 : vector<16xi32>
        %swap3A_568 = arith.index_cast %add3A_512 : i32 to index
        %swap3A_569 = arith.constant 32 : index
        %swap3A_570 = tpu.vector_load %arg8[%swap3A_568, %swap3A_569] {strides = array<i32>} : memref<6x80xi32, #tpu.memory_space<vmem>>, vector<1x16xi32>,
        %swap3A_571 = vector.shape_cast %swap3A_570 : vector<1x16xi32> to vector<16xi32>
        %swap3A_572 = vector.shape_cast %and3A_567 : vector<16xi32> to vector<1x16xi32>
        tpu.vector_store %arg8[%swap3A_568, %swap3A_569], %swap3A_572 {strides = array<i32>} : memref<6x80xi32, #tpu.memory_space<vmem>>, vector<1x16xi32>,
        %get3A_573 = arith.index_cast %add3A_505 : i32 to index
        %get3A_574 = arith.constant 48 : index
        %get3A_575 = tpu.vector_load %arg6[%get3A_573, %get3A_574] {strides = array<i32>} : memref<125x80xi32, #tpu.memory_space<vmem>>, vector<1x16xi32>,
        %get3A_576 = vector.shape_cast %get3A_575 : vector<1x16xi32> to vector<16xi32>
        %shift_right_logical3A_577 = arith.constant 14 : i32
        %shift_right_logical3A_578 = vector.broadcast %shift_right_logical3A_577 : i32 to vector<16xi32>
        %shift_right_logical3A_579 = arith.shrui %get3A_576, %shift_right_logical3A_578 : vector<16xi32>
        %swap3A_580 = arith.index_cast %add3A_512 : i32 to index
        %swap3A_581 = arith.constant 48 : index
        %swap3A_582 = tpu.vector_load %arg7[%swap3A_580, %swap3A_581] {strides = array<i32>} : memref<6x80xi32, #tpu.memory_space<vmem>>, vector<1x16xi32>,
        %swap3A_583 = vector.shape_cast %swap3A_582 : vector<1x16xi32> to vector<16xi32>
        %swap3A_584 = vector.shape_cast %shift_right_logical3A_579 : vector<16xi32> to vector<1x16xi32>
        tpu.vector_store %arg7[%swap3A_580, %swap3A_581], %swap3A_584 {strides = array<i32>} : memref<6x80xi32, #tpu.memory_space<vmem>>, vector<1x16xi32>,
        %and3A_585 = arith.constant 16383 : i32
        %and3A_586 = vector.broadcast %and3A_585 : i32 to vector<16xi32>
        %and3A_587 = arith.andi %get3A_576, %and3A_586 : vector<16xi32>
        %swap3A_588 = arith.index_cast %add3A_512 : i32 to index
        %swap3A_589 = arith.constant 48 : index
        %swap3A_590 = tpu.vector_load %arg8[%swap3A_588, %swap3A_589] {strides = array<i32>} : memref<6x80xi32, #tpu.memory_space<vmem>>, vector<1x16xi32>,
        %swap3A_591 = vector.shape_cast %swap3A_590 : vector<1x16xi32> to vector<16xi32>
        %swap3A_592 = vector.shape_cast %and3A_587 : vector<16xi32> to vector<1x16xi32>
        tpu.vector_store %arg8[%swap3A_588, %swap3A_589], %swap3A_592 {strides = array<i32>} : memref<6x80xi32, #tpu.memory_space<vmem>>, vector<1x16xi32>,
        %get3A_593 = arith.index_cast %add3A_505 : i32 to index
        %get3A_594 = arith.constant 64 : index
        %get3A_595 = tpu.vector_load %arg6[%get3A_593, %get3A_594] {strides = array<i32>} : memref<125x80xi32, #tpu.memory_space<vmem>>, vector<1x16xi32>,
        %get3A_596 = vector.shape_cast %get3A_595 : vector<1x16xi32> to vector<16xi32>
        %shift_right_logical3A_597 = arith.constant 14 : i32
        %shift_right_logical3A_598 = vector.broadcast %shift_right_logical3A_597 : i32 to vector<16xi32>
        %shift_right_logical3A_599 = arith.shrui %get3A_596, %shift_right_logical3A_598 : vector<16xi32>
        %swap3A_600 = arith.index_cast %add3A_512 : i32 to index
        %swap3A_601 = arith.constant 64 : index
        %swap3A_602 = tpu.vector_load %arg7[%swap3A_600, %swap3A_601] {strides = array<i32>} : memref<6x80xi32, #tpu.memory_space<vmem>>, vector<1x16xi32>,
        %swap3A_603 = vector.shape_cast %swap3A_602 : vector<1x16xi32> to vector<16xi32>
        %swap3A_604 = vector.shape_cast %shift_right_logical3A_599 : vector<16xi32> to vector<1x16xi32>
        tpu.vector_store %arg7[%swap3A_600, %swap3A_601], %swap3A_604 {strides = array<i32>} : memref<6x80xi32, #tpu.memory_space<vmem>>, vector<1x16xi32>,
        %and3A_605 = arith.constant 16383 : i32
        %and3A_606 = vector.broadcast %and3A_605 : i32 to vector<16xi32>
        %and3A_607 = arith.andi %get3A_596, %and3A_606 : vector<16xi32>
        %swap3A_608 = arith.index_cast %add3A_512 : i32 to index
        %swap3A_609 = arith.constant 64 : index
        %swap3A_610 = tpu.vector_load %arg8[%swap3A_608, %swap3A_609] {strides = array<i32>} : memref<6x80xi32, #tpu.memory_space<vmem>>, vector<1x16xi32>,
        %swap3A_611 = vector.shape_cast %swap3A_610 : vector<1x16xi32> to vector<16xi32>
        %swap3A_612 = vector.shape_cast %and3A_607 : vector<16xi32> to vector<1x16xi32>
        tpu.vector_store %arg8[%swap3A_608, %swap3A_609], %swap3A_612 {strides = array<i32>} : memref<6x80xi32, #tpu.memory_space<vmem>>, vector<1x16xi32>,
        %add3A_613 = arith.constant 2 : i32
        %add3A_614 = arith.addi %mul3A_426, %add3A_613 : i32
        %dma_wait3A_615 = arith.constant 0 : i32
        %dma_wait3A_616 = tpu.memref_slice %arg8[%add3A_614, %dma_wait3A_615] : memref<6x80xi32, #tpu.memory_space<vmem>> -> memref<1x80xi32, #tpu.memory_space<vmem>>
        %dma_wait3A_617 = tpu.memref_squeeze %dma_wait3A_616 : memref<1x80xi32, #tpu.memory_space<vmem>> -> memref<80xi32, #tpu.memory_space<vmem>>
        %dma_wait3A_618 = arith.constant 0 : i32
        %dma_wait3A_619 = arith.constant 0 : i32
        %dma_wait3A_620 = tpu.memref_slice %arg12[%dma_wait3A_618, %dma_wait3A_619] : memref<10000x128xf32, #tpu.memory_space<vmem_shared>> -> memref<10000x128xf32, #tpu.memory_space<vmem_shared>>
        tpu.wait_indirect_dma semaphore(%arg18 : memref<!tpu.dma_semaphore, #tpu.memory_space<semaphore_mem>>) src(%arg11 : memref<80x128xf32, #tpu.memory_space<vmem>>) dst(%dma_wait3A_620 : memref<10000x128xf32, #tpu.memory_space<vmem_shared>>)
        %add3A_621 = arith.constant 2 : i32
        %add3A_622 = arith.addi %mul3A_432, %add3A_621 : i32
        %dma_start3A_623 = arith.constant 0 : i32
        %dma_start3A_624 = tpu.memref_slice %arg7[%add3A_622, %dma_start3A_623] : memref<6x80xi32, #tpu.memory_space<vmem>> -> memref<1x80xi32, #tpu.memory_space<vmem>>
        %dma_start3A_625 = tpu.memref_squeeze %dma_start3A_624 : memref<1x80xi32, #tpu.memory_space<vmem>> -> memref<80xi32, #tpu.memory_space<vmem>>
        %dma_start3A_626 = arith.constant 0 : i32
        %dma_start3A_627 = arith.constant 0 : i32
        %dma_start3A_628 = tpu.memref_slice %arg2[%dma_start3A_626, %dma_start3A_627] : memref<110000x128xf32, #tpu.memory_space<hbm>> -> memref<110000x128xf32, #tpu.memory_space<hbm>>
        tpu.enqueue_indirect_dma source(%dma_start3A_628 : memref<110000x128xf32, #tpu.memory_space<hbm>>) target(%arg11 : memref<80x128xf32, #tpu.memory_space<vmem>>) offsets(%dma_start3A_625 : memref<80xi32, #tpu.memory_space<vmem>>) semaphore(%arg15 : memref<!tpu.dma_semaphore, #tpu.memory_space<semaphore_mem>>)
      } else {
      }
    }
    %scan3A_368 = arith.constant 41 : i32
    %dma_wait3A = arith.constant 3 : i32
    %dma_wait3A_369 = arith.constant 0 : i32
    %dma_wait3A_370 = tpu.memref_slice %arg7[%dma_wait3A, %dma_wait3A_369] : memref<6x80xi32, #tpu.memory_space<vmem>> -> memref<1x80xi32, #tpu.memory_space<vmem>>
    %dma_wait3A_371 = tpu.memref_squeeze %dma_wait3A_370 : memref<1x80xi32, #tpu.memory_space<vmem>> -> memref<80xi32, #tpu.memory_space<vmem>>
    %dma_wait3A_372 = arith.constant 0 : i32
    %dma_wait3A_373 = arith.constant 0 : i32
    %dma_wait3A_374 = tpu.memref_slice %arg2[%dma_wait3A_372, %dma_wait3A_373] : memref<110000x128xf32, #tpu.memory_space<hbm>> -> memref<110000x128xf32, #tpu.memory_space<hbm>>
    tpu.wait_indirect_dma semaphore(%arg13 : memref<!tpu.dma_semaphore, #tpu.memory_space<semaphore_mem>>) src(%dma_wait3A_374 : memref<110000x128xf32, #tpu.memory_space<hbm>>) dst(%arg9 : memref<80x128xf32, #tpu.memory_space<vmem>>)
    %dma_start3A_375 = arith.constant 3 : i32
    %dma_start3A_376 = arith.constant 0 : i32
    %dma_start3A_377 = tpu.memref_slice %arg8[%dma_start3A_375, %dma_start3A_376] : memref<6x80xi32, #tpu.memory_space<vmem>> -> memref<1x80xi32, #tpu.memory_space<vmem>>
    %dma_start3A_378 = tpu.memref_squeeze %dma_start3A_377 : memref<1x80xi32, #tpu.memory_space<vmem>> -> memref<80xi32, #tpu.memory_space<vmem>>
    %dma_start3A_379 = arith.constant 0 : i32
    %dma_start3A_380 = arith.constant 0 : i32
    %dma_start3A_381 = tpu.memref_slice %arg12[%dma_start3A_379, %dma_start3A_380] : memref<10000x128xf32, #tpu.memory_space<vmem_shared>> -> memref<10000x128xf32, #tpu.memory_space<vmem_shared>>
    tpu.enqueue_indirect_dma source(%arg9 : memref<80x128xf32, #tpu.memory_space<vmem>>) target(%dma_start3A_381 : memref<10000x128xf32, #tpu.memory_space<vmem_shared>>) offsets(%dma_start3A_378 : memref<80xi32, #tpu.memory_space<vmem>>) semaphore(%arg16 : memref<!tpu.dma_semaphore, #tpu.memory_space<semaphore_mem>>) {add = true}
    %dma_wait3A_382 = arith.constant 4 : i32
    %dma_wait3A_383 = arith.constant 0 : i32
    %dma_wait3A_384 = tpu.memref_slice %arg7[%dma_wait3A_382, %dma_wait3A_383] : memref<6x80xi32, #tpu.memory_space<vmem>> -> memref<1x80xi32, #tpu.memory_space<vmem>>
    %dma_wait3A_385 = tpu.memref_squeeze %dma_wait3A_384 : memref<1x80xi32, #tpu.memory_space<vmem>> -> memref<80xi32, #tpu.memory_space<vmem>>
    %dma_wait3A_386 = arith.constant 0 : i32
    %dma_wait3A_387 = arith.constant 0 : i32
    %dma_wait3A_388 = tpu.memref_slice %arg2[%dma_wait3A_386, %dma_wait3A_387] : memref<110000x128xf32, #tpu.memory_space<hbm>> -> memref<110000x128xf32, #tpu.memory_space<hbm>>
    tpu.wait_indirect_dma semaphore(%arg14 : memref<!tpu.dma_semaphore, #tpu.memory_space<semaphore_mem>>) src(%dma_wait3A_388 : memref<110000x128xf32, #tpu.memory_space<hbm>>) dst(%arg10 : memref<80x128xf32, #tpu.memory_space<vmem>>)
    %dma_start3A_389 = arith.constant 4 : i32
    %dma_start3A_390 = arith.constant 0 : i32
    %dma_start3A_391 = tpu.memref_slice %arg8[%dma_start3A_389, %dma_start3A_390] : memref<6x80xi32, #tpu.memory_space<vmem>> -> memref<1x80xi32, #tpu.memory_space<vmem>>
    %dma_start3A_392 = tpu.memref_squeeze %dma_start3A_391 : memref<1x80xi32, #tpu.memory_space<vmem>> -> memref<80xi32, #tpu.memory_space<vmem>>
    %dma_start3A_393 = arith.constant 0 : i32
    %dma_start3A_394 = arith.constant 0 : i32
    %dma_start3A_395 = tpu.memref_slice %arg12[%dma_start3A_393, %dma_start3A_394] : memref<10000x128xf32, #tpu.memory_space<vmem_shared>> -> memref<10000x128xf32, #tpu.memory_space<vmem_shared>>
    tpu.enqueue_indirect_dma source(%arg10 : memref<80x128xf32, #tpu.memory_space<vmem>>) target(%dma_start3A_395 : memref<10000x128xf32, #tpu.memory_space<vmem_shared>>) offsets(%dma_start3A_392 : memref<80xi32, #tpu.memory_space<vmem>>) semaphore(%arg17 : memref<!tpu.dma_semaphore, #tpu.memory_space<semaphore_mem>>) {add = true}
    %dma_wait3A_396 = arith.constant 0 : i32
    %dma_wait3A_397 = arith.constant 0 : i32
    %dma_wait3A_398 = tpu.memref_slice %arg8[%dma_wait3A_396, %dma_wait3A_397] : memref<6x80xi32, #tpu.memory_space<vmem>> -> memref<1x80xi32, #tpu.memory_space<vmem>>
    %dma_wait3A_399 = tpu.memref_squeeze %dma_wait3A_398 : memref<1x80xi32, #tpu.memory_space<vmem>> -> memref<80xi32, #tpu.memory_space<vmem>>
    %dma_wait3A_400 = arith.constant 0 : i32
    %dma_wait3A_401 = arith.constant 0 : i32
    %dma_wait3A_402 = tpu.memref_slice %arg12[%dma_wait3A_400, %dma_wait3A_401] : memref<10000x128xf32, #tpu.memory_space<vmem_shared>> -> memref<10000x128xf32, #tpu.memory_space<vmem_shared>>
    tpu.wait_indirect_dma semaphore(%arg16 : memref<!tpu.dma_semaphore, #tpu.memory_space<semaphore_mem>>) src(%arg9 : memref<80x128xf32, #tpu.memory_space<vmem>>) dst(%dma_wait3A_402 : memref<10000x128xf32, #tpu.memory_space<vmem_shared>>)
    %dma_wait3A_403 = arith.constant 1 : i32
    %dma_wait3A_404 = arith.constant 0 : i32
    %dma_wait3A_405 = tpu.memref_slice %arg8[%dma_wait3A_403, %dma_wait3A_404] : memref<6x80xi32, #tpu.memory_space<vmem>> -> memref<1x80xi32, #tpu.memory_space<vmem>>
    %dma_wait3A_406 = tpu.memref_squeeze %dma_wait3A_405 : memref<1x80xi32, #tpu.memory_space<vmem>> -> memref<80xi32, #tpu.memory_space<vmem>>
    %dma_wait3A_407 = arith.constant 0 : i32
    %dma_wait3A_408 = arith.constant 0 : i32
    %dma_wait3A_409 = tpu.memref_slice %arg12[%dma_wait3A_407, %dma_wait3A_408] : memref<10000x128xf32, #tpu.memory_space<vmem_shared>> -> memref<10000x128xf32, #tpu.memory_space<vmem_shared>>
    tpu.wait_indirect_dma semaphore(%arg17 : memref<!tpu.dma_semaphore, #tpu.memory_space<semaphore_mem>>) src(%arg10 : memref<80x128xf32, #tpu.memory_space<vmem>>) dst(%dma_wait3A_409 : memref<10000x128xf32, #tpu.memory_space<vmem_shared>>)
    %dma_wait3A_410 = arith.constant 2 : i32
    %dma_wait3A_411 = arith.constant 0 : i32
    %dma_wait3A_412 = tpu.memref_slice %arg8[%dma_wait3A_410, %dma_wait3A_411] : memref<6x80xi32, #tpu.memory_space<vmem>> -> memref<1x80xi32, #tpu.memory_space<vmem>>
    %dma_wait3A_413 = tpu.memref_squeeze %dma_wait3A_412 : memref<1x80xi32, #tpu.memory_space<vmem>> -> memref<80xi32, #tpu.memory_space<vmem>>
    %dma_wait3A_414 = arith.constant 0 : i32
    %dma_wait3A_415 = arith.constant 0 : i32
    %dma_wait3A_416 = tpu.memref_slice %arg12[%dma_wait3A_414, %dma_wait3A_415] : memref<10000x128xf32, #tpu.memory_space<vmem_shared>> -> memref<10000x128xf32, #tpu.memory_space<vmem_shared>>
    tpu.wait_indirect_dma semaphore(%arg18 : memref<!tpu.dma_semaphore, #tpu.memory_space<semaphore_mem>>) src(%arg11 : memref<80x128xf32, #tpu.memory_space<vmem>>) dst(%dma_wait3A_416 : memref<10000x128xf32, #tpu.memory_space<vmem_shared>>)
    %barrier3A_417 = arith.constant 0 : index
    tpu.barrier barrier_id(%barrier3A_417)
    %mul3A_418 = arith.constant 624 : i32
    %mul3A_419 = arith.muli %arg1, %mul3A_418 : i32
    %mul3A_420 = arith.constant 624 : i32
    %mul3A_421 = arith.muli %arg1, %mul3A_420 : i32
    "tpu.region"() ({
      %run_scoped3A = tpu.sem_alloc : memref<!tpu.dma_semaphore, #tpu.memory_space<semaphore_mem>>
      %dma_start3A_422 = arith.constant 0 : i32
      %dma_start3A_423 = tpu.memref_slice %arg5[%arg0, %mul3A_421, %dma_start3A_422] : memref<2x10000x128xf32, #tpu.memory_space<hbm>> -> memref<1x640x128xf32, #tpu.memory_space<hbm>>
      %dma_start3A_424 = tpu.memref_squeeze %dma_start3A_423 : memref<1x640x128xf32, #tpu.memory_space<hbm>> -> memref<640x128xf32, #tpu.memory_space<hbm>>
      %dma_start3A_425 = arith.constant 0 : i32
      %dma_start3A_426 = tpu.memref_slice %arg12[%mul3A_419, %dma_start3A_425] : memref<10000x128xf32, #tpu.memory_space<vmem_shared>> -> memref<640x128xf32, #tpu.memory_space<vmem_shared>>
      tpu.enqueue_dma source(%dma_start3A_426 : memref<640x128xf32, #tpu.memory_space<vmem_shared>>) target(%dma_start3A_424 : memref<640x128xf32, #tpu.memory_space<hbm>>) target_semaphore(%run_scoped3A : memref<!tpu.dma_semaphore, #tpu.memory_space<semaphore_mem>>)
      %dma_wait3A_427 = arith.constant 0 : i32
      %dma_wait3A_428 = tpu.memref_slice %arg5[%arg0, %mul3A_421, %dma_wait3A_427] : memref<2x10000x128xf32, #tpu.memory_space<hbm>> -> memref<1x640x128xf32, #tpu.memory_space<hbm>>
      %dma_wait3A_429 = tpu.memref_squeeze %dma_wait3A_428 : memref<1x640x128xf32, #tpu.memory_space<hbm>> -> memref<640x128xf32, #tpu.memory_space<hbm>>
      %dma_wait3A_430 = arith.constant 0 : i32
      %dma_wait3A_431 = tpu.memref_slice %arg12[%mul3A_419, %dma_wait3A_430] : memref<10000x128xf32, #tpu.memory_space<vmem_shared>> -> memref<640x128xf32, #tpu.memory_space<vmem_shared>>
      tpu.wait_dma2 semaphore(%run_scoped3A : memref<!tpu.dma_semaphore, #tpu.memory_space<semaphore_mem>>) src(%dma_wait3A_431 : memref<640x128xf32, #tpu.memory_space<vmem_shared>>) dst(%dma_wait3A_429 : memref<640x128xf32, #tpu.memory_space<hbm>>)
      tpu.yield
    }) : () -> ()
    return
  }
}

module attributes {stable_mosaic.version = 14 : i64} {
  func.func @_transform_body(%arg0: i32, %arg1: i32, %arg2: memref<1000x128xf32, #tpu.memory_space<vmem>>, %arg3: memref<1x128x128xbf16, #tpu.memory_space<vmem>>, %arg4: memref<1x1000x128xf32, #tpu.memory_space<vmem>>) attributes {dimension_semantics = [#tpu.dimension_semantics<arbitrary>, #tpu.dimension_semantics<arbitrary>], iteration_bounds = array<i64: 10, 11>, scalar_prefetch = 0 : i64, scratch_operands = 0 : i64, tpu.core_type = #tpu.core_type<tc>, window_params = [{transform_indices = @transform_0, window_bounds = array<i64: 1000, 128>}, {transform_indices = @transform_1, window_bounds = array<i64: 1, 128, 128>}, {transform_indices = @transform_2, window_bounds = array<i64: 1, 1000, 128>}]} {
    %get3A = arith.constant 0 : index
    %get3A_0 = arith.constant 0 : index
    %get3A_1 = vector.load %arg2[%get3A, %get3A_0] : memref<1000x128xf32, #tpu.memory_space<vmem>>, vector<1000x128xf32>
    %convert_element_type3A = arith.truncf %get3A_1 : vector<1000x128xf32> to vector<1000x128xbf16>
    %get3A_2 = arith.constant 0 : index
    %get3A_3 = arith.constant 0 : index
    %get3A_4 = arith.constant 0 : index
    %get3A_5 = vector.load %arg3[%get3A_2, %get3A_3, %get3A_4] : memref<1x128x128xbf16, #tpu.memory_space<vmem>>, vector<1x128x128xbf16>
    %get3A_6 = vector.shape_cast %get3A_5 : vector<1x128x128xbf16> to vector<128x128xbf16>
    %dot_general3A = arith.constant dense<0.000000e+00> : vector<1000x128xf32>
    %dot_general3A_7 = tpu.matmul %convert_element_type3A, %get3A_6, %dot_general3A {dimension_numbers = #tpu.dot_dimension_numbers<[1], [0], [0], [1], [0, 0, 1, 1], [], []>, transpose_lhs_hint = false} : vector<1000x128xbf16>, vector<128x128xbf16>, vector<1000x128xf32> -> vector<1000x128xf32>
    %swap3A = arith.constant 0 : index
    %swap3A_8 = arith.constant 0 : index
    %swap3A_9 = arith.constant 0 : index
    %swap3A_10 = vector.load %arg4[%swap3A, %swap3A_8, %swap3A_9] : memref<1x1000x128xf32, #tpu.memory_space<vmem>>, vector<1x1000x128xf32>
    %swap3A_11 = vector.shape_cast %swap3A_10 : vector<1x1000x128xf32> to vector<1000x128xf32>
    %swap3A_12 = vector.shape_cast %dot_general3A_7 : vector<1000x128xf32> to vector<1x1000x128xf32>
    tpu.vector_store %arg4[%swap3A, %swap3A_8, %swap3A_9], %swap3A_12 {strides = array<i32>} : memref<1x1000x128xf32, #tpu.memory_space<vmem>>, vector<1x1000x128xf32>,
    return
  }
  func.func @transform_0(%arg0: i32, %arg1: i32) -> (i32, i32) {
    %c0_i32 = arith.constant 0 : i32
    %c0_i32_0 = arith.constant 0 : i32
    return %arg0, %c0_i32 : i32, i32
  }
  func.func @transform_1(%arg0: i32, %arg1: i32) -> (i32, i32, i32) {
    %c0_i32 = arith.constant 0 : i32
    %c0_i32_0 = arith.constant 0 : i32
    %c0_i32_1 = arith.constant 0 : i32
    return %arg1, %c0_i32, %c0_i32_0 : i32, i32, i32
  }
  func.func @transform_2(%arg0: i32, %arg1: i32) -> (i32, i32, i32) {
    %c0_i32 = arith.constant 0 : i32
    %c0_i32_0 = arith.constant 0 : i32
    return %arg1, %arg0, %c0_i32 : i32, i32, i32
  }
}

module attributes {stable_mosaic.version = 14 : i64} {
  func.func @_combine_transform_body(%arg0: i32, %arg1: i32, %arg2: memref<2x1000x128xf32, #tpu.memory_space<vmem>>, %arg3: memref<1x128xf32, #tpu.memory_space<vmem>>, %arg4: memref<1x128x128xbf16, #tpu.memory_space<vmem>>, %arg5: memref<1x1000x128xf32, #tpu.memory_space<vmem>>) attributes {dimension_semantics = [#tpu.dimension_semantics<arbitrary>, #tpu.dimension_semantics<arbitrary>], iteration_bounds = array<i64: 10, 11>, scalar_prefetch = 0 : i64, scratch_operands = 0 : i64, tpu.core_type = #tpu.core_type<tc>, window_params = [{transform_indices = @transform_0, window_bounds = array<i64: 2, 1000, 128>}, {pipeline_mode = #tpu.pipeline_mode<synchronous>, transform_indices = @transform_1, window_bounds = array<i64: 1, 128>}, {transform_indices = @transform_2, window_bounds = array<i64: 1, 128, 128>}, {transform_indices = @transform_3, window_bounds = array<i64: 1, 1000, 128>}]} {
    %get3A = arith.constant 0 : index
    %get3A_0 = arith.constant 0 : index
    %get3A_1 = arith.constant 0 : index
    %get3A_2 = vector.load %arg2[%get3A, %get3A_0, %get3A_1] : memref<2x1000x128xf32, #tpu.memory_space<vmem>>, vector<1x1000x128xf32>
    %get3A_3 = vector.shape_cast %get3A_2 : vector<1x1000x128xf32> to vector<1000x128xf32>
    %get3A_4 = arith.constant 1 : index
    %get3A_5 = arith.constant 0 : index
    %get3A_6 = arith.constant 0 : index
    %get3A_7 = vector.load %arg2[%get3A_4, %get3A_5, %get3A_6] : memref<2x1000x128xf32, #tpu.memory_space<vmem>>, vector<1x1000x128xf32>
    %get3A_8 = vector.shape_cast %get3A_7 : vector<1x1000x128xf32> to vector<1000x128xf32>
    %add3A = arith.addf %get3A_3, %get3A_8 : vector<1000x128xf32>
    %get3A_9 = arith.constant 0 : index
    %get3A_10 = arith.constant 0 : index
    %get3A_11 = vector.load %arg3[%get3A_9, %get3A_10] : memref<1x128xf32, #tpu.memory_space<vmem>>, vector<1x128xf32>
    %get3A_12 = vector.shape_cast %get3A_11 : vector<1x128xf32> to vector<128xf32>
    %broadcast_in_dim3A = vector.shape_cast %get3A_12 : vector<128xf32> to vector<1x128xf32>
    %add3A_13 = vector.broadcast %broadcast_in_dim3A : vector<1x128xf32> to vector<1000x128xf32>
    %add3A_14 = arith.addf %add3A, %add3A_13 : vector<1000x128xf32>
    %max3A = arith.constant 0.000000e+00 : f32
    %max3A_15 = vector.broadcast %max3A : f32 to vector<1000x128xf32>
    %max3A_16 = arith.maximumf %add3A_14, %max3A_15 : vector<1000x128xf32>
    %convert_element_type3A = arith.truncf %max3A_16 : vector<1000x128xf32> to vector<1000x128xbf16>
    %get3A_17 = arith.constant 0 : index
    %get3A_18 = arith.constant 0 : index
    %get3A_19 = arith.constant 0 : index
    %get3A_20 = vector.load %arg4[%get3A_17, %get3A_18, %get3A_19] : memref<1x128x128xbf16, #tpu.memory_space<vmem>>, vector<1x128x128xbf16>
    %get3A_21 = vector.shape_cast %get3A_20 : vector<1x128x128xbf16> to vector<128x128xbf16>
    %dot_general3A = arith.constant dense<0.000000e+00> : vector<1000x128xf32>
    %dot_general3A_22 = tpu.matmul %convert_element_type3A, %get3A_21, %dot_general3A {dimension_numbers = #tpu.dot_dimension_numbers<[1], [0], [0], [1], [0, 0, 1, 1], [], []>, transpose_lhs_hint = false} : vector<1000x128xbf16>, vector<128x128xbf16>, vector<1000x128xf32> -> vector<1000x128xf32>
    %swap3A = arith.constant 0 : index
    %swap3A_23 = arith.constant 0 : index
    %swap3A_24 = arith.constant 0 : index
    %swap3A_25 = vector.load %arg5[%swap3A, %swap3A_23, %swap3A_24] : memref<1x1000x128xf32, #tpu.memory_space<vmem>>, vector<1x1000x128xf32>
    %swap3A_26 = vector.shape_cast %swap3A_25 : vector<1x1000x128xf32> to vector<1000x128xf32>
    %swap3A_27 = vector.shape_cast %dot_general3A_22 : vector<1000x128xf32> to vector<1x1000x128xf32>
    tpu.vector_store %arg5[%swap3A, %swap3A_23, %swap3A_24], %swap3A_27 {strides = array<i32>} : memref<1x1000x128xf32, #tpu.memory_space<vmem>>, vector<1x1000x128xf32>,
    return
  }
  func.func @transform_0(%arg0: i32, %arg1: i32) -> (i32, i32, i32) {
    %c0_i32 = arith.constant 0 : i32
    %c0_i32_0 = arith.constant 0 : i32
    %c0_i32_1 = arith.constant 0 : i32
    return %c0_i32, %arg0, %c0_i32_0 : i32, i32, i32
  }
  func.func @transform_1(%arg0: i32, %arg1: i32) -> (i32, i32) {
    %c0_i32 = arith.constant 0 : i32
    %c0_i32_0 = arith.constant 0 : i32
    %c0_i32_1 = arith.constant 0 : i32
    return %c0_i32, %c0_i32_0 : i32, i32
  }
  func.func @transform_2(%arg0: i32, %arg1: i32) -> (i32, i32, i32) {
    %c0_i32 = arith.constant 0 : i32
    %c0_i32_0 = arith.constant 0 : i32
    %c0_i32_1 = arith.constant 0 : i32
    return %arg1, %c0_i32, %c0_i32_0 : i32, i32, i32
  }
  func.func @transform_3(%arg0: i32, %arg1: i32) -> (i32, i32, i32) {
    %c0_i32 = arith.constant 0 : i32
    %c0_i32_0 = arith.constant 0 : i32
    return %arg1, %arg0, %c0_i32 : i32, i32, i32
  }
}

module attributes {stable_mosaic.version = 14 : i64} {
  func.func @_final_body(%arg0: i32, %arg1: memref<2x1000x128xf32, #tpu.memory_space<vmem>>, %arg2: memref<1x128xf32, #tpu.memory_space<vmem>>, %arg3: memref<128x128xbf16, #tpu.memory_space<vmem>>, %arg4: memref<1x128xf32, #tpu.memory_space<vmem>>, %arg5: memref<1000x128xf32, #tpu.memory_space<vmem>>) attributes {dimension_semantics = [#tpu.dimension_semantics<arbitrary>], iteration_bounds = array<i64: 10>, scalar_prefetch = 0 : i64, scratch_operands = 0 : i64, tpu.core_type = #tpu.core_type<tc>, window_params = [{transform_indices = @transform_0, window_bounds = array<i64: 2, 1000, 128>}, {pipeline_mode = #tpu.pipeline_mode<synchronous>, transform_indices = @transform_1, window_bounds = array<i64: 1, 128>}, {pipeline_mode = #tpu.pipeline_mode<synchronous>, transform_indices = @transform_2, window_bounds = array<i64: 128, 128>}, {pipeline_mode = #tpu.pipeline_mode<synchronous>, transform_indices = @transform_3, window_bounds = array<i64: 1, 128>}, {transform_indices = @transform_4, window_bounds = array<i64: 1000, 128>}]} {
    %get3A = arith.constant 0 : index
    %get3A_0 = arith.constant 0 : index
    %get3A_1 = arith.constant 0 : index
    %get3A_2 = vector.load %arg1[%get3A, %get3A_0, %get3A_1] : memref<2x1000x128xf32, #tpu.memory_space<vmem>>, vector<1x1000x128xf32>
    %get3A_3 = vector.shape_cast %get3A_2 : vector<1x1000x128xf32> to vector<1000x128xf32>
    %get3A_4 = arith.constant 1 : index
    %get3A_5 = arith.constant 0 : index
    %get3A_6 = arith.constant 0 : index
    %get3A_7 = vector.load %arg1[%get3A_4, %get3A_5, %get3A_6] : memref<2x1000x128xf32, #tpu.memory_space<vmem>>, vector<1x1000x128xf32>
    %get3A_8 = vector.shape_cast %get3A_7 : vector<1x1000x128xf32> to vector<1000x128xf32>
    %add3A = arith.addf %get3A_3, %get3A_8 : vector<1000x128xf32>
    %get3A_9 = arith.constant 0 : index
    %get3A_10 = arith.constant 0 : index
    %get3A_11 = vector.load %arg2[%get3A_9, %get3A_10] : memref<1x128xf32, #tpu.memory_space<vmem>>, vector<1x128xf32>
    %get3A_12 = vector.shape_cast %get3A_11 : vector<1x128xf32> to vector<128xf32>
    %broadcast_in_dim3A = vector.shape_cast %get3A_12 : vector<128xf32> to vector<1x128xf32>
    %add3A_13 = vector.broadcast %broadcast_in_dim3A : vector<1x128xf32> to vector<1000x128xf32>
    %add3A_14 = arith.addf %add3A, %add3A_13 : vector<1000x128xf32>
    %max3A = arith.constant 0.000000e+00 : f32
    %max3A_15 = vector.broadcast %max3A : f32 to vector<1000x128xf32>
    %max3A_16 = arith.maximumf %add3A_14, %max3A_15 : vector<1000x128xf32>
    %convert_element_type3A = arith.truncf %max3A_16 : vector<1000x128xf32> to vector<1000x128xbf16>
    %get3A_17 = arith.constant 0 : index
    %get3A_18 = arith.constant 0 : index
    %get3A_19 = vector.load %arg3[%get3A_17, %get3A_18] : memref<128x128xbf16, #tpu.memory_space<vmem>>, vector<128x128xbf16>
    %dot_general3A = arith.constant dense<0.000000e+00> : vector<1000x128xf32>
    %dot_general3A_20 = tpu.matmul %convert_element_type3A, %get3A_19, %dot_general3A {dimension_numbers = #tpu.dot_dimension_numbers<[1], [0], [0], [1], [0, 0, 1, 1], [], []>, transpose_lhs_hint = false} : vector<1000x128xbf16>, vector<128x128xbf16>, vector<1000x128xf32> -> vector<1000x128xf32>
    %get3A_21 = arith.constant 0 : index
    %get3A_22 = arith.constant 0 : index
    %get3A_23 = vector.load %arg4[%get3A_21, %get3A_22] : memref<1x128xf32, #tpu.memory_space<vmem>>, vector<1x128xf32>
    %get3A_24 = vector.shape_cast %get3A_23 : vector<1x128xf32> to vector<128xf32>
    %broadcast_in_dim3A_25 = vector.shape_cast %get3A_24 : vector<128xf32> to vector<1x128xf32>
    %add3A_26 = vector.broadcast %broadcast_in_dim3A_25 : vector<1x128xf32> to vector<1000x128xf32>
    %add3A_27 = arith.addf %dot_general3A_20, %add3A_26 : vector<1000x128xf32>
    %swap3A = arith.constant 0 : index
    %swap3A_28 = arith.constant 0 : index
    %swap3A_29 = vector.load %arg5[%swap3A, %swap3A_28] : memref<1000x128xf32, #tpu.memory_space<vmem>>, vector<1000x128xf32>
    tpu.vector_store %arg5[%swap3A, %swap3A_28], %add3A_27 {strides = array<i32>} : memref<1000x128xf32, #tpu.memory_space<vmem>>, vector<1000x128xf32>,
    return
  }
  func.func @transform_0(%arg0: i32) -> (i32, i32, i32) {
    %c0_i32 = arith.constant 0 : i32
    %c0_i32_0 = arith.constant 0 : i32
    %c0_i32_1 = arith.constant 0 : i32
    return %c0_i32, %arg0, %c0_i32_0 : i32, i32, i32
  }
  func.func @transform_1(%arg0: i32) -> (i32, i32) {
    %c0_i32 = arith.constant 0 : i32
    %c0_i32_0 = arith.constant 0 : i32
    %c0_i32_1 = arith.constant 0 : i32
    return %c0_i32, %c0_i32_0 : i32, i32
  }
  func.func @transform_2(%arg0: i32) -> (i32, i32) {
    %c0_i32 = arith.constant 0 : i32
    %c0_i32_0 = arith.constant 0 : i32
    %c0_i32_1 = arith.constant 0 : i32
    return %c0_i32, %c0_i32_0 : i32, i32
  }
  func.func @transform_3(%arg0: i32) -> (i32, i32) {
    %c0_i32 = arith.constant 0 : i32
    %c0_i32_0 = arith.constant 0 : i32
    %c0_i32_1 = arith.constant 0 : i32
    return %c0_i32, %c0_i32_0 : i32, i32
  }
  func.func @transform_4(%arg0: i32) -> (i32, i32) {
    %c0_i32 = arith.constant 0 : i32
    %c0_i32_0 = arith.constant 0 : i32
    return %arg0, %c0_i32 : i32, i32
  }
}

</mosaic_0001>

<sc_bundles>
// kernel: kernel.10.cloned.1.call-start
scs
__scs_entry_jumppad:
0x0: {  	(pc) =	sbr.rel $0x88, $3  }
0x1: {  	(tag) =	ssettag $0x0;
	lr =	simm.s32 $0x1  }
0x2: {  	[smem:$0x3F98] =	sst lr;
	_ =	strace $0xD0000000  }
0x3: {  	_ = 	snop  }
0x4: {  	_ = 	snop  }
0x5: {  	_ = 	snop  }
0x6: {  	_ = 	snop  }
0x7: {  	_ = 	snop  }
__scs_overlays_trampoline_lowered:
0x8: {  	[smem:$0x3FA7] =	sst s0  }
0x9: {  	[smem:$0x3FA8] =	sst s1  }
0xa: {  	[smem:$0x3FA9] =	sst s2  }
0xb: {  	[smem:$0x3FAA] =	sst s3  }
0xc: {  	[smem:$0x3FAB] =	sst s4  }
0xd: {  	[smem:$0x3FAC] =	sst s5  }
0xe: {  	[smem:$0x3FAD] =	sst s6  }
0xf: {  	[smem:$0x3FAE] =	sst s7  }
0x10: {  	[smem:$0x3FAF] =	sst s8  }
0x11: {  	[smem:$0x3FB0] =	sst s9;
	s0 =	simm.s32 @!p0 $0x0  }
0x12: {  	s1 =	sld [smem:$0x3F96];
	s0 =	simm.s32 @p0 $0x1  }
0x13: {  	[smem:$0x3FB1] =	sst s0;
	s0 =	simm.s32 @!p1 $0x0  }
0x14: {  	s2 =	sld [smem:$0x3F95];
	s0 =	simm.s32 @p1 $0x1  }
0x15: {  	[smem:$0x3FB2] =	sst s0;
	s0 =	simm.s32 @!p2 $0x0  }
0x16: {  	s3 =	sld [smem:$0x3FDB];
	s0 =	simm.s32 @p2 $0x1  }
0x17: {  	s4 =	simm.s32 $0x1BF5;
	[smem:$0x3FB4] =	sst s0  }
0x18: {  	s0 =	sld [smem:$0x3F97];
	_ =	swait.ge [sflag:s4], $0x0  }
0x19: {  	s7 =	sld [smem:$0x3F98]  }
0x1a: {  	s8 =	sadd.s32 $0xFFFFE003, lr  }
0x1b: {  	s9 =	sadd.s32 $0xFFFFFEF7, lr;
	s5 =	simm.s32 $0xFFFFFFFF;
	p2 =	slt.u32 s8, $0xFFFFF086  }
0x1c: {  	p1 =	slt.u32 s9, $0xF7A;
	s5 =	simm.s32 @!p2 $0x0  }
0x1d: {  	s5 =	simm.s32 @p1 $0x1;
	p0 =	seq.s32 s7, s2  }
0x1e: {  	s7 =	smul.u32 @!p0 $0xF7A, s2;
	p2 =	seq.s32 @!p0 s5, $0x0  }
0x1f: {  	s9 =	smul.u32 $0xF7A, s1;
	s8 =	simm.s32 @!p0 $0x1BF5;
	p2 =	por !p2, p0  }
0x20: {  	[sflag:s8] =	ssyncset.s32 @!p0 $0xFFFFF086;
	s6 =	sadd.s32 @!p0 s3, s7;
	s7 =	simm.s32 @!p0 $0x108  }
0x21: {  	s3 =	sadd.s32 s3, s9;
	s6 =	sadd.s32 @!p0 $0x88, s6;
	s7 =	simm.s32 @p2 $0x1082  }
0x22: {  	[simem:s7], [sflag:s8] =	dma.local @!p0 [hbm:s6], $0xF7A  }
0x23: {  	s9 =	sor.u32 $0xD0000000, s2;
	s6 =	simm.s32 $0x108;
	_ =	swait.ge @!p0 [sflag:s8], $0x0  }
0x24: {  	s3 =	sadd.s32 $0x88, s3;
	s6 =	simm.s32 @!p1 $0x1082;
	[sflag:s4] =	ssyncset.s32 $0xFFFFF086  }
0x25: {  	[simem:s6], [sflag:s4] =	dma.local [hbm:s3], $0xF7A  }
0x26: {  	[smem:$0x3F98] =	sst s1;
	(tag) =	ssettag s2;
	_ =	strace s9  }
0x27: {  	s1 =	sld [smem:$0x3FA8]  }
0x28: {  	s2 =	sld [smem:$0x3FA9]  }
0x29: {  	s4 =	sld [smem:$0x3FAB]  }
0x2a: {  	p0 =	seq.s32 s5, $0x0;
	s5 =	sld [smem:$0x3FAC]  }
0x2b: {  	s6 =	sld [smem:$0x3FAD]  }
0x2c: {  	s7 =	sld [smem:$0x3FAE]  }
0x2d: {  	s3 =	simm.s32 $0x108;
	s8 =	sld [smem:$0x3FAF]  }
0x2e: {  	s3 =	simm.s32 @!p0 $0x1082;
	s9 =	sld [smem:$0x3FB0]  }
0x2f: {  	lr =	sadd.s32 s0, s3;
	s0 =	sld [smem:$0x3FA7]  }
0x30: {  	s3 =	sld [smem:$0x3FAA]  }
0x31: {  	[smem:$0x3FB3] =	sst s10  }
0x32: {  	s10 =	sld [smem:$0x3FB1];
	_ =	sdelay $0x3  }
0x33: {  	p0 =	seq.s32 s10, $0x1;
	s10 =	sld [smem:$0x3FB3];
	_ =	sdelay $0x3  }
0x34: {  	[smem:$0x3FB3] =	sst s10  }
0x35: {  	s10 =	sld [smem:$0x3FB2];
	_ =	sdelay $0x3  }
0x36: {  	p1 =	seq.s32 s10, $0x1;
	s10 =	sld [smem:$0x3FB3];
	_ =	sdelay $0x3  }
0x37: {  	[smem:$0x3FB3] =	sst s10  }
0x38: {  	s10 =	sld [smem:$0x3FB4]  }
0x39: {  	_ = 	snop;
	(pc) =	sbr.ind lr, $3  }
0x3a: {  	_ = 	snop  }
0x3b: {  	_ = 	snop  }
0x3c: {  	p2 =	seq.s32 s10, $0x1;
	s10 =	sld [smem:$0x3FB3]  }
0x3d: {  	_ =	shalt  }
0x3e: {  	_ =	shalt  }
0x3f: {  	_ =	shalt  }
0x40: {  	_ =	shalt  }
0x41: {  	_ =	shalt  }
0x42: {  	_ =	shalt  }
0x43: {  	_ =	shalt  }
0x44: {  	_ =	shalt  }
0x45: {  	_ =	shalt  }
0x46: {  	_ =	shalt  }
0x47: {  	_ =	shalt  }
0x48: {  	_ =	shalt  }
0x49: {  	_ =	shalt  }
0x4a: {  	_ =	shalt  }
0x4b: {  	_ =	shalt  }
0x4c: {  	_ =	shalt  }
0x4d: {  	_ =	shalt  }
0x4e: {  	_ =	shalt  }
0x4f: {  	_ =	shalt  }
0x50: {  	_ =	shalt  }
0x51: {  	_ =	shalt  }
0x52: {  	_ =	shalt  }
0x53: {  	_ =	shalt  }
0x54: {  	_ =	shalt  }
0x55: {  	_ =	shalt  }
0x56: {  	_ =	shalt  }
0x57: {  	_ =	shalt  }
0x58: {  	_ =	shalt  }
0x59: {  	_ =	shalt  }
0x5a: {  	_ =	shalt  }
0x5b: {  	_ =	shalt  }
0x5c: {  	_ =	shalt  }
0x5d: {  	_ =	shalt  }
0x5e: {  	_ =	shalt  }
0x5f: {  	_ =	shalt  }
0x60: {  	_ =	shalt  }
0x61: {  	_ =	shalt  }
0x62: {  	_ =	shalt  }
0x63: {  	_ =	shalt  }
0x64: {  	_ =	shalt  }
0x65: {  	_ =	shalt  }
0x66: {  	_ =	shalt  }
0x67: {  	_ =	shalt  }
0x68: {  	_ =	shalt  }
0x69: {  	_ =	shalt  }
0x6a: {  	_ =	shalt  }
0x6b: {  	_ =	shalt  }
0x6c: {  	_ =	shalt  }
0x6d: {  	_ =	shalt  }
0x6e: {  	_ =	shalt  }
0x6f: {  	_ =	shalt  }
0x70: {  	_ =	shalt  }
0x71: {  	_ =	shalt  }
0x72: {  	_ =	shalt  }
0x73: {  	_ =	shalt  }
0x74: {  	_ =	shalt  }
0x75: {  	_ =	shalt  }
0x76: {  	_ =	shalt  }
0x77: {  	_ =	shalt  }
0x78: {  	_ =	shalt  }
0x79: {  	_ =	shalt  }
0x7a: {  	_ =	shalt  }
0x7b: {  	_ =	shalt  }
0x7c: {  	_ =	shalt  }
0x7d: {  	_ =	shalt  }
0x7e: {  	_ =	shalt  }
0x7f: {  	_ =	shalt  }
0x80: {  	_ =	shalt  }
0x81: {  	_ =	shalt  }
0x82: {  	_ =	shalt  }
0x83: {  	_ =	shalt  }
0x84: {  	_ =	shalt  }
0x85: {  	_ =	shalt  }
0x86: {  	_ =	shalt  }
0x87: {  	_ =	shalt  }
.Lfunc_end0:
.L_simem_size_0:
called_computation.1_lowered:
.L_overlay_start_0:
0x88: {  	s2 =	sld [smem:$0x3FD9]  }
0x89: {  	s3 =	sld [smem:$0x3FFE];
	_ =	sdelay $0x1  }
0x8a: {  	s1 =	srdreg.scid  }
0x8b: {  	s0 =	sand.u32 $0x1, s1  }
0x8c: {  	s17 =	sshll.u32 s0, $0xA;
	s2 =	sadd.s32 s3, s2  }
0x8d: {  	s2 =	sadd.s32 s2, s17  }
0x8e: {  	[smem:$0x3FBF] =	sst s2  }
0x8f: {  	_ = 	snop  }
0x90: {  	s2 =	sld [smem:$0x3FD0];
	(tm) =	ssettm $0x1  }
0x91: {  	s18 =	sld [smem:$0x3FFB];
	_ =	sdelay $0x3  }
0x92: {  	_ =	strace s18  }
0x93: {  	s3 =	sld [smem:$0x3FFC];
	_ =	sdelay $0x3  }
0x94: {  	_ =	strace s3  }
0x95: {  	s3 =	sld [smem:$0x3FFD];
	_ =	sdelay $0x3  }
0x96: {  	_ =	strace s3  }
0x97: {  	_ =	strace $0x8FFFFFFF  }
0x98: {  	s19 =	sld [smem:$0x3FDB];
	_ =	sdelay $0x1  }
0x99: {  	s4 =	simm.s32 $_scs_section_size  }
0x9a: {  	s5 =	simm.s32 $_size__tile_overlayer_lowered;
	s6 =	simm.s32 $_tile_overlayer_lowered  }
0x9b: {  	s22 =	simm.s32 $0x1BFF;
	s21 =	sshll.u32 s6, $0x1;
	s3 =	sadd.s32 s4, s19  }
0x9c: {  	s7 =	simm.s32 $0x0;
	s20 =	sshll.u32 s5, $0x1;
	s5 =	sadd.s32 s21, s3  }
0x9d: {  	[timem:s7], [sflag:s22] =	dma.local [hbm:s5], s20  }
0x9e: {  	_ =	swait.ge [sflag:s22], s20  }
0x9f: {  	s4 =	ssub.s32 $0x0, s20;
	[sflag:s22] =	ssyncset.done $0x0  }
0xa0: {  	[sflag:s22] =	ssyncadd.s32 s4;
	_ =	sdelay $0x1  }
0xa1: {  	s23 =	simm.s32 $0x1B8B  }
0xa2: {  	_ =	swait.ge [sflag:s23], $0x1  }
0xa3: {  	[sflag:s23] =	ssyncset.done $0x0  }
0xa4: {  	s25 =	simm.s32 $0x1B8E;
	s24 =	sld [smem:$0x3FFE];
	[sflag:s23] =	ssyncadd.s32 $0xFFFFFFFF  }
0xa5: {  	s26 =	simm.s32 $execute0_lowered;
	[smem:$0x3FD2] =	sst s25  }
0xa6: {  	s5 =	sshll.u32 s26, $0x1;
	_ =	strace $0x80000049;
	[dreg:$0x1] =	wrdreg $0xFFFFFFFF  }
0xa7: {  	s28 =	simm.s32 $_size_execute0_lowered;
	s3 =	sadd.s32 s3, s5;
	[dreg:$0x0] =	wrdreg $0x0  }
0xa8: {  	s5 =	sshll.u32 s28, $0x1;
	[dreg:$0x2] =	wrdreg s3  }
0xa9: {  	[dreg:$0x3] =	wrdreg s5  }
0xaa: {  	[dreg:$0x4] =	wrdreg $0xC0  }
0xab: {  	_ =	task [dreg:s7], $0x5FFFF  }
0xac: {  	[dreg:$0x1] =	wrdreg $0xFFFFFFFF  }
0xad: {  	[dreg:$0x0] =	wrdreg $0x60  }
0xae: {  	[dreg:$0x2] =	wrdreg s24  }
0xaf: {  	[dreg:$0x3] =	wrdreg s2  }
0xb0: {  	[dreg:$0x4] =	wrdreg $0xC0000  }
0xb1: {  	[dreg:$0x5] =	wrdreg $0x9  }
0xb2: {  	_ =	task.clear_ibuf [dreg:s7], $0x6FFFF;
	_ =	strace $0x90000049  }
0xb3: {  	s29 =	simm.s32 $0x9;
	_ =	strace $0x8000004B  }
0xb4: {  	_ =	swait.ge [sflag:s29], $0x1  }
0xb5: {  	[sflag:s29] =	ssyncadd.s32 $0xFFFFFFFF  }
0xb6: {  	_ =	strace $0x9000004B  }
0xb7: {  	_ =	sfence  }
0xb8: {  	s30 =	sld [smem:$0x0];
	_ =	sdelay $0x2  }
0xb9: {  	s31 =	sshll.u32 s1, $0xD;
	s1 =	sshrl.u32 s1, $0x2  }
0xba: {  	s3 =	sand.u32 $0x4000, s31;
	s1 =	sadd.s32 s1, s30  }
0xbb: {  	s0 =	sor.u32 s3, s0;
	s1 =	sshll.u32 s1, $0x11  }
0xbc: {  	s0 =	sor.u32 s1, s0  }
0xbd: {  	s0 =	sadd.s32 $0x8F2B, s0  }
0xbe: {  	[sflag:s0] =	ssyncadd.remote.s32 $0x1  }
0xbf: {  	_ =	sfence.sel $0xFFFF  }
0xc0: {  	[dreg:$0x0] =	wrdreg $0xFFFFFFFF;
	(pc) =	sbr.abs _section_cstart, $3  }
0xc1: {  	[dreg:$0x1] =	wrdreg $0xFFFFFFFF  }
0xc2: {  	_ =	task.clear_ibuf [dreg:s7], $0x2FFFF;
	_ =	strace $0x9FFFFFFF  }
0xc3: {  	(tm) =	ssettm $0x7FFFFFFF  }
tec
execute0_lowered:
.L_overlay_start_1:
0x0: {  	(tag) =	ssettag $0x1  }
0x1: {  	s0 =	rddreg [dreg:$0x0]  }
0x2: {  	s7 =	rddreg [dreg:$0x1]  }
0x3: {  	s1 =	rddreg [dreg:$0x2]  }
0x4: {  	s2 =	srdreg.scid;
	s3 =	simm.s32 $0x0;
	s25 =	stileid.u32  }
0x5: {  	s12 =	simm.s32 $0x50;
	s13 =	simm.s32 $0x4000;
	s14 =	simm.s32 $0x4800  }
0x6: {  	s15 =	simm.s32 $0x4080;
	s16 =	simm.s32 $0x7000;
	s17 =	simm.s32 $0x4100  }
0x7: {  	s18 =	simm.s32 $0x9800;
	s19 =	simm.s32 $0x1;
	s20 =	simm.s32 $0x2  }
0x8: {  	s21 =	simm.s32 $0x3;
	s22 =	simm.s32 $0x4;
	s23 =	simm.s32 $0x5  }
0x9: {  	s24 =	simm.s32 $0x4580;
	s6 =	sand.u32 $0x1, s2;
	s8 =	smul.u32 $0x13800, s25  }
0xa: {  	[smem:$0x7FF] =	sst s3;
	s4 =	sadd.s32 $0x1800, s0;
	s10 =	smul.u32 $0x4E000, s25  }
0xb: {  	s29 =	sshll.u32 s25, $0x6;
	s31 =	sshll.u32 s25, $0xC;
	s25 =	simm.s32 $0x4600  }
0xc: {  	s28 =	simm.s32 $0x0;
	s5 =	smul.u32 $0x138800, s6;
	_ =	strace $0x8000004A  }
0xd: {  	s9 =	ssub.s32 $0x2, s6;
	s30 =	sshll.u32 s6, $0xB;
	s6 =	sor.u32 $0x1C07, s29  }
0xe: {  	s11 =	sshrl.u32 s9, $0x1;
	s26 =	sshrl.u32 s10, $0x2;
	s7 =	sadd.s32 s7, s30  }
0xf: {  	s8 =	sadd.s32 s8, s5;
	s5 =	sadd.s32 $0x1AF400, s0;
	s9 =	ssub.s32 s9, s11  }
0x10: {  	s10 =	sadd.s32 s26, s1;
	s7 =	sadd.s32 s31, s7;
	s8 =	sshrl.u32 s8, $0x3  }
0x11: {  	s11 =	simm.s32 $0x7;
	s26 =	simm.s32 $0x6;
	s0 =	sadd.s32 s8, s0  }
0x12: {  	s9 =	smax.u32 s9, $0x1;
	s10 =	sshrl.u32 s10, $0x3;
	s8 =	sadd.s32 $0x1B1C00, s0  }
.LBB2_1:
0x13: {  	[spmem:s10], [sflag:s6] =	dma.local [hbm:s5], $0x2800  }
0x14: {  	_ =	swait.ge [sflag:s11], $0x2800  }
0x15: {  	[sflag:s11] =	ssyncset.done $0x0  }
0x16: {  	[sflag:s11] =	ssyncadd.s32 $0xFFFFD800  }
0x17: {  	[tilespmem:s3], [sflag:$0x7] =	stream.linear.gather [hbm4b:s7+s3], $0x3E80, $0x38;
	[tilespmem:$0x1F880] =	vst v63  }
0x18: {  	_ =	swait.ge [sflag:s11], $0x3E80  }
0x19: {  	[sflag:s11] =	ssyncset.done $0x0  }
0x1a: {  	[sflag:s11] =	ssyncadd.s32 $0xFFFFC180  }
0x1b: {  	[bflag:$0x0] =	sbarrier.arrive $0xFFFF  }
0x1c: {  	v0 =	vld [tilespmem:$0x0];
	_ =	sdelay $0x1  }
0x1d: {  	v1 =	vld [tilespmem:$0x10];
	_ =	sdelay $0x1  }
0x1e: {  	v2 =	vld [tilespmem:$0x20]  }
0x1f: {  	v3 =	vshrl.u32 v0, $0xE  }
0x20: {  	v26 =	vld [tilespmem:$0x30];
	v0 =	vand.u32 $0x3FFF, v0;
	[tilespmem:$0x4000] =	vst v3  }
0x21: {  	v27 =	vshrl.u32 v1, $0xE;
	[tilespmem:$0x4400] =	vst v0  }
0x22: {  	v29 =	vld [tilespmem:$0x40];
	v28 =	vand.u32 $0x3FFF, v1;
	[tilespmem:$0x4010] =	vst v27  }
0x23: {  	v30 =	vshrl.u32 v2, $0xE;
	[tilespmem:$0x4410] =	vst v28  }
0x24: {  	v31 =	vand.u32 $0x3FFF, v2;
	[tilespmem:$0x4020] =	vst v30  }
0x25: {  	v32 =	vshrl.u32 v26, $0xE;
	[tilespmem:$0x4420] =	vst v31  }
0x26: {  	v33 =	vand.u32 $0x3FFF, v26;
	[tilespmem:$0x4030] =	vst v32  }
0x27: {  	v34 =	vshrl.u32 v29, $0xE;
	[tilespmem:$0x4430] =	vst v33  }
0x28: {  	v35 =	vand.u32 $0x3FFF, v29;
	[tilespmem:$0x4040] =	vst v34  }
0x29: {  	[tilespmem:$0x4440] =	vst v35  }
0x2a: {  	[tilespmem:s14], [sflag:$0x1] =	stream.indirect.gather [hbm4b:s4+s12], $0x80, s13, s12, $0xb8;
	[tilespmem:$0x1F880] =	vst v63  }
0x2b: {  	v36 =	vld [tilespmem:$0x80];
	_ =	sdelay $0x1  }
0x2c: {  	v37 =	vld [tilespmem:$0x90];
	_ =	sdelay $0x1  }
0x2d: {  	v38 =	vld [tilespmem:$0xA0]  }
0x2e: {  	v39 =	vshrl.u32 v36, $0xE  }
0x2f: {  	v40 =	vld [tilespmem:$0xB0];
	v0 =	vand.u32 $0x3FFF, v36;
	[tilespmem:$0x4080] =	vst v39  }
0x30: {  	v41 =	vshrl.u32 v37, $0xE;
	[tilespmem:$0x4480] =	vst v0  }
0x31: {  	v43 =	vld [tilespmem:$0xC0];
	v42 =	vand.u32 $0x3FFF, v37;
	[tilespmem:$0x4090] =	vst v41  }
0x32: {  	v44 =	vshrl.u32 v38, $0xE;
	[tilespmem:$0x4490] =	vst v42  }
0x33: {  	v45 =	vand.u32 $0x3FFF, v38;
	[tilespmem:$0x40A0] =	vst v44  }
0x34: {  	v46 =	vshrl.u32 v40, $0xE;
	[tilespmem:$0x44A0] =	vst v45  }
0x35: {  	v47 =	vand.u32 $0x3FFF, v40;
	[tilespmem:$0x40B0] =	vst v46  }
0x36: {  	v48 =	vshrl.u32 v43, $0xE;
	[tilespmem:$0x44B0] =	vst v47  }
0x37: {  	v49 =	vand.u32 $0x3FFF, v43;
	[tilespmem:$0x40C0] =	vst v48  }
0x38: {  	[tilespmem:$0x44C0] =	vst v49  }
0x39: {  	[tilespmem:s16], [sflag:$0x2] =	stream.indirect.gather [hbm4b:s4+s12], $0x80, s15, s12, $0xb8;
	[tilespmem:$0x1F880] =	vst v63  }
0x3a: {  	v50 =	vld [tilespmem:$0x100];
	_ =	sdelay $0x1  }
0x3b: {  	v51 =	vld [tilespmem:$0x110];
	_ =	sdelay $0x1  }
0x3c: {  	v52 =	vld [tilespmem:$0x120]  }
0x3d: {  	v53 =	vshrl.u32 v50, $0xE  }
0x3e: {  	v54 =	vld [tilespmem:$0x130];
	v0 =	vand.u32 $0x3FFF, v50;
	[tilespmem:$0x4100] =	vst v53  }
0x3f: {  	v55 =	vshrl.u32 v51, $0xE;
	[tilespmem:$0x4500] =	vst v0  }
0x40: {  	v57 =	vld [tilespmem:$0x140];
	v56 =	vand.u32 $0x3FFF, v51;
	[tilespmem:$0x4110] =	vst v55  }
0x41: {  	v58 =	vshrl.u32 v52, $0xE;
	[tilespmem:$0x4510] =	vst v56  }
0x42: {  	v59 =	vand.u32 $0x3FFF, v52;
	[tilespmem:$0x4120] =	vst v58  }
0x43: {  	v60 =	vshrl.u32 v54, $0xE;
	[tilespmem:$0x4520] =	vst v59  }
0x44: {  	v61 =	vand.u32 $0x3FFF, v54;
	[tilespmem:$0x4130] =	vst v60  }
0x45: {  	v62 =	vshrl.u32 v57, $0xE;
	[tilespmem:$0x4530] =	vst v61  }
0x46: {  	v63 =	vand.u32 $0x3FFF, v57;
	[tilespmem:$0x4140] =	vst v62  }
0x47: {  	s29 =	simm.s32 $0x2C0;
	s30 =	simm.s32 $0x0;
	[tilespmem:$0x4540] =	vst v63  }
0x48: {  	[tilespmem:s18], [sflag:$0x3] =	stream.indirect.gather [hbm4b:s4+s12], $0x80, s17, s12, $0xb8;
	[tilespmem:$0x1F880] =	vst v63  }
.LBB2_2:
0x49: {  	s0 =	sand.u32 $0x1, s30  }
0x4a: {  	_ =	swait.ge [sflag:s19], $0x2800;
	p0 =	seq.s32 s0, $0x1;
	s0 =	simm.s32 $0x180  }
0x4b: {  	[sflag:s19] =	ssyncset.done $0x0;
	s0 =	simm.s32 @!p0 $0x0  }
0x4c: {  	[sflag:s19] =	ssyncadd.s32 $0xFFFFD800;
	s31 =	sor.u32 $0x4400, s0  }
0x4d: {  	[spmem:s1] =	stream.indirect.scatter.add.f32 [tilespmem:s14], [sflag:$0x4], $0x80, s31, s12, $0xb8;
	[tilespmem:$0x1F880] =	vst v63  }
0x4e: {  	_ =	swait.ge [sflag:s20], $0x2800  }
0x4f: {  	[sflag:s20] =	ssyncset.done $0x0  }
0x50: {  	s2 =	sadd.s32 $0x4480, s0;
	[sflag:s20] =	ssyncadd.s32 $0xFFFFD800  }
0x51: {  	[spmem:s1] =	stream.indirect.scatter.add.f32 [tilespmem:s16], [sflag:$0x5], $0x80, s2, s12, $0xb8;
	[tilespmem:$0x1F880] =	vst v63  }
0x52: {  	_ =	swait.ge [sflag:s21], $0x2800  }
0x53: {  	[sflag:s21] =	ssyncset.done $0x0  }
0x54: {  	s0 =	sadd.s32 $0x4500, s0;
	[sflag:s21] =	ssyncadd.s32 $0xFFFFD800  }
0x55: {  	[spmem:s1] =	stream.indirect.scatter.add.f32 [tilespmem:s18], [sflag:$0x6], $0x80, s0, s12, $0xb8;
	[tilespmem:$0x1F880] =	vst v63  }
0x56: {  	v0 =	vld [tilespmem:s29+$0xFFFFFEC0];
	_ =	sdelay $0x1  }
0x57: {  	s0 =	sadd.s32 $0x1, s30  }
0x58: {  	s2 =	sand.u32 $0x1, s0  }
0x59: {  	s31 =	simm.s32 $0x180;
	p0 =	seq.s32 s2, $0x1  }
0x5a: {  	s31 =	simm.s32 @!p0 $0x0;
	v1 =	vshrl.u32 v0, $0xE  }
0x5b: {  	v0 =	vand.u32 $0x3FFF, v0;
	[tilespmem:s31+$0x4000] =	vst v1  }
0x5c: {  	[tilespmem:s31+$0x4400] =	vst v0  }
0x5d: {  	v0 =	vld [tilespmem:s29+$0xFFFFFED0];
	_ =	sdelay $0x4  }
0x5e: {  	v54 =	vshrl.u32 v0, $0xE  }
0x5f: {  	v0 =	vand.u32 $0x3FFF, v0;
	[tilespmem:s31+$0x4010] =	vst v54  }
0x60: {  	[tilespmem:s31+$0x4410] =	vst v0  }
0x61: {  	v0 =	vld [tilespmem:s29+$0xFFFFFEE0];
	_ =	sdelay $0x4  }
0x62: {  	v55 =	vshrl.u32 v0, $0xE  }
0x63: {  	v0 =	vand.u32 $0x3FFF, v0;
	[tilespmem:s31+$0x4020] =	vst v55  }
0x64: {  	[tilespmem:s31+$0x4420] =	vst v0  }
0x65: {  	v0 =	vld [tilespmem:s29+$0xFFFFFEF0];
	_ =	sdelay $0x4  }
0x66: {  	v56 =	vshrl.u32 v0, $0xE  }
0x67: {  	v0 =	vand.u32 $0x3FFF, v0;
	[tilespmem:s31+$0x4030] =	vst v56  }
0x68: {  	[tilespmem:s31+$0x4430] =	vst v0  }
0x69: {  	v0 =	vld [tilespmem:s29+$0xFFFFFF00];
	_ =	sdelay $0x4  }
0x6a: {  	v57 =	vshrl.u32 v0, $0xE  }
0x6b: {  	v0 =	vand.u32 $0x3FFF, v0;
	[tilespmem:s31+$0x4040] =	vst v57  }
0x6c: {  	[tilespmem:s31+$0x4440] =	vst v0  }
0x6d: {  	_ =	swait.ge [sflag:s22], $0x2800  }
0x6e: {  	[sflag:s22] =	ssyncset.done $0x0  }
0x6f: {  	s2 =	sor.u32 $0x4000, s31;
	[sflag:s22] =	ssyncadd.s32 $0xFFFFD800  }
0x70: {  	[tilespmem:s14], [sflag:$0x1] =	stream.indirect.gather [hbm4b:s4+s12], $0x80, s2, s12, $0xb8;
	[tilespmem:$0x1F880] =	vst v63  }
0x71: {  	v58 =	vld [tilespmem:s29+$0xFFFFFF40];
	_ =	sdelay $0x4  }
0x72: {  	v59 =	vshrl.u32 v58, $0xE  }
0x73: {  	v0 =	vand.u32 $0x3FFF, v58;
	[tilespmem:s31+$0x4080] =	vst v59  }
0x74: {  	[tilespmem:s31+$0x4480] =	vst v0  }
0x75: {  	v0 =	vld [tilespmem:s29+$0xFFFFFF50];
	_ =	sdelay $0x4  }
0x76: {  	v60 =	vshrl.u32 v0, $0xE  }
0x77: {  	v0 =	vand.u32 $0x3FFF, v0;
	[tilespmem:s31+$0x4090] =	vst v60  }
0x78: {  	[tilespmem:s31+$0x4490] =	vst v0  }
0x79: {  	v0 =	vld [tilespmem:s29+$0xFFFFFF60];
	_ =	sdelay $0x4  }
0x7a: {  	v61 =	vshrl.u32 v0, $0xE  }
0x7b: {  	v0 =	vand.u32 $0x3FFF, v0;
	[tilespmem:s31+$0x40A0] =	vst v61  }
0x7c: {  	[tilespmem:s31+$0x44A0] =	vst v0  }
0x7d: {  	v0 =	vld [tilespmem:s29+$0xFFFFFF70];
	_ =	sdelay $0x4  }
0x7e: {  	v62 =	vshrl.u32 v0, $0xE  }
0x7f: {  	v0 =	vand.u32 $0x3FFF, v0;
	[tilespmem:s31+$0x40B0] =	vst v62  }
0x80: {  	[tilespmem:s31+$0x44B0] =	vst v0  }
0x81: {  	v0 =	vld [tilespmem:s29+$0xFFFFFF80];
	_ =	sdelay $0x4  }
0x82: {  	v63 =	vshrl.u32 v0, $0xE  }
0x83: {  	v0 =	vand.u32 $0x3FFF, v0;
	[tilespmem:s31+$0x40C0] =	vst v63  }
0x84: {  	[tilespmem:s31+$0x44C0] =	vst v0  }
0x85: {  	_ =	swait.ge [sflag:s23], $0x2800  }
0x86: {  	[sflag:s23] =	ssyncset.done $0x0  }
0x87: {  	p0 =	seq.s32 s30, $0x28;
	s2 =	sadd.s32 $0x4080, s31;
	[sflag:s23] =	ssyncadd.s32 $0xFFFFD800  }
0x88: {  	[tilespmem:s16], [sflag:$0x2] =	stream.indirect.gather [hbm4b:s4+s12], $0x80, s2, s12, $0xb8;
	[tilespmem:$0x1F880] =	vst v63  }
0x89: {  	v0 =	vld @!p0 [tilespmem:s29+$0xFFFFFFC0];
	_ =	sdelay $0x4  }
0x8a: {  	v1 =	vshrl.u32 @!p0 v0, $0xE  }
0x8b: {  	v0 =	vand.u32 @!p0 $0x3FFF, v0;
	[tilespmem:s31+$0x4100] =	vst @!p0 v1  }
0x8c: {  	[tilespmem:s31+$0x4500] =	vst @!p0 v0  }
0x8d: {  	v0 =	vld @!p0 [tilespmem:s29+$0xFFFFFFD0];
	_ =	sdelay $0x4  }
0x8e: {  	v1 =	vshrl.u32 @!p0 v0, $0xE  }
0x8f: {  	v0 =	vand.u32 @!p0 $0x3FFF, v0;
	[tilespmem:s31+$0x4110] =	vst @!p0 v1  }
0x90: {  	[tilespmem:s31+$0x4510] =	vst @!p0 v0  }
0x91: {  	v0 =	vld @!p0 [tilespmem:s29+$0xFFFFFFE0];
	_ =	sdelay $0x4  }
0x92: {  	v1 =	vshrl.u32 @!p0 v0, $0xE  }
0x93: {  	v0 =	vand.u32 @!p0 $0x3FFF, v0;
	[tilespmem:s31+$0x4120] =	vst @!p0 v1  }
0x94: {  	[tilespmem:s31+$0x4520] =	vst @!p0 v0  }
0x95: {  	v0 =	vld @!p0 [tilespmem:s29+$0xFFFFFFF0];
	_ =	sdelay $0x4  }
0x96: {  	v1 =	vshrl.u32 @!p0 v0, $0xE  }
0x97: {  	v0 =	vand.u32 @!p0 $0x3FFF, v0;
	[tilespmem:s31+$0x4130] =	vst @!p0 v1  }
0x98: {  	[tilespmem:s31+$0x4530] =	vst @!p0 v0  }
0x99: {  	v0 =	vld @!p0 [tilespmem:s29+$0x0];
	_ =	sdelay $0x4  }
0x9a: {  	v1 =	vshrl.u32 @!p0 v0, $0xE  }
0x9b: {  	p1 =	sne.s32 @!p0 s0, $0x29;
	v0 =	vand.u32 @!p0 $0x3FFF, v0;
	[tilespmem:s31+$0x4140] =	vst @!p0 v1  }
0x9c: {  	p1 =	por p0, !p1;
	s2 =	simm.s32 @!p0 $0x6;
	[tilespmem:s31+$0x4540] =	vst @!p0 v0  }
.Ltmp0:
0x9d: {  	_ =	swait.ge @!p0 [sflag:s2], $0x2800;
	(pc) =	sbr.rel @!p1 .LBB2_2-.Ltmp0, $4  }
0x9e: {  	s30 =	sadd.s32 @!p0 $0x4100, s31;
	[sflag:s2] =	ssyncset.done @!p0 $0x0  }
0x9f: {  	s31 =	simm.s32 @!p0 $0x9800;
	[sflag:s2] =	ssyncadd.s32 @!p0 $0xFFFFD800;
	s2 =	simm.s32 @!p0 $0x50  }
0xa0: {  	[tilespmem:s31], [sflag:$0x3] =	stream.indirect.gather @!p0 [hbm4b:s4+s2], $0x80, s30, s2, $0xb8;
	[tilespmem:$0x1F880] =	vst v63  }
0xa1: {  	s29 =	sadd.s32 @!p0 $0x180, s29;
	s30 =	smov.u32 s0  }
0xa2: {  	_ =	swait.ge [sflag:s19], $0x2800  }
0xa3: {  	[sflag:s19] =	ssyncset.done $0x0  }
0xa4: {  	[sflag:s19] =	ssyncadd.s32 $0xFFFFD800  }
0xa5: {  	[spmem:s1] =	stream.indirect.scatter.add.f32 [tilespmem:s14], [sflag:$0x4], $0x80, s24, s12, $0xb8;
	[tilespmem:$0x1F880] =	vst v63  }
0xa6: {  	_ =	swait.ge [sflag:s20], $0x2800  }
0xa7: {  	[sflag:s20] =	ssyncset.done $0x0  }
0xa8: {  	[sflag:s20] =	ssyncadd.s32 $0xFFFFD800  }
0xa9: {  	[spmem:s1] =	stream.indirect.scatter.add.f32 [tilespmem:s16], [sflag:$0x5], $0x80, s25, s12, $0xb8;
	[tilespmem:$0x1F880] =	vst v63  }
0xaa: {  	_ =	swait.ge [sflag:s22], $0x2800  }
0xab: {  	[sflag:s22] =	ssyncset.done $0x0  }
0xac: {  	[sflag:s22] =	ssyncadd.s32 $0xFFFFD800  }
0xad: {  	_ =	swait.ge [sflag:s23], $0x2800  }
0xae: {  	[sflag:s23] =	ssyncset.done $0x0  }
0xaf: {  	[sflag:s23] =	ssyncadd.s32 $0xFFFFD800  }
0xb0: {  	_ =	swait.ge [sflag:s26], $0x2800  }
0xb1: {  	s28 =	sadd.s32 $0x1, s28;
	[sflag:s26] =	ssyncset.done $0x0  }
0xb2: {  	p0 =	sne.s32 s28, s9;
	[sflag:s26] =	ssyncadd.s32 $0xFFFFD800  }
.Ltmp1:
0xb3: {  	[bflag:$0x0] =	sbarrier.arrive $0xFFFF;
	(pc) =	sbr.rel @p0 .LBB2_1-.Ltmp1, $4  }
0xb4: {  	[hbm:s8], [sflag:s6] =	dma.local [spmem:s10], $0x2800  }
0xb5: {  	_ =	swait.ge [sflag:s11], $0x2800  }
0xb6: {  	[sflag:s11] =	ssyncset.done $0x0  }
0xb7: {  	[sflag:s11] =	ssyncadd.s32 $0xFFFFD800  }
0xb8: {  	_ =	sfence.sel $0x180000  }
0xb9: {  	[bflag:$0x0] =	sbarrier.arrive $0xFFFF  }
0xba: {  	_ =	strace $0x9000004A  }
0xbb: {  	s0 =	stileid.u32;
	[bflag:$0x2] =	sbarrier.arrive $0xFFFF  }
0xbc: {  	p0 =	sne.s32 s0, $0x0;
	s0 =	rddreg [dreg:$0x3]  }
0xbd: {  	s0 =	sadd.s32 @!p0 $0x100000, s0  }
0xbe: {  	[sflag:s0] =	ssyncadd.tile.s32 @!p0 $0x1;
	_ =	shalt  }
.Lfunc_end2:
_tile_overlayer_lowered:
.L_overlay_start_2:
0xbf: {  	(tag) =	ssettag $0x2  }
0xc0: {  	s0 =	rddreg [dreg:$0x0];
	s2 =	stileid.u32  }
0xc1: {  	s1 =	rddreg [dreg:$0x1];
	p0 =	sne.s32 s2, $0x0  }
0xc2: {  	s3 =	rddreg [dreg:$0x2];
	[bflag:$0x3] =	sbarrier.arrive $0xFFFF;
	s2 =	simm.s32 @!p0 $0x1C07  }
0xc3: {  	[timem:s3], [sflag:s2] =	dma.local @!p0 [hbm:s0], s1  }
0xc4: {  	s0 =	simm.s32 @!p0 $0x7  }
0xc5: {  	_ =	swait.ge @!p0 [sflag:s0], s1  }
0xc6: {  	s1 =	ssub.s32 @!p0 $0x0, s1;
	[sflag:s0] =	ssyncset.done @!p0 $0x0  }
0xc7: {  	[sflag:s0] =	ssyncadd.s32 @!p0 s1  }
0xc8: {  	[bflag:$0x3] =	sbarrier.arrive $0xFFFF  }
0xc9: {  	_ =	shalt  }

// kernel: kernel.7.cloned.1.call-start
scs
__scs_entry_jumppad:
0x0: {  	(pc) =	sbr.rel $0x88, $3  }
0x1: {  	(tag) =	ssettag $0x0;
	lr =	simm.s32 $0x1  }
0x2: {  	[smem:$0x3F98] =	sst lr;
	_ =	strace $0xD0000000  }
0x3: {  	_ = 	snop  }
0x4: {  	_ = 	snop  }
0x5: {  	_ = 	snop  }
0x6: {  	_ = 	snop  }
0x7: {  	_ = 	snop  }
__scs_overlays_trampoline_lowered:
0x8: {  	[smem:$0x3FA7] =	sst s0  }
0x9: {  	[smem:$0x3FA8] =	sst s1  }
0xa: {  	[smem:$0x3FA9] =	sst s2  }
0xb: {  	[smem:$0x3FAA] =	sst s3  }
0xc: {  	[smem:$0x3FAB] =	sst s4  }
0xd: {  	[smem:$0x3FAC] =	sst s5  }
0xe: {  	[smem:$0x3FAD] =	sst s6  }
0xf: {  	[smem:$0x3FAE] =	sst s7  }
0x10: {  	[smem:$0x3FAF] =	sst s8  }
0x11: {  	[smem:$0x3FB0] =	sst s9;
	s0 =	simm.s32 @!p0 $0x0  }
0x12: {  	s1 =	sld [smem:$0x3F96];
	s0 =	simm.s32 @p0 $0x1  }
0x13: {  	[smem:$0x3FB1] =	sst s0;
	s0 =	simm.s32 @!p1 $0x0  }
0x14: {  	s2 =	sld [smem:$0x3F95];
	s0 =	simm.s32 @p1 $0x1  }
0x15: {  	[smem:$0x3FB2] =	sst s0;
	s0 =	simm.s32 @!p2 $0x0  }
0x16: {  	s3 =	sld [smem:$0x3FDB];
	s0 =	simm.s32 @p2 $0x1  }
0x17: {  	s4 =	simm.s32 $0x1BF5;
	[smem:$0x3FB4] =	sst s0  }
0x18: {  	s0 =	sld [smem:$0x3F97];
	_ =	swait.ge [sflag:s4], $0x0  }
0x19: {  	s7 =	sld [smem:$0x3F98]  }
0x1a: {  	s8 =	sadd.s32 $0xFFFFE003, lr  }
0x1b: {  	s9 =	sadd.s32 $0xFFFFFEF7, lr;
	s5 =	simm.s32 $0xFFFFFFFF;
	p2 =	slt.u32 s8, $0xFFFFF086  }
0x1c: {  	p1 =	slt.u32 s9, $0xF7A;
	s5 =	simm.s32 @!p2 $0x0  }
0x1d: {  	s5 =	simm.s32 @p1 $0x1;
	p0 =	seq.s32 s7, s2  }
0x1e: {  	s7 =	smul.u32 @!p0 $0xF7A, s2;
	p2 =	seq.s32 @!p0 s5, $0x0  }
0x1f: {  	s9 =	smul.u32 $0xF7A, s1;
	s8 =	simm.s32 @!p0 $0x1BF5;
	p2 =	por !p2, p0  }
0x20: {  	[sflag:s8] =	ssyncset.s32 @!p0 $0xFFFFF086;
	s6 =	sadd.s32 @!p0 s3, s7;
	s7 =	simm.s32 @!p0 $0x108  }
0x21: {  	s3 =	sadd.s32 s3, s9;
	s6 =	sadd.s32 @!p0 $0x88, s6;
	s7 =	simm.s32 @p2 $0x1082  }
0x22: {  	[simem:s7], [sflag:s8] =	dma.local @!p0 [hbm:s6], $0xF7A  }
0x23: {  	s9 =	sor.u32 $0xD0000000, s2;
	s6 =	simm.s32 $0x108;
	_ =	swait.ge @!p0 [sflag:s8], $0x0  }
0x24: {  	s3 =	sadd.s32 $0x88, s3;
	s6 =	simm.s32 @!p1 $0x1082;
	[sflag:s4] =	ssyncset.s32 $0xFFFFF086  }
0x25: {  	[simem:s6], [sflag:s4] =	dma.local [hbm:s3], $0xF7A  }
0x26: {  	[smem:$0x3F98] =	sst s1;
	(tag) =	ssettag s2;
	_ =	strace s9  }
0x27: {  	s1 =	sld [smem:$0x3FA8]  }
0x28: {  	s2 =	sld [smem:$0x3FA9]  }
0x29: {  	s4 =	sld [smem:$0x3FAB]  }
0x2a: {  	p0 =	seq.s32 s5, $0x0;
	s5 =	sld [smem:$0x3FAC]  }
0x2b: {  	s6 =	sld [smem:$0x3FAD]  }
0x2c: {  	s7 =	sld [smem:$0x3FAE]  }
0x2d: {  	s3 =	simm.s32 $0x108;
	s8 =	sld [smem:$0x3FAF]  }
0x2e: {  	s3 =	simm.s32 @!p0 $0x1082;
	s9 =	sld [smem:$0x3FB0]  }
0x2f: {  	lr =	sadd.s32 s0, s3;
	s0 =	sld [smem:$0x3FA7]  }
0x30: {  	s3 =	sld [smem:$0x3FAA]  }
0x31: {  	[smem:$0x3FB3] =	sst s10  }
0x32: {  	s10 =	sld [smem:$0x3FB1];
	_ =	sdelay $0x3  }
0x33: {  	p0 =	seq.s32 s10, $0x1;
	s10 =	sld [smem:$0x3FB3];
	_ =	sdelay $0x3  }
0x34: {  	[smem:$0x3FB3] =	sst s10  }
0x35: {  	s10 =	sld [smem:$0x3FB2];
	_ =	sdelay $0x3  }
0x36: {  	p1 =	seq.s32 s10, $0x1;
	s10 =	sld [smem:$0x3FB3];
	_ =	sdelay $0x3  }
0x37: {  	[smem:$0x3FB3] =	sst s10  }
0x38: {  	s10 =	sld [smem:$0x3FB4]  }
0x39: {  	_ = 	snop;
	(pc) =	sbr.ind lr, $3  }
0x3a: {  	_ = 	snop  }
0x3b: {  	_ = 	snop  }
0x3c: {  	p2 =	seq.s32 s10, $0x1;
	s10 =	sld [smem:$0x3FB3]  }
0x3d: {  	_ =	shalt  }
0x3e: {  	_ =	shalt  }
0x3f: {  	_ =	shalt  }
0x40: {  	_ =	shalt  }
0x41: {  	_ =	shalt  }
0x42: {  	_ =	shalt  }
0x43: {  	_ =	shalt  }
0x44: {  	_ =	shalt  }
0x45: {  	_ =	shalt  }
0x46: {  	_ =	shalt  }
0x47: {  	_ =	shalt  }
0x48: {  	_ =	shalt  }
0x49: {  	_ =	shalt  }
0x4a: {  	_ =	shalt  }
0x4b: {  	_ =	shalt  }
0x4c: {  	_ =	shalt  }
0x4d: {  	_ =	shalt  }
0x4e: {  	_ =	shalt  }
0x4f: {  	_ =	shalt  }
0x50: {  	_ =	shalt  }
0x51: {  	_ =	shalt  }
0x52: {  	_ =	shalt  }
0x53: {  	_ =	shalt  }
0x54: {  	_ =	shalt  }
0x55: {  	_ =	shalt  }
0x56: {  	_ =	shalt  }
0x57: {  	_ =	shalt  }
0x58: {  	_ =	shalt  }
0x59: {  	_ =	shalt  }
0x5a: {  	_ =	shalt  }
0x5b: {  	_ =	shalt  }
0x5c: {  	_ =	shalt  }
0x5d: {  	_ =	shalt  }
0x5e: {  	_ =	shalt  }
0x5f: {  	_ =	shalt  }
0x60: {  	_ =	shalt  }
0x61: {  	_ =	shalt  }
0x62: {  	_ =	shalt  }
0x63: {  	_ =	shalt  }
0x64: {  	_ =	shalt  }
0x65: {  	_ =	shalt  }
0x66: {  	_ =	shalt  }
0x67: {  	_ =	shalt  }
0x68: {  	_ =	shalt  }
0x69: {  	_ =	shalt  }
0x6a: {  	_ =	shalt  }
0x6b: {  	_ =	shalt  }
0x6c: {  	_ =	shalt  }
0x6d: {  	_ =	shalt  }
0x6e: {  	_ =	shalt  }
0x6f: {  	_ =	shalt  }
0x70: {  	_ =	shalt  }
0x71: {  	_ =	shalt  }
0x72: {  	_ =	shalt  }
0x73: {  	_ =	shalt  }
0x74: {  	_ =	shalt  }
0x75: {  	_ =	shalt  }
0x76: {  	_ =	shalt  }
0x77: {  	_ =	shalt  }
0x78: {  	_ =	shalt  }
0x79: {  	_ =	shalt  }
0x7a: {  	_ =	shalt  }
0x7b: {  	_ =	shalt  }
0x7c: {  	_ =	shalt  }
0x7d: {  	_ =	shalt  }
0x7e: {  	_ =	shalt  }
0x7f: {  	_ =	shalt  }
0x80: {  	_ =	shalt  }
0x81: {  	_ =	shalt  }
0x82: {  	_ =	shalt  }
0x83: {  	_ =	shalt  }
0x84: {  	_ =	shalt  }
0x85: {  	_ =	shalt  }
0x86: {  	_ =	shalt  }
0x87: {  	_ =	shalt  }
.Lfunc_end0:
.L_simem_size_0:
called_computation_lowered:
.L_overlay_start_0:
0x88: {  	s2 =	sld [smem:$0x3FD9]  }
0x89: {  	s3 =	sld [smem:$0x3FFE];
	_ =	sdelay $0x1  }
0x8a: {  	s1 =	srdreg.scid  }
0x8b: {  	s0 =	sand.u32 $0x1, s1  }
0x8c: {  	s17 =	sshll.u32 s0, $0xA;
	s2 =	sadd.s32 s3, s2  }
0x8d: {  	s2 =	sadd.s32 s2, s17  }
0x8e: {  	[smem:$0x3FBF] =	sst s2  }
0x8f: {  	_ = 	snop  }
0x90: {  	s2 =	sld [smem:$0x3FD0];
	(tm) =	ssettm $0x1  }
0x91: {  	s18 =	sld [smem:$0x3FFB];
	_ =	sdelay $0x3  }
0x92: {  	_ =	strace s18  }
0x93: {  	s3 =	sld [smem:$0x3FFC];
	_ =	sdelay $0x3  }
0x94: {  	_ =	strace s3  }
0x95: {  	s3 =	sld [smem:$0x3FFD];
	_ =	sdelay $0x3  }
0x96: {  	_ =	strace s3  }
0x97: {  	_ =	strace $0x8FFFFFFF  }
0x98: {  	s19 =	sld [smem:$0x3FDB];
	_ =	sdelay $0x1  }
0x99: {  	s4 =	simm.s32 $_scs_section_size  }
0x9a: {  	s5 =	simm.s32 $_size__tile_overlayer_lowered;
	s6 =	simm.s32 $_tile_overlayer_lowered  }
0x9b: {  	s22 =	simm.s32 $0x1BFF;
	s21 =	sshll.u32 s6, $0x1;
	s3 =	sadd.s32 s4, s19  }
0x9c: {  	s7 =	simm.s32 $0x0;
	s20 =	sshll.u32 s5, $0x1;
	s5 =	sadd.s32 s21, s3  }
0x9d: {  	[timem:s7], [sflag:s22] =	dma.local [hbm:s5], s20  }
0x9e: {  	_ =	swait.ge [sflag:s22], s20  }
0x9f: {  	s4 =	ssub.s32 $0x0, s20;
	[sflag:s22] =	ssyncset.done $0x0  }
0xa0: {  	[sflag:s22] =	ssyncadd.s32 s4;
	_ =	sdelay $0x1  }
0xa1: {  	s23 =	simm.s32 $0x1B8B  }
0xa2: {  	_ =	swait.ge [sflag:s23], $0x1  }
0xa3: {  	[sflag:s23] =	ssyncset.done $0x0  }
0xa4: {  	s25 =	simm.s32 $0x1B8E;
	s24 =	sld [smem:$0x3FFE];
	[sflag:s23] =	ssyncadd.s32 $0xFFFFFFFF  }
0xa5: {  	s26 =	simm.s32 $execute0_lowered;
	[smem:$0x3FD2] =	sst s25  }
0xa6: {  	s5 =	sshll.u32 s26, $0x1;
	_ =	strace $0x80000046;
	[dreg:$0x1] =	wrdreg $0xFFFFFFFF  }
0xa7: {  	s28 =	simm.s32 $_size_execute0_lowered;
	s3 =	sadd.s32 s3, s5;
	[dreg:$0x0] =	wrdreg $0x0  }
0xa8: {  	s5 =	sshll.u32 s28, $0x1;
	[dreg:$0x2] =	wrdreg s3  }
0xa9: {  	[dreg:$0x3] =	wrdreg s5  }
0xaa: {  	[dreg:$0x4] =	wrdreg $0xC0  }
0xab: {  	_ =	task [dreg:s7], $0x5FFFF  }
0xac: {  	[dreg:$0x1] =	wrdreg $0xFFFFFFFF  }
0xad: {  	[dreg:$0x0] =	wrdreg $0x60  }
0xae: {  	[dreg:$0x2] =	wrdreg s24  }
0xaf: {  	[dreg:$0x3] =	wrdreg s2  }
0xb0: {  	[dreg:$0x4] =	wrdreg $0xC0000  }
0xb1: {  	[dreg:$0x5] =	wrdreg $0x9  }
0xb2: {  	_ =	task.clear_ibuf [dreg:s7], $0x6FFFF;
	_ =	strace $0x90000046  }
0xb3: {  	s29 =	simm.s32 $0x9;
	_ =	strace $0x80000048  }
0xb4: {  	_ =	swait.ge [sflag:s29], $0x1  }
0xb5: {  	[sflag:s29] =	ssyncadd.s32 $0xFFFFFFFF  }
0xb6: {  	_ =	strace $0x90000048  }
0xb7: {  	_ =	sfence  }
0xb8: {  	s30 =	sld [smem:$0x0];
	_ =	sdelay $0x2  }
0xb9: {  	s31 =	sshll.u32 s1, $0xD;
	s1 =	sshrl.u32 s1, $0x2  }
0xba: {  	s3 =	sand.u32 $0x4000, s31;
	s1 =	sadd.s32 s1, s30  }
0xbb: {  	s0 =	sor.u32 s3, s0;
	s1 =	sshll.u32 s1, $0x11  }
0xbc: {  	s0 =	sor.u32 s1, s0  }
0xbd: {  	s0 =	sadd.s32 $0x8F2B, s0  }
0xbe: {  	[sflag:s0] =	ssyncadd.remote.s32 $0x1  }
0xbf: {  	_ =	sfence.sel $0xFFFF  }
0xc0: {  	[dreg:$0x0] =	wrdreg $0xFFFFFFFF;
	(pc) =	sbr.abs _section_cstart, $3  }
0xc1: {  	[dreg:$0x1] =	wrdreg $0xFFFFFFFF  }
0xc2: {  	_ =	task.clear_ibuf [dreg:s7], $0x2FFFF;
	_ =	strace $0x9FFFFFFF  }
0xc3: {  	(tm) =	ssettm $0x7FFFFFFF  }
tec
execute0_lowered:
.L_overlay_start_1:
0x0: {  	(tag) =	ssettag $0x1  }
0x1: {  	s0 =	rddreg [dreg:$0x0]  }
0x2: {  	s7 =	rddreg [dreg:$0x1]  }
0x3: {  	s1 =	rddreg [dreg:$0x2]  }
0x4: {  	s2 =	srdreg.scid;
	s3 =	simm.s32 $0x0;
	s25 =	stileid.u32  }
0x5: {  	s12 =	simm.s32 $0x50;
	s13 =	simm.s32 $0x4000;
	s14 =	simm.s32 $0x4800  }
0x6: {  	s15 =	simm.s32 $0x4080;
	s16 =	simm.s32 $0x7000;
	s17 =	simm.s32 $0x4100  }
0x7: {  	s18 =	simm.s32 $0x9800;
	s19 =	simm.s32 $0x1;
	s20 =	simm.s32 $0x2  }
0x8: {  	s21 =	simm.s32 $0x3;
	s22 =	simm.s32 $0x4;
	s23 =	simm.s32 $0x5  }
0x9: {  	s24 =	simm.s32 $0x4580;
	s6 =	sand.u32 $0x1, s2;
	s8 =	smul.u32 $0x13800, s25  }
0xa: {  	[smem:$0x7FF] =	sst s3;
	s4 =	sadd.s32 $0x1800, s0;
	s10 =	smul.u32 $0x4E000, s25  }
0xb: {  	s29 =	sshll.u32 s25, $0x6;
	s31 =	sshll.u32 s25, $0xC;
	s25 =	simm.s32 $0x4600  }
0xc: {  	s28 =	simm.s32 $0x0;
	s5 =	smul.u32 $0x138800, s6;
	_ =	strace $0x80000047  }
0xd: {  	s9 =	ssub.s32 $0x2, s6;
	s30 =	sshll.u32 s6, $0xB;
	s6 =	sor.u32 $0x1C07, s29  }
0xe: {  	s11 =	sshrl.u32 s9, $0x1;
	s26 =	sshrl.u32 s10, $0x2;
	s7 =	sadd.s32 s7, s30  }
0xf: {  	s8 =	sadd.s32 s8, s5;
	s5 =	sadd.s32 $0x1AF400, s0;
	s9 =	ssub.s32 s9, s11  }
0x10: {  	s10 =	sadd.s32 s26, s1;
	s7 =	sadd.s32 s31, s7;
	s8 =	sshrl.u32 s8, $0x3  }
0x11: {  	s11 =	simm.s32 $0x7;
	s26 =	simm.s32 $0x6;
	s0 =	sadd.s32 s8, s0  }
0x12: {  	s9 =	smax.u32 s9, $0x1;
	s10 =	sshrl.u32 s10, $0x3;
	s8 =	sadd.s32 $0x1B1C00, s0  }
.LBB2_1:
0x13: {  	[spmem:s10], [sflag:s6] =	dma.local [hbm:s5], $0x2800  }
0x14: {  	_ =	swait.ge [sflag:s11], $0x2800  }
0x15: {  	[sflag:s11] =	ssyncset.done $0x0  }
0x16: {  	[sflag:s11] =	ssyncadd.s32 $0xFFFFD800  }
0x17: {  	[tilespmem:s3], [sflag:$0x7] =	stream.linear.gather [hbm4b:s7+s3], $0x3E80, $0x38;
	[tilespmem:$0x1F880] =	vst v63  }
0x18: {  	_ =	swait.ge [sflag:s11], $0x3E80  }
0x19: {  	[sflag:s11] =	ssyncset.done $0x0  }
0x1a: {  	[sflag:s11] =	ssyncadd.s32 $0xFFFFC180  }
0x1b: {  	[bflag:$0x0] =	sbarrier.arrive $0xFFFF  }
0x1c: {  	v0 =	vld [tilespmem:$0x0];
	_ =	sdelay $0x1  }
0x1d: {  	v1 =	vld [tilespmem:$0x10];
	_ =	sdelay $0x1  }
0x1e: {  	v2 =	vld [tilespmem:$0x20]  }
0x1f: {  	v3 =	vshrl.u32 v0, $0xE  }
0x20: {  	v26 =	vld [tilespmem:$0x30];
	v0 =	vand.u32 $0x3FFF, v0;
	[tilespmem:$0x4000] =	vst v3  }
0x21: {  	v27 =	vshrl.u32 v1, $0xE;
	[tilespmem:$0x4400] =	vst v0  }
0x22: {  	v29 =	vld [tilespmem:$0x40];
	v28 =	vand.u32 $0x3FFF, v1;
	[tilespmem:$0x4010] =	vst v27  }
0x23: {  	v30 =	vshrl.u32 v2, $0xE;
	[tilespmem:$0x4410] =	vst v28  }
0x24: {  	v31 =	vand.u32 $0x3FFF, v2;
	[tilespmem:$0x4020] =	vst v30  }
0x25: {  	v32 =	vshrl.u32 v26, $0xE;
	[tilespmem:$0x4420] =	vst v31  }
0x26: {  	v33 =	vand.u32 $0x3FFF, v26;
	[tilespmem:$0x4030] =	vst v32  }
0x27: {  	v34 =	vshrl.u32 v29, $0xE;
	[tilespmem:$0x4430] =	vst v33  }
0x28: {  	v35 =	vand.u32 $0x3FFF, v29;
	[tilespmem:$0x4040] =	vst v34  }
0x29: {  	[tilespmem:$0x4440] =	vst v35  }
0x2a: {  	[tilespmem:s14], [sflag:$0x1] =	stream.indirect.gather [hbm4b:s4+s12], $0x80, s13, s12, $0xb8;
	[tilespmem:$0x1F880] =	vst v63  }
0x2b: {  	v36 =	vld [tilespmem:$0x80];
	_ =	sdelay $0x1  }
0x2c: {  	v37 =	vld [tilespmem:$0x90];
	_ =	sdelay $0x1  }
0x2d: {  	v38 =	vld [tilespmem:$0xA0]  }
0x2e: {  	v39 =	vshrl.u32 v36, $0xE  }
0x2f: {  	v40 =	vld [tilespmem:$0xB0];
	v0 =	vand.u32 $0x3FFF, v36;
	[tilespmem:$0x4080] =	vst v39  }
0x30: {  	v41 =	vshrl.u32 v37, $0xE;
	[tilespmem:$0x4480] =	vst v0  }
0x31: {  	v43 =	vld [tilespmem:$0xC0];
	v42 =	vand.u32 $0x3FFF, v37;
	[tilespmem:$0x4090] =	vst v41  }
0x32: {  	v44 =	vshrl.u32 v38, $0xE;
	[tilespmem:$0x4490] =	vst v42  }
0x33: {  	v45 =	vand.u32 $0x3FFF, v38;
	[tilespmem:$0x40A0] =	vst v44  }
0x34: {  	v46 =	vshrl.u32 v40, $0xE;
	[tilespmem:$0x44A0] =	vst v45  }
0x35: {  	v47 =	vand.u32 $0x3FFF, v40;
	[tilespmem:$0x40B0] =	vst v46  }
0x36: {  	v48 =	vshrl.u32 v43, $0xE;
	[tilespmem:$0x44B0] =	vst v47  }
0x37: {  	v49 =	vand.u32 $0x3FFF, v43;
	[tilespmem:$0x40C0] =	vst v48  }
0x38: {  	[tilespmem:$0x44C0] =	vst v49  }
0x39: {  	[tilespmem:s16], [sflag:$0x2] =	stream.indirect.gather [hbm4b:s4+s12], $0x80, s15, s12, $0xb8;
	[tilespmem:$0x1F880] =	vst v63  }
0x3a: {  	v50 =	vld [tilespmem:$0x100];
	_ =	sdelay $0x1  }
0x3b: {  	v51 =	vld [tilespmem:$0x110];
	_ =	sdelay $0x1  }
0x3c: {  	v52 =	vld [tilespmem:$0x120]  }
0x3d: {  	v53 =	vshrl.u32 v50, $0xE  }
0x3e: {  	v54 =	vld [tilespmem:$0x130];
	v0 =	vand.u32 $0x3FFF, v50;
	[tilespmem:$0x4100] =	vst v53  }
0x3f: {  	v55 =	vshrl.u32 v51, $0xE;
	[tilespmem:$0x4500] =	vst v0  }
0x40: {  	v57 =	vld [tilespmem:$0x140];
	v56 =	vand.u32 $0x3FFF, v51;
	[tilespmem:$0x4110] =	vst v55  }
0x41: {  	v58 =	vshrl.u32 v52, $0xE;
	[tilespmem:$0x4510] =	vst v56  }
0x42: {  	v59 =	vand.u32 $0x3FFF, v52;
	[tilespmem:$0x4120] =	vst v58  }
0x43: {  	v60 =	vshrl.u32 v54, $0xE;
	[tilespmem:$0x4520] =	vst v59  }
0x44: {  	v61 =	vand.u32 $0x3FFF, v54;
	[tilespmem:$0x4130] =	vst v60  }
0x45: {  	v62 =	vshrl.u32 v57, $0xE;
	[tilespmem:$0x4530] =	vst v61  }
0x46: {  	v63 =	vand.u32 $0x3FFF, v57;
	[tilespmem:$0x4140] =	vst v62  }
0x47: {  	s29 =	simm.s32 $0x2C0;
	s30 =	simm.s32 $0x0;
	[tilespmem:$0x4540] =	vst v63  }
0x48: {  	[tilespmem:s18], [sflag:$0x3] =	stream.indirect.gather [hbm4b:s4+s12], $0x80, s17, s12, $0xb8;
	[tilespmem:$0x1F880] =	vst v63  }
.LBB2_2:
0x49: {  	s0 =	sand.u32 $0x1, s30  }
0x4a: {  	_ =	swait.ge [sflag:s19], $0x2800;
	p0 =	seq.s32 s0, $0x1;
	s0 =	simm.s32 $0x180  }
0x4b: {  	[sflag:s19] =	ssyncset.done $0x0;
	s0 =	simm.s32 @!p0 $0x0  }
0x4c: {  	[sflag:s19] =	ssyncadd.s32 $0xFFFFD800;
	s31 =	sor.u32 $0x4400, s0  }
0x4d: {  	[spmem:s1] =	stream.indirect.scatter.add.f32 [tilespmem:s14], [sflag:$0x4], $0x80, s31, s12, $0xb8;
	[tilespmem:$0x1F880] =	vst v63  }
0x4e: {  	_ =	swait.ge [sflag:s20], $0x2800  }
0x4f: {  	[sflag:s20] =	ssyncset.done $0x0  }
0x50: {  	s2 =	sadd.s32 $0x4480, s0;
	[sflag:s20] =	ssyncadd.s32 $0xFFFFD800  }
0x51: {  	[spmem:s1] =	stream.indirect.scatter.add.f32 [tilespmem:s16], [sflag:$0x5], $0x80, s2, s12, $0xb8;
	[tilespmem:$0x1F880] =	vst v63  }
0x52: {  	_ =	swait.ge [sflag:s21], $0x2800  }
0x53: {  	[sflag:s21] =	ssyncset.done $0x0  }
0x54: {  	s0 =	sadd.s32 $0x4500, s0;
	[sflag:s21] =	ssyncadd.s32 $0xFFFFD800  }
0x55: {  	[spmem:s1] =	stream.indirect.scatter.add.f32 [tilespmem:s18], [sflag:$0x6], $0x80, s0, s12, $0xb8;
	[tilespmem:$0x1F880] =	vst v63  }
0x56: {  	v0 =	vld [tilespmem:s29+$0xFFFFFEC0];
	_ =	sdelay $0x1  }
0x57: {  	s0 =	sadd.s32 $0x1, s30  }
0x58: {  	s2 =	sand.u32 $0x1, s0  }
0x59: {  	s31 =	simm.s32 $0x180;
	p0 =	seq.s32 s2, $0x1  }
0x5a: {  	s31 =	simm.s32 @!p0 $0x0;
	v1 =	vshrl.u32 v0, $0xE  }
0x5b: {  	v0 =	vand.u32 $0x3FFF, v0;
	[tilespmem:s31+$0x4000] =	vst v1  }
0x5c: {  	[tilespmem:s31+$0x4400] =	vst v0  }
0x5d: {  	v0 =	vld [tilespmem:s29+$0xFFFFFED0];
	_ =	sdelay $0x4  }
0x5e: {  	v54 =	vshrl.u32 v0, $0xE  }
0x5f: {  	v0 =	vand.u32 $0x3FFF, v0;
	[tilespmem:s31+$0x4010] =	vst v54  }
0x60: {  	[tilespmem:s31+$0x4410] =	vst v0  }
0x61: {  	v0 =	vld [tilespmem:s29+$0xFFFFFEE0];
	_ =	sdelay $0x4  }
0x62: {  	v55 =	vshrl.u32 v0, $0xE  }
0x63: {  	v0 =	vand.u32 $0x3FFF, v0;
	[tilespmem:s31+$0x4020] =	vst v55  }
0x64: {  	[tilespmem:s31+$0x4420] =	vst v0  }
0x65: {  	v0 =	vld [tilespmem:s29+$0xFFFFFEF0];
	_ =	sdelay $0x4  }
0x66: {  	v56 =	vshrl.u32 v0, $0xE  }
0x67: {  	v0 =	vand.u32 $0x3FFF, v0;
	[tilespmem:s31+$0x4030] =	vst v56  }
0x68: {  	[tilespmem:s31+$0x4430] =	vst v0  }
0x69: {  	v0 =	vld [tilespmem:s29+$0xFFFFFF00];
	_ =	sdelay $0x4  }
0x6a: {  	v57 =	vshrl.u32 v0, $0xE  }
0x6b: {  	v0 =	vand.u32 $0x3FFF, v0;
	[tilespmem:s31+$0x4040] =	vst v57  }
0x6c: {  	[tilespmem:s31+$0x4440] =	vst v0  }
0x6d: {  	_ =	swait.ge [sflag:s22], $0x2800  }
0x6e: {  	[sflag:s22] =	ssyncset.done $0x0  }
0x6f: {  	s2 =	sor.u32 $0x4000, s31;
	[sflag:s22] =	ssyncadd.s32 $0xFFFFD800  }
0x70: {  	[tilespmem:s14], [sflag:$0x1] =	stream.indirect.gather [hbm4b:s4+s12], $0x80, s2, s12, $0xb8;
	[tilespmem:$0x1F880] =	vst v63  }
0x71: {  	v58 =	vld [tilespmem:s29+$0xFFFFFF40];
	_ =	sdelay $0x4  }
0x72: {  	v59 =	vshrl.u32 v58, $0xE  }
0x73: {  	v0 =	vand.u32 $0x3FFF, v58;
	[tilespmem:s31+$0x4080] =	vst v59  }
0x74: {  	[tilespmem:s31+$0x4480] =	vst v0  }
0x75: {  	v0 =	vld [tilespmem:s29+$0xFFFFFF50];
	_ =	sdelay $0x4  }
0x76: {  	v60 =	vshrl.u32 v0, $0xE  }
0x77: {  	v0 =	vand.u32 $0x3FFF, v0;
	[tilespmem:s31+$0x4090] =	vst v60  }
0x78: {  	[tilespmem:s31+$0x4490] =	vst v0  }
0x79: {  	v0 =	vld [tilespmem:s29+$0xFFFFFF60];
	_ =	sdelay $0x4  }
0x7a: {  	v61 =	vshrl.u32 v0, $0xE  }
0x7b: {  	v0 =	vand.u32 $0x3FFF, v0;
	[tilespmem:s31+$0x40A0] =	vst v61  }
0x7c: {  	[tilespmem:s31+$0x44A0] =	vst v0  }
0x7d: {  	v0 =	vld [tilespmem:s29+$0xFFFFFF70];
	_ =	sdelay $0x4  }
0x7e: {  	v62 =	vshrl.u32 v0, $0xE  }
0x7f: {  	v0 =	vand.u32 $0x3FFF, v0;
	[tilespmem:s31+$0x40B0] =	vst v62  }
0x80: {  	[tilespmem:s31+$0x44B0] =	vst v0  }
0x81: {  	v0 =	vld [tilespmem:s29+$0xFFFFFF80];
	_ =	sdelay $0x4  }
0x82: {  	v63 =	vshrl.u32 v0, $0xE  }
0x83: {  	v0 =	vand.u32 $0x3FFF, v0;
	[tilespmem:s31+$0x40C0] =	vst v63  }
0x84: {  	[tilespmem:s31+$0x44C0] =	vst v0  }
0x85: {  	_ =	swait.ge [sflag:s23], $0x2800  }
0x86: {  	[sflag:s23] =	ssyncset.done $0x0  }
0x87: {  	p0 =	seq.s32 s30, $0x28;
	s2 =	sadd.s32 $0x4080, s31;
	[sflag:s23] =	ssyncadd.s32 $0xFFFFD800  }
0x88: {  	[tilespmem:s16], [sflag:$0x2] =	stream.indirect.gather [hbm4b:s4+s12], $0x80, s2, s12, $0xb8;
	[tilespmem:$0x1F880] =	vst v63  }
0x89: {  	v0 =	vld @!p0 [tilespmem:s29+$0xFFFFFFC0];
	_ =	sdelay $0x4  }
0x8a: {  	v1 =	vshrl.u32 @!p0 v0, $0xE  }
0x8b: {  	v0 =	vand.u32 @!p0 $0x3FFF, v0;
	[tilespmem:s31+$0x4100] =	vst @!p0 v1  }
0x8c: {  	[tilespmem:s31+$0x4500] =	vst @!p0 v0  }
0x8d: {  	v0 =	vld @!p0 [tilespmem:s29+$0xFFFFFFD0];
	_ =	sdelay $0x4  }
0x8e: {  	v1 =	vshrl.u32 @!p0 v0, $0xE  }
0x8f: {  	v0 =	vand.u32 @!p0 $0x3FFF, v0;
	[tilespmem:s31+$0x4110] =	vst @!p0 v1  }
0x90: {  	[tilespmem:s31+$0x4510] =	vst @!p0 v0  }
0x91: {  	v0 =	vld @!p0 [tilespmem:s29+$0xFFFFFFE0];
	_ =	sdelay $0x4  }
0x92: {  	v1 =	vshrl.u32 @!p0 v0, $0xE  }
0x93: {  	v0 =	vand.u32 @!p0 $0x3FFF, v0;
	[tilespmem:s31+$0x4120] =	vst @!p0 v1  }
0x94: {  	[tilespmem:s31+$0x4520] =	vst @!p0 v0  }
0x95: {  	v0 =	vld @!p0 [tilespmem:s29+$0xFFFFFFF0];
	_ =	sdelay $0x4  }
0x96: {  	v1 =	vshrl.u32 @!p0 v0, $0xE  }
0x97: {  	v0 =	vand.u32 @!p0 $0x3FFF, v0;
	[tilespmem:s31+$0x4130] =	vst @!p0 v1  }
0x98: {  	[tilespmem:s31+$0x4530] =	vst @!p0 v0  }
0x99: {  	v0 =	vld @!p0 [tilespmem:s29+$0x0];
	_ =	sdelay $0x4  }
0x9a: {  	v1 =	vshrl.u32 @!p0 v0, $0xE  }
0x9b: {  	p1 =	sne.s32 @!p0 s0, $0x29;
	v0 =	vand.u32 @!p0 $0x3FFF, v0;
	[tilespmem:s31+$0x4140] =	vst @!p0 v1  }
0x9c: {  	p1 =	por p0, !p1;
	s2 =	simm.s32 @!p0 $0x6;
	[tilespmem:s31+$0x4540] =	vst @!p0 v0  }
.Ltmp0:
0x9d: {  	_ =	swait.ge @!p0 [sflag:s2], $0x2800;
	(pc) =	sbr.rel @!p1 .LBB2_2-.Ltmp0, $4  }
0x9e: {  	s30 =	sadd.s32 @!p0 $0x4100, s31;
	[sflag:s2] =	ssyncset.done @!p0 $0x0  }
0x9f: {  	s31 =	simm.s32 @!p0 $0x9800;
	[sflag:s2] =	ssyncadd.s32 @!p0 $0xFFFFD800;
	s2 =	simm.s32 @!p0 $0x50  }
0xa0: {  	[tilespmem:s31], [sflag:$0x3] =	stream.indirect.gather @!p0 [hbm4b:s4+s2], $0x80, s30, s2, $0xb8;
	[tilespmem:$0x1F880] =	vst v63  }
0xa1: {  	s29 =	sadd.s32 @!p0 $0x180, s29;
	s30 =	smov.u32 s0  }
0xa2: {  	_ =	swait.ge [sflag:s19], $0x2800  }
0xa3: {  	[sflag:s19] =	ssyncset.done $0x0  }
0xa4: {  	[sflag:s19] =	ssyncadd.s32 $0xFFFFD800  }
0xa5: {  	[spmem:s1] =	stream.indirect.scatter.add.f32 [tilespmem:s14], [sflag:$0x4], $0x80, s24, s12, $0xb8;
	[tilespmem:$0x1F880] =	vst v63  }
0xa6: {  	_ =	swait.ge [sflag:s20], $0x2800  }
0xa7: {  	[sflag:s20] =	ssyncset.done $0x0  }
0xa8: {  	[sflag:s20] =	ssyncadd.s32 $0xFFFFD800  }
0xa9: {  	[spmem:s1] =	stream.indirect.scatter.add.f32 [tilespmem:s16], [sflag:$0x5], $0x80, s25, s12, $0xb8;
	[tilespmem:$0x1F880] =	vst v63  }
0xaa: {  	_ =	swait.ge [sflag:s22], $0x2800  }
0xab: {  	[sflag:s22] =	ssyncset.done $0x0  }
0xac: {  	[sflag:s22] =	ssyncadd.s32 $0xFFFFD800  }
0xad: {  	_ =	swait.ge [sflag:s23], $0x2800  }
0xae: {  	[sflag:s23] =	ssyncset.done $0x0  }
0xaf: {  	[sflag:s23] =	ssyncadd.s32 $0xFFFFD800  }
0xb0: {  	_ =	swait.ge [sflag:s26], $0x2800  }
0xb1: {  	s28 =	sadd.s32 $0x1, s28;
	[sflag:s26] =	ssyncset.done $0x0  }
0xb2: {  	p0 =	sne.s32 s28, s9;
	[sflag:s26] =	ssyncadd.s32 $0xFFFFD800  }
.Ltmp1:
0xb3: {  	[bflag:$0x0] =	sbarrier.arrive $0xFFFF;
	(pc) =	sbr.rel @p0 .LBB2_1-.Ltmp1, $4  }
0xb4: {  	[hbm:s8], [sflag:s6] =	dma.local [spmem:s10], $0x2800  }
0xb5: {  	_ =	swait.ge [sflag:s11], $0x2800  }
0xb6: {  	[sflag:s11] =	ssyncset.done $0x0  }
0xb7: {  	[sflag:s11] =	ssyncadd.s32 $0xFFFFD800  }
0xb8: {  	_ =	sfence.sel $0x180000  }
0xb9: {  	[bflag:$0x0] =	sbarrier.arrive $0xFFFF  }
0xba: {  	_ =	strace $0x90000047  }
0xbb: {  	s0 =	stileid.u32;
	[bflag:$0x2] =	sbarrier.arrive $0xFFFF  }
0xbc: {  	p0 =	sne.s32 s0, $0x0;
	s0 =	rddreg [dreg:$0x3]  }
0xbd: {  	s0 =	sadd.s32 @!p0 $0x100000, s0  }
0xbe: {  	[sflag:s0] =	ssyncadd.tile.s32 @!p0 $0x1;
	_ =	shalt  }
.Lfunc_end2:
_tile_overlayer_lowered:
.L_overlay_start_2:
0xbf: {  	(tag) =	ssettag $0x2  }
0xc0: {  	s0 =	rddreg [dreg:$0x0];
	s2 =	stileid.u32  }
0xc1: {  	s1 =	rddreg [dreg:$0x1];
	p0 =	sne.s32 s2, $0x0  }
0xc2: {  	s3 =	rddreg [dreg:$0x2];
	[bflag:$0x3] =	sbarrier.arrive $0xFFFF;
	s2 =	simm.s32 @!p0 $0x1C07  }
0xc3: {  	[timem:s3], [sflag:s2] =	dma.local @!p0 [hbm:s0], s1  }
0xc4: {  	s0 =	simm.s32 @!p0 $0x7  }
0xc5: {  	_ =	swait.ge @!p0 [sflag:s0], s1  }
0xc6: {  	s1 =	ssub.s32 @!p0 $0x0, s1;
	[sflag:s0] =	ssyncset.done @!p0 $0x0  }
0xc7: {  	[sflag:s0] =	ssyncadd.s32 @!p0 s1  }
0xc8: {  	[bflag:$0x3] =	sbarrier.arrive $0xFFFF  }
0xc9: {  	_ =	shalt  }

</sc_bundles>
